<compile_context>
chip_gen: v7x
topology: tpu7x:2x2x1
jax: 0.10.2.dev20260603
libtpu: 0.0.44.dev20260713+nightly
codegen_flags: <defaults>
</compile_context>

<pallas_src>
import functools

import jax
import jax.numpy as jnp
import numpy as np
from jax import lax
from jax.experimental import pallas as pl
from jax.experimental.pallas import tpu as pltpu
from jax.experimental.pallas import tpu_sc as plsc

N_GATES = 4

def _knn_scan_body(nb, blk, x_ref, keys_ref, vals_ref,
                   best_ref, newk_ref, newv_ref, mind_s, besti_s):
    i = pl.program_id(0)
    b = x_ref.shape[0]
    x = x_ref[...]
    keys = keys_ref[...]

    s = lax.dot_general(keys, x, (((1,), (1,)), ((), ())),
                        preferred_element_type=jnp.float32)
    kn2 = 0.5 * lax.dot_general(
        keys * keys, jnp.ones((keys.shape[1],), jnp.float32),
        (((1,), (0,)), ((), ())),
        preferred_element_type=jnp.float32)
    e = kn2[:, None] - s
    nchunk = blk // 8
    e3 = e.reshape(nchunk, 8, b)
    cmin = e3[0]
    carg = jnp.zeros((8, b), jnp.int32)
    for j in range(1, nchunk):
        ch = e3[j]
        m = ch < cmin
        cmin = jnp.minimum(cmin, ch)
        carg = jnp.where(m, j, carg)
    subl = lax.broadcasted_iota(jnp.int32, (8, b), 0)
    row = carg * 8 + subl + i * blk

    @pl.when(i == 0)
    def _():
        mind_s[...] = cmin
        besti_s[...] = row

    @pl.when(i > 0)
    def _():
        prev_d = mind_s[...]
        take = cmin < prev_d
        mind_s[...] = jnp.where(take, cmin, prev_d)
        besti_s[...] = jnp.where(take, row, besti_s[...])

    newk_ref[...] = keys
    newv_ref[...] = vals_ref[...]

    @pl.when(i == nb - 1)
    def _():
        fd = mind_s[...]
        fi = besti_s[...]
        gmin = jnp.min(fd, axis=0)
        big = jnp.int32(0x7FFFFFFF)
        cand = jnp.where(fd == gmin[None, :], fi, big)
        best_ref[...] = jnp.min(cand, axis=0)


def _pick_blk(n):
    for cand in (2000, 2500, 1600, 1000, 800, 500, 250, 200, 100):
        if n % cand == 0:
            return cand
    return n


def _knn_scan(x2, mem_keys, mem_vals):
    b, d = x2.shape
    dict_len = mem_keys.shape[0]
    blk = _pick_blk(dict_len)
    nb = dict_len // blk
    return pl.pallas_call(
        functools.partial(_knn_scan_body, nb, blk),
        grid=(nb,),
        in_specs=[
            pl.BlockSpec((b, d), lambda i: (0, 0)),
            pl.BlockSpec((blk, d), lambda i: (i, 0)),
            pl.BlockSpec((blk, d), lambda i: (i, 0)),
        ],
        out_specs=[
            pl.BlockSpec((b,), lambda i: (0,)),
            pl.BlockSpec((blk, d), lambda i: (i, 0)),
            pl.BlockSpec((blk, d), lambda i: (i, 0)),
        ],
        out_shape=[
            jax.ShapeDtypeStruct((b,), jnp.int32),
            jax.ShapeDtypeStruct(mem_keys.shape, mem_keys.dtype),
            jax.ShapeDtypeStruct(mem_vals.shape, mem_vals.dtype),
        ],
        scratch_shapes=[
            pltpu.VMEM((8, b), jnp.float32),
            pltpu.VMEM((8, b), jnp.int32),
        ],
        compiler_params=pltpu.CompilerParams(
            dimension_semantics=("arbitrary",),
        ),
    )(x2, mem_keys, mem_vals)


_NC, _NS = 2, 16
_NW = _NC * _NS


def _sc_gather(mem_vals, best):
    b = best.shape[0]
    d = mem_vals.shape[1]
    assert b % (8 * _NW) == 0 and d % 16 == 0
    b_per_w = b // _NW
    mesh = plsc.VectorSubcoreMesh(core_axis_name="c", subcore_axis_name="s")

    @functools.partial(
        pl.kernel, mesh=mesh,
        out_type=jax.ShapeDtypeStruct((b, d), jnp.float32),
        scratch_types=[
            pltpu.VMEM((b_per_w,), jnp.int32),
            pltpu.VMEM((b_per_w, d), jnp.float32),
            pltpu.SemaphoreType.DMA,
        ],
    )
    def gather_k(vals_hbm, idx_hbm, out_hbm, idx_v, rows_v, sem):
        wid = lax.axis_index("s") * _NC + lax.axis_index("c")
        base = wid * b_per_w
        pltpu.sync_copy(idx_hbm.at[pl.ds(base, b_per_w)], idx_v)
        pltpu.async_copy(vals_hbm.at[idx_v], rows_v, sem).wait()
        pltpu.sync_copy(rows_v, out_hbm.at[pl.ds(base, b_per_w)])

    return gather_k(mem_vals, best)


def _finish_body(b,
                 x_ref, h_ref, c_ref, wi_ref, wh_ref, bsum_ref, mraw_ref,
                 wa_ref, ba_ref, wc_ref, bc_ref, g_ref, newk_in, newv_in,
                 a_ref, logp_ref, v_ref, ht_ref, ct_ref, f_ref, i_ref,
                 o_ref, r_ref, mt_ref, newk_out, newv_out, sem_k, sem_v):
    hd = h_ref.shape[1]
    x = x_ref[...]
    h = h_ref[...]
    c = c_ref[...]
    preact = (lax.dot_general(x, wi_ref[...], (((1,), (1,)), ((), ())),
                              preferred_element_type=jnp.float32)
              + lax.dot_general(h, wh_ref[...], (((1,), (1,)), ((), ())),
                                preferred_element_type=jnp.float32)
              + bsum_ref[...])
    gates = jax.nn.sigmoid(preact[:, :N_GATES * hd])
    f_t = gates[:, :hd]
    i_t = gates[:, hd:2 * hd]
    o_t = gates[:, 2 * hd:3 * hd]
    r_t = gates[:, 3 * hd:4 * hd]
    c_new = jnp.tanh(preact[:, N_GATES * hd:])
    m_t = jnp.tanh(mraw_ref[...])
    c_t = f_t * c + i_t * c_new + r_t * m_t
    h_t = o_t * jnp.tanh(c_t)

    logits = lax.dot_general(h_t, wa_ref[...], (((1,), (1,)), ((), ())),
                             preferred_element_type=jnp.float32) + ba_ref[...]
    zmax = jnp.max(logits, axis=1, keepdims=True)
    e = jnp.exp(logits - zmax)
    pi = e / jnp.sum(e, axis=1, keepdims=True)
    logpi = jnp.log(pi + 1e-20)
    z = logpi + g_ref[...]
    a = jnp.argmax(z, axis=1).astype(jnp.int32)
    lane = lax.broadcasted_iota(jnp.int32, z.shape, 1)
    logp = jnp.sum(jnp.where(lane == a[:, None], logpi, 0.0), axis=1)

    v = jnp.sum(h_t * wc_ref[...], axis=1, keepdims=True) + bc_ref[...]

    a_ref[...] = a
    logp_ref[...] = logp
    v_ref[...] = v
    ht_ref[...] = h_t.reshape(1, b, hd)
    ct_ref[...] = c_t.reshape(1, b, hd)
    f_ref[...] = f_t
    i_ref[...] = i_t
    o_ref[...] = o_t
    r_ref[...] = r_t
    mt_ref[...] = m_t

    ck = pltpu.make_async_copy(x_ref, newk_out.at[pl.ds(0, b)], sem_k)
    cv = pltpu.make_async_copy(ct_ref.at[0], newv_out.at[pl.ds(0, b)], sem_v)
    ck.start()
    cv.start()
    ck.wait()
    cv.wait()


def _finish(x2, h2, c2, wi, wh, bsum, m_raw, wa, ba, wc, bc, g,
            new_keys, new_vals):
    b, hd = h2.shape
    any_spec = pl.BlockSpec(memory_space=pl.ANY)
    return pl.pallas_call(
        functools.partial(_finish_body, b),
        in_specs=[pl.BlockSpec(memory_space=pltpu.VMEM)] * 12
                 + [any_spec, any_spec],
        out_specs=[pl.BlockSpec(memory_space=pltpu.VMEM)] * 10
                  + [any_spec, any_spec],
        out_shape=[
            jax.ShapeDtypeStruct((b,), jnp.int32),
            jax.ShapeDtypeStruct((b,), jnp.float32),
            jax.ShapeDtypeStruct((b, 1), jnp.float32),
            jax.ShapeDtypeStruct((1, b, hd), jnp.float32),
            jax.ShapeDtypeStruct((1, b, hd), jnp.float32),
            jax.ShapeDtypeStruct((b, hd), jnp.float32),
            jax.ShapeDtypeStruct((b, hd), jnp.float32),
            jax.ShapeDtypeStruct((b, hd), jnp.float32),
            jax.ShapeDtypeStruct((b, hd), jnp.float32),
            jax.ShapeDtypeStruct((b, hd), jnp.float32),
            jax.ShapeDtypeStruct(new_keys.shape, new_keys.dtype),
            jax.ShapeDtypeStruct(new_vals.shape, new_vals.dtype),
        ],
        scratch_shapes=[pltpu.SemaphoreType.DMA, pltpu.SemaphoreType.DMA],
        input_output_aliases={12: 10, 13: 11},
    )(x2, h2, c2, wi, wh, bsum, m_raw, wa, ba, wc, bc, g,
      new_keys, new_vals)


def _rotl32(x, n):
    return (x << np.uint32(n)) | (x >> np.uint32(32 - n))


def _threefry2x32(k0, k1, x0, x1):
    x0 = x0.astype(np.uint32).copy()
    x1 = x1.astype(np.uint32).copy()
    ks = [np.uint32(k0), np.uint32(k1),
          np.uint32(np.uint32(k0) ^ np.uint32(k1) ^ np.uint32(0x1BD11BDA))]
    rots = [[13, 15, 26, 6], [17, 29, 16, 24]]
    x0 += ks[0]
    x1 += ks[1]
    for d in range(5):
        for r in rots[d % 2]:
            x0 += x1
            x1 = _rotl32(x1, r)
            x1 ^= x0
        x0 += ks[(d + 1) % 3]
        x1 += ks[(d + 2) % 3] + np.uint32(d + 1)
    return x0, x1


@functools.lru_cache(maxsize=None)
def _gumbel_np(b, od):
    seed = 42
    n = b * od
    lo = np.arange(n, dtype=np.uint32)
    hi = np.zeros(n, dtype=np.uint32)
    o0, o1 = _threefry2x32(np.uint32(seed >> 32), np.uint32(seed & 0xFFFFFFFF),
                           hi, lo)
    bits = o0 ^ o1
    f = ((bits >> np.uint32(9)) | np.uint32(0x3F800000)).view(np.float32)
    u = np.maximum(np.float32(0.0), f - np.float32(1.0)).reshape(b, od)
    u64 = u.astype(np.float64)
    return (-np.log(-np.log(u64 + 1e-12) + 1e-12)).astype(np.float32)


def kernel(x_t, h, c, W_i2h, b_i2h, W_h2h, b_h2h, W_actor, b_actor,
           W_critic, b_critic, mem_keys, mem_vals):
    b = x_t.shape[1]
    x2 = x_t.reshape(b, -1)
    h2 = h.reshape(b, -1)
    c2 = c.reshape(b, -1)

    best, new_keys, new_vals = _knn_scan(x2, mem_keys, mem_vals)
    m_raw = _sc_gather(mem_vals, best)

    bsum = (b_i2h + b_h2h).reshape(1, -1)
    ba = b_actor.reshape(1, -1)
    wc = W_critic.reshape(1, -1)
    bc = b_critic.reshape(1, 1)
    od = W_actor.shape[0]
    g = jnp.asarray(_gumbel_np(b, od))

    (a_t, log_prob, v_t, h_out, c_out, f_t, i_t, o_t, r_t, m_t,
     new_keys, new_vals) = _finish(x2, h2, c2, W_i2h, W_h2h, bsum, m_raw,
                                   W_actor, ba, wc, bc, g, new_keys,
                                   new_vals)
    return (a_t, log_prob, v_t, h_out, c_out, f_t, i_t, o_t, r_t, m_t,
            new_keys, new_vals)

# --- scband reference (transcript-rebuilt; emitter-appended) ---
"""Pipeline reference for scband-dndlstm-27015344291895 (READ-ONLY COPY).

The authoritative reference and input builder live on the scoring server;
editing this copy changes nothing except your own understanding.
"""

import jax, jax.numpy as jnp
import numpy as np

N_GATES = 4
INPUT_DIM = 128
HIDDEN_DIM = 128
OUTPUT_DIM = 64
DICT_LEN = 100000
BATCH = 1024


def setup_inputs(seed: int = 0):
    key = jax.random.key(seed)
    ks = jax.random.split(key, 10)
    inp = {}
    inp["x_t"] = jax.random.normal(ks[0], (1, BATCH, INPUT_DIM), dtype=jnp.float32)
    inp["h"] = jax.random.normal(ks[1], (1, BATCH, HIDDEN_DIM), dtype=jnp.float32) * 0.1
    inp["c"] = jax.random.normal(ks[2], (1, BATCH, HIDDEN_DIM), dtype=jnp.float32) * 0.1
    inp["W_i2h"] = jax.random.normal(ks[3], ((N_GATES + 1) * HIDDEN_DIM, INPUT_DIM), dtype=jnp.float32) * 0.05
    inp["b_i2h"] = jnp.zeros(((N_GATES + 1) * HIDDEN_DIM,), dtype=jnp.float32)
    inp["W_h2h"] = jax.random.normal(ks[4], ((N_GATES + 1) * HIDDEN_DIM, HIDDEN_DIM), dtype=jnp.float32) * 0.05
    inp["b_h2h"] = jnp.zeros(((N_GATES + 1) * HIDDEN_DIM,), dtype=jnp.float32)
    inp["W_actor"] = jax.random.normal(ks[5], (OUTPUT_DIM, HIDDEN_DIM), dtype=jnp.float32) * 0.05
    inp["b_actor"] = jnp.zeros((OUTPUT_DIM,), dtype=jnp.float32)
    inp["W_critic"] = jax.random.normal(ks[6], (1, HIDDEN_DIM), dtype=jnp.float32) * 0.05
    inp["b_critic"] = jnp.zeros((1,), dtype=jnp.float32)
    inp["mem_keys"] = jax.random.normal(ks[7], (DICT_LEN, INPUT_DIM), dtype=jnp.float32)
    inp["mem_vals"] = jax.random.normal(ks[8], (DICT_LEN, HIDDEN_DIM), dtype=jnp.float32) * 0.1
    return inp


def _dnd_get_memory(q, keys, vals):
    # kernel='l2': similarity = -pairwise_distance(q, keys, p=2); 1NN retrieval
    d2 = jnp.sum(q * q, axis=1, keepdims=True) - 2.0 * (q @ keys.T) + jnp.sum(keys * keys, axis=1)[None, :]
    sims = -jnp.sqrt(jnp.maximum(d2, 0.0) + 1e-12)
    best = jnp.argmax(sims, axis=1)
    return jnp.take(vals, best, axis=0)


def reference(x_t, h, c, W_i2h, b_i2h, W_h2h, b_h2h, W_actor, b_actor, W_critic, b_critic, mem_keys, mem_vals):
    hd = HIDDEN_DIM
    h2 = h.reshape(h.shape[1], -1)
    c2 = c.reshape(c.shape[1], -1)
    x2 = x_t.reshape(x_t.shape[1], -1)
    Wx = x2 @ W_i2h.T + b_i2h
    Wh = h2 @ W_h2h.T + b_h2h
    preact = Wx + Wh
    gates = jax.nn.sigmoid(preact[:, :N_GATES * hd])
    f_t = gates[:, :hd]
    i_t = gates[:, hd:2 * hd]
    o_t = gates[:, 2 * hd:3 * hd]
    r_t = gates[:, -hd:]
    c_t_new = jnp.tanh(preact[:, N_GATES * hd:])
    c_t = f_t * c2 + i_t * c_t_new
    # DND retrieval (queries detached as in torch, which uses query_key.data)
    m_t = jnp.tanh(_dnd_get_memory(jax.lax.stop_gradient(x2), mem_keys, mem_vals))
    c_t = c_t + r_t * m_t
    h_t = o_t * jnp.tanh(c_t)
    # DND save_memory: append (detached) keys/vals; modeled as FIFO overwrite of first B slots
    write_idx = jnp.arange(x2.shape[0])
    new_keys = mem_keys.at[write_idx].set(jax.lax.stop_gradient(x2))
    new_vals = mem_vals.at[write_idx].set(jax.lax.stop_gradient(c_t))
    # A2C linear head
    pi_a_t = jax.nn.softmax(h_t @ W_actor.T + b_actor, axis=-1)
    v_t = h_t @ W_critic.T + b_critic
    # pick_action: categorical sample (Gumbel-max with fixed key) + log_prob
    g = -jnp.log(-jnp.log(jax.random.uniform(jax.random.key(42), pi_a_t.shape) + 1e-12) + 1e-12)
    a_t = jnp.argmax(jnp.log(pi_a_t + 1e-20) + jax.lax.stop_gradient(g), axis=-1)
    log_prob_a_t = jnp.take_along_axis(jnp.log(pi_a_t + 1e-20), a_t[:, None], axis=1)[:, 0]
    h_out = h_t.reshape(1, h_t.shape[0], -1)
    c_out = c_t.reshape(1, c_t.shape[0], -1)
    return (a_t, log_prob_a_t, v_t, h_out, c_out, f_t, i_t, o_t, r_t, m_t, new_keys, new_vals)

if __name__ == "__main__":
    import jax
    _d = setup_inputs()
    print(jax.jit(kernel)(*tuple(_d.values())))

</pallas_src>

<mosaic_0001>
#map = affine_map<(d0, d1) -> (0, 0)>
#map1 = affine_map<(d0, d1) -> (0)>
module attributes {stable_mosaic.version = 14 : i64} {
  func.func @gather_k(%arg0: i32, %arg1: i32, %arg2: memref<100000x128xf32, #tpu.memory_space<hbm>>, %arg3: memref<1024xi32, #tpu.memory_space<hbm>>, %arg4: memref<1024x128xf32, #tpu.memory_space<hbm>>, %arg5: memref<32xi32, #tpu.memory_space<vmem>>, %arg6: memref<32x128xf32, #tpu.memory_space<vmem>>, %arg7: memref<!tpu.dma_semaphore, #tpu.memory_space<semaphore_mem>>) attributes {dimension_semantics = [#tpu.dimension_semantics<core_parallel>, #tpu.dimension_semantics<subcore_parallel>], iteration_bounds = array<i64: 2, 16>, scalar_prefetch = 0 : i64, scratch_operands = 3 : i64, tpu.core_type = #tpu.core_type<sc_vector_subcore>, window_params = [{transform_indices = #map}, {transform_indices = #map1}, {transform_indices = #map}]} {
    %mul3A = arith.constant 2 : i32
    %mul3A_0 = arith.muli %arg1, %mul3A : i32
    %add3A = arith.addi %mul3A_0, %arg0 : i32
    %mul3A_1 = arith.constant 32 : i32
    %mul3A_2 = arith.muli %add3A, %mul3A_1 : i32
    "tpu.region"() ({
      %run_scoped3A = tpu.sem_alloc : memref<!tpu.dma_semaphore, #tpu.memory_space<semaphore_mem>>
      %dma_start3A_7 = tpu.memref_slice %arg3[%mul3A_2] : memref<1024xi32, #tpu.memory_space<hbm>> -> memref<32xi32, #tpu.memory_space<hbm>>
      %dma_start3A_8 = tpu.memref_slice %arg3[%mul3A_2] : memref<1024xi32, #tpu.memory_space<hbm>> -> memref<32xi32, #tpu.memory_space<hbm>>
      tpu.enqueue_dma source(%dma_start3A_8 : memref<32xi32, #tpu.memory_space<hbm>>) target(%arg5 : memref<32xi32, #tpu.memory_space<vmem>>) target_semaphore(%run_scoped3A : memref<!tpu.dma_semaphore, #tpu.memory_space<semaphore_mem>>)
      %dma_wait3A_9 = tpu.memref_slice %arg3[%mul3A_2] : memref<1024xi32, #tpu.memory_space<hbm>> -> memref<32xi32, #tpu.memory_space<hbm>>
      %dma_wait3A_10 = tpu.memref_slice %arg3[%mul3A_2] : memref<1024xi32, #tpu.memory_space<hbm>> -> memref<32xi32, #tpu.memory_space<hbm>>
      tpu.wait_dma2 semaphore(%run_scoped3A : memref<!tpu.dma_semaphore, #tpu.memory_space<semaphore_mem>>) src(%dma_wait3A_10 : memref<32xi32, #tpu.memory_space<hbm>>) dst(%arg5 : memref<32xi32, #tpu.memory_space<vmem>>)
      tpu.yield
    }) : () -> ()
    %dma_start3A = arith.constant 0 : i32
    %dma_start3A_3 = arith.constant 0 : i32
    %dma_start3A_4 = tpu.memref_slice %arg2[%dma_start3A, %dma_start3A_3] : memref<100000x128xf32, #tpu.memory_space<hbm>> -> memref<100000x128xf32, #tpu.memory_space<hbm>>
    tpu.enqueue_indirect_dma source(%dma_start3A_4 : memref<100000x128xf32, #tpu.memory_space<hbm>>) target(%arg6 : memref<32x128xf32, #tpu.memory_space<vmem>>) offsets(%arg5 : memref<32xi32, #tpu.memory_space<vmem>>) semaphore(%arg7 : memref<!tpu.dma_semaphore, #tpu.memory_space<semaphore_mem>>)
    %dma_wait3A = arith.constant 0 : i32
    %dma_wait3A_5 = arith.constant 0 : i32
    %dma_wait3A_6 = tpu.memref_slice %arg2[%dma_wait3A, %dma_wait3A_5] : memref<100000x128xf32, #tpu.memory_space<hbm>> -> memref<100000x128xf32, #tpu.memory_space<hbm>>
    tpu.wait_indirect_dma semaphore(%arg7 : memref<!tpu.dma_semaphore, #tpu.memory_space<semaphore_mem>>) src(%dma_wait3A_6 : memref<100000x128xf32, #tpu.memory_space<hbm>>) dst(%arg6 : memref<32x128xf32, #tpu.memory_space<vmem>>)
    "tpu.region"() ({
      %run_scoped3A = tpu.sem_alloc : memref<!tpu.dma_semaphore, #tpu.memory_space<semaphore_mem>>
      %dma_start3A_7 = arith.constant 0 : i32
      %dma_start3A_8 = tpu.memref_slice %arg4[%mul3A_2, %dma_start3A_7] : memref<1024x128xf32, #tpu.memory_space<hbm>> -> memref<32x128xf32, #tpu.memory_space<hbm>>
      %dma_start3A_9 = arith.constant 0 : i32
      %dma_start3A_10 = tpu.memref_slice %arg4[%mul3A_2, %dma_start3A_9] : memref<1024x128xf32, #tpu.memory_space<hbm>> -> memref<32x128xf32, #tpu.memory_space<hbm>>
      tpu.enqueue_dma source(%arg6 : memref<32x128xf32, #tpu.memory_space<vmem>>) target(%dma_start3A_10 : memref<32x128xf32, #tpu.memory_space<hbm>>) target_semaphore(%run_scoped3A : memref<!tpu.dma_semaphore, #tpu.memory_space<semaphore_mem>>)
      %dma_wait3A_11 = arith.constant 0 : i32
      %dma_wait3A_12 = tpu.memref_slice %arg4[%mul3A_2, %dma_wait3A_11] : memref<1024x128xf32, #tpu.memory_space<hbm>> -> memref<32x128xf32, #tpu.memory_space<hbm>>
      %dma_wait3A_13 = arith.constant 0 : i32
      %dma_wait3A_14 = tpu.memref_slice %arg4[%mul3A_2, %dma_wait3A_13] : memref<1024x128xf32, #tpu.memory_space<hbm>> -> memref<32x128xf32, #tpu.memory_space<hbm>>
      tpu.wait_dma2 semaphore(%run_scoped3A : memref<!tpu.dma_semaphore, #tpu.memory_space<semaphore_mem>>) src(%arg6 : memref<32x128xf32, #tpu.memory_space<vmem>>) dst(%dma_wait3A_14 : memref<32x128xf32, #tpu.memory_space<hbm>>)
      tpu.yield
    }) : () -> ()
    return
  }
}

module attributes {stable_mosaic.version = 14 : i64} {
  func.func @_finish_body(%arg0: memref<1024x128xf32, #tpu.memory_space<vmem>>, %arg1: memref<1024x128xf32, #tpu.memory_space<vmem>>, %arg2: memref<1024x128xf32, #tpu.memory_space<vmem>>, %arg3: memref<640x128xf32, #tpu.memory_space<vmem>>, %arg4: memref<640x128xf32, #tpu.memory_space<vmem>>, %arg5: memref<1x640xf32, #tpu.memory_space<vmem>>, %arg6: memref<1024x128xf32, #tpu.memory_space<vmem>>, %arg7: memref<64x128xf32, #tpu.memory_space<vmem>>, %arg8: memref<1x64xf32, #tpu.memory_space<vmem>>, %arg9: memref<1x128xf32, #tpu.memory_space<vmem>>, %arg10: memref<1x1xf32, #tpu.memory_space<vmem>>, %arg11: memref<1024x64xf32, #tpu.memory_space<vmem>>, %arg12: memref<100000x128xf32, #tpu.memory_space<any>>, %arg13: memref<100000x128xf32, #tpu.memory_space<any>>, %arg14: memref<1024xi32, #tpu.memory_space<vmem>>, %arg15: memref<1024xf32, #tpu.memory_space<vmem>>, %arg16: memref<1024x1xf32, #tpu.memory_space<vmem>>, %arg17: memref<1x1024x128xf32, #tpu.memory_space<vmem>>, %arg18: memref<1x1024x128xf32, #tpu.memory_space<vmem>>, %arg19: memref<1024x128xf32, #tpu.memory_space<vmem>>, %arg20: memref<1024x128xf32, #tpu.memory_space<vmem>>, %arg21: memref<1024x128xf32, #tpu.memory_space<vmem>>, %arg22: memref<1024x128xf32, #tpu.memory_space<vmem>>, %arg23: memref<1024x128xf32, #tpu.memory_space<vmem>>, %arg24: memref<100000x128xf32, #tpu.memory_space<any>>, %arg25: memref<100000x128xf32, #tpu.memory_space<any>>, %arg26: memref<!tpu.dma_semaphore, #tpu.memory_space<semaphore_mem>>, %arg27: memref<!tpu.dma_semaphore, #tpu.memory_space<semaphore_mem>>) attributes {dimension_semantics = [], scalar_prefetch = 0 : i64, scratch_operands = 2 : i64, tpu.core_type = #tpu.core_type<tc>} {
    %get3A = arith.constant 0 : index
    %get3A_0 = arith.constant 0 : index
    %get3A_1 = vector.load %arg0[%get3A, %get3A_0] : memref<1024x128xf32, #tpu.memory_space<vmem>>, vector<1024x128xf32>
    %get3A_2 = arith.constant 0 : index
    %get3A_3 = arith.constant 0 : index
    %get3A_4 = vector.load %arg1[%get3A_2, %get3A_3] : memref<1024x128xf32, #tpu.memory_space<vmem>>, vector<1024x128xf32>
    %get3A_5 = arith.constant 0 : index
    %get3A_6 = arith.constant 0 : index
    %get3A_7 = vector.load %arg2[%get3A_5, %get3A_6] : memref<1024x128xf32, #tpu.memory_space<vmem>>, vector<1024x128xf32>
    %get3A_8 = arith.constant 0 : index
    %get3A_9 = arith.constant 0 : index
    %get3A_10 = vector.load %arg3[%get3A_8, %get3A_9] : memref<640x128xf32, #tpu.memory_space<vmem>>, vector<640x128xf32>
    %dot_general3A = arith.constant dense<0.000000e+00> : vector<1024x640xf32>
    %dot_general3A_11 = tpu.matmul %get3A_1, %get3A_10, %dot_general3A {dimension_numbers = #tpu.dot_dimension_numbers<[1], [1], [0], [0], [0, 0, 1, 0], [], []>, transpose_lhs_hint = false} : vector<1024x128xf32>, vector<640x128xf32>, vector<1024x640xf32> -> vector<1024x640xf32>
    %get3A_12 = arith.constant 0 : index
    %get3A_13 = arith.constant 0 : index
    %get3A_14 = vector.load %arg4[%get3A_12, %get3A_13] : memref<640x128xf32, #tpu.memory_space<vmem>>, vector<640x128xf32>
    %dot_general3A_15 = arith.constant dense<0.000000e+00> : vector<1024x640xf32>
    %dot_general3A_16 = tpu.matmul %get3A_4, %get3A_14, %dot_general3A_15 {dimension_numbers = #tpu.dot_dimension_numbers<[1], [1], [0], [0], [0, 0, 1, 0], [], []>, transpose_lhs_hint = false} : vector<1024x128xf32>, vector<640x128xf32>, vector<1024x640xf32> -> vector<1024x640xf32>
    %add3A = arith.addf %dot_general3A_11, %dot_general3A_16 : vector<1024x640xf32>
    %get3A_17 = arith.constant 0 : index
    %get3A_18 = arith.constant 0 : index
    %get3A_19 = vector.load %arg5[%get3A_17, %get3A_18] : memref<1x640xf32, #tpu.memory_space<vmem>>, vector<1x640xf32>
    %add3A_20 = vector.broadcast %get3A_19 : vector<1x640xf32> to vector<1024x640xf32>
    %add3A_21 = arith.addf %add3A, %add3A_20 : vector<1024x640xf32>
    %slice3A = vector.extract_strided_slice %add3A_21 {offsets = [0, 0], sizes = [1024, 512], strides = [1, 1]} : vector<1024x640xf32> to vector<1024x512xf32>
    %logistic3A = arith.negf %slice3A : vector<1024x512xf32>
    %logistic3A_22 = math.exp %logistic3A : vector<1024x512xf32>
    %logistic3A_23 = arith.constant 1.000000e+00 : f32
    %logistic3A_24 = vector.broadcast %logistic3A_23 : f32 to vector<1024x512xf32>
    %logistic3A_25 = arith.addf %logistic3A_24, %logistic3A_22 : vector<1024x512xf32>
    %logistic3A_26 = arith.divf %logistic3A_24, %logistic3A_25 : vector<1024x512xf32>
    %slice3A_27 = vector.extract_strided_slice %logistic3A_26 {offsets = [0, 0], sizes = [1024, 128], strides = [1, 1]} : vector<1024x512xf32> to vector<1024x128xf32>
    %slice3A_28 = vector.extract_strided_slice %logistic3A_26 {offsets = [0, 128], sizes = [1024, 128], strides = [1, 1]} : vector<1024x512xf32> to vector<1024x128xf32>
    %slice3A_29 = vector.extract_strided_slice %logistic3A_26 {offsets = [0, 256], sizes = [1024, 128], strides = [1, 1]} : vector<1024x512xf32> to vector<1024x128xf32>
    %slice3A_30 = vector.extract_strided_slice %logistic3A_26 {offsets = [0, 384], sizes = [1024, 128], strides = [1, 1]} : vector<1024x512xf32> to vector<1024x128xf32>
    %slice3A_31 = vector.extract_strided_slice %add3A_21 {offsets = [0, 512], sizes = [1024, 128], strides = [1, 1]} : vector<1024x640xf32> to vector<1024x128xf32>
    %tanh3A = math.tanh %slice3A_31 : vector<1024x128xf32>
    %get3A_32 = arith.constant 0 : index
    %get3A_33 = arith.constant 0 : index
    %get3A_34 = vector.load %arg6[%get3A_32, %get3A_33] : memref<1024x128xf32, #tpu.memory_space<vmem>>, vector<1024x128xf32>
    %tanh3A_35 = math.tanh %get3A_34 : vector<1024x128xf32>
    %mul3A = arith.mulf %slice3A_27, %get3A_7 : vector<1024x128xf32>
    %mul3A_36 = arith.mulf %slice3A_28, %tanh3A : vector<1024x128xf32>
    %add3A_37 = arith.addf %mul3A, %mul3A_36 : vector<1024x128xf32>
    %mul3A_38 = arith.mulf %slice3A_30, %tanh3A_35 : vector<1024x128xf32>
    %add3A_39 = arith.addf %add3A_37, %mul3A_38 : vector<1024x128xf32>
    %tanh3A_40 = math.tanh %add3A_39 : vector<1024x128xf32>
    %mul3A_41 = arith.mulf %slice3A_29, %tanh3A_40 : vector<1024x128xf32>
    %get3A_42 = arith.constant 0 : index
    %get3A_43 = arith.constant 0 : index
    %get3A_44 = vector.load %arg7[%get3A_42, %get3A_43] : memref<64x128xf32, #tpu.memory_space<vmem>>, vector<64x128xf32>
    %dot_general3A_45 = arith.constant dense<0.000000e+00> : vector<1024x64xf32>
    %dot_general3A_46 = tpu.matmul %mul3A_41, %get3A_44, %dot_general3A_45 {dimension_numbers = #tpu.dot_dimension_numbers<[1], [1], [0], [0], [0, 0, 1, 0], [], []>, transpose_lhs_hint = false} : vector<1024x128xf32>, vector<64x128xf32>, vector<1024x64xf32> -> vector<1024x64xf32>
    %get3A_47 = arith.constant 0 : index
    %get3A_48 = arith.constant 0 : index
    %get3A_49 = vector.load %arg8[%get3A_47, %get3A_48] : memref<1x64xf32, #tpu.memory_space<vmem>>, vector<1x64xf32>
    %add3A_50 = vector.broadcast %get3A_49 : vector<1x64xf32> to vector<1024x64xf32>
    %add3A_51 = arith.addf %dot_general3A_46, %add3A_50 : vector<1024x64xf32>
    %reduce_max3A = arith.constant dense<0xFF800000> : vector<1024xf32>
    %reduce_max3A_52 = vector.multi_reduction <maximumf>, %add3A_51, %reduce_max3A [1] : vector<1024x64xf32> to vector<1024xf32>
    %broadcast_in_dim3A = vector.shape_cast %reduce_max3A_52 : vector<1024xf32> to vector<1024x1xf32>
    %sub3A = vector.broadcast %broadcast_in_dim3A : vector<1024x1xf32> to vector<1024x64xf32>
    %sub3A_53 = arith.subf %add3A_51, %sub3A : vector<1024x64xf32>
    %exp3A = math.exp %sub3A_53 : vector<1024x64xf32>
    %reduce_sum3A = arith.constant dense<0.000000e+00> : vector<1024xf32>
    %reduce_sum3A_54 = vector.multi_reduction <add>, %exp3A, %reduce_sum3A [1] : vector<1024x64xf32> to vector<1024xf32>
    %broadcast_in_dim3A_55 = vector.shape_cast %reduce_sum3A_54 : vector<1024xf32> to vector<1024x1xf32>
    %div3A = vector.broadcast %broadcast_in_dim3A_55 : vector<1024x1xf32> to vector<1024x64xf32>
    %div3A_56 = arith.divf %exp3A, %div3A : vector<1024x64xf32>
    %add3A_57 = arith.constant 9.99999968E-21 : f32
    %add3A_58 = vector.broadcast %add3A_57 : f32 to vector<1024x64xf32>
    %add3A_59 = arith.addf %div3A_56, %add3A_58 : vector<1024x64xf32>
    %log3A = math.log %add3A_59 : vector<1024x64xf32>
    %get3A_60 = arith.constant 0 : index
    %get3A_61 = arith.constant 0 : index
    %get3A_62 = vector.load %arg11[%get3A_60, %get3A_61] : memref<1024x64xf32, #tpu.memory_space<vmem>>, vector<1024x64xf32>
    %add3A_63 = arith.addf %log3A, %get3A_62 : vector<1024x64xf32>
    %argmax3A = tpu.reduce_index %add3A_63 {axis = 1 : i32, kind = #tpu.reduction_kind<arg_max>} : vector<1024x64xf32> -> vector<1024xi32>
    %iota3A = tpu.iota {dimensions = array<i32: 1>} : vector<1024x64xi32>
    %broadcast_in_dim3A_64 = vector.shape_cast %argmax3A : vector<1024xi32> to vector<1024x1xi32>
    %eq3A = vector.broadcast %broadcast_in_dim3A_64 : vector<1024x1xi32> to vector<1024x64xi32>
    %eq3A_65 = arith.cmpi eq, %iota3A, %eq3A : vector<1024x64xi32>
    %jit3A = arith.constant 0.000000e+00 : f32
    %broadcast_in_dim3A_66 = vector.broadcast %jit3A : f32 to vector<1024x64xf32>
    %select_n3A = arith.select %eq3A_65, %log3A, %broadcast_in_dim3A_66 : vector<1024x64xi1>, vector<1024x64xf32>
    %reduce_sum3A_67 = arith.constant dense<0.000000e+00> : vector<1024xf32>
    %reduce_sum3A_68 = vector.multi_reduction <add>, %select_n3A, %reduce_sum3A_67 [1] : vector<1024x64xf32> to vector<1024xf32>
    %get3A_69 = arith.constant 0 : index
    %get3A_70 = arith.constant 0 : index
    %get3A_71 = vector.load %arg9[%get3A_69, %get3A_70] : memref<1x128xf32, #tpu.memory_space<vmem>>, vector<1x128xf32>
    %mul3A_72 = vector.broadcast %get3A_71 : vector<1x128xf32> to vector<1024x128xf32>
    %mul3A_73 = arith.mulf %mul3A_41, %mul3A_72 : vector<1024x128xf32>
    %reduce_sum3A_74 = arith.constant dense<0.000000e+00> : vector<1024xf32>
    %reduce_sum3A_75 = vector.multi_reduction <add>, %mul3A_73, %reduce_sum3A_74 [1] : vector<1024x128xf32> to vector<1024xf32>
    %broadcast_in_dim3A_76 = vector.shape_cast %reduce_sum3A_75 : vector<1024xf32> to vector<1024x1xf32>
    %get3A_77 = arith.constant 0 : index
    %get3A_78 = arith.constant 0 : index
    %get3A_79 = vector.load %arg10[%get3A_77, %get3A_78] : memref<1x1xf32, #tpu.memory_space<vmem>>, vector<1x1xf32>
    %add3A_80 = vector.broadcast %get3A_79 : vector<1x1xf32> to vector<1024x1xf32>
    %add3A_81 = arith.addf %broadcast_in_dim3A_76, %add3A_80 : vector<1024x1xf32>
    %swap3A = arith.constant 0 : index
    %swap3A_82 = vector.load %arg14[%swap3A] : memref<1024xi32, #tpu.memory_space<vmem>>, vector<1024xi32>
    tpu.vector_store %arg14[%swap3A], %argmax3A {strides = array<i32>} : memref<1024xi32, #tpu.memory_space<vmem>>, vector<1024xi32>,
    %swap3A_83 = arith.constant 0 : index
    %swap3A_84 = vector.load %arg15[%swap3A_83] : memref<1024xf32, #tpu.memory_space<vmem>>, vector<1024xf32>
    tpu.vector_store %arg15[%swap3A_83], %reduce_sum3A_68 {strides = array<i32>} : memref<1024xf32, #tpu.memory_space<vmem>>, vector<1024xf32>,
    %swap3A_85 = arith.constant 0 : index
    %swap3A_86 = arith.constant 0 : index
    %swap3A_87 = vector.load %arg16[%swap3A_85, %swap3A_86] : memref<1024x1xf32, #tpu.memory_space<vmem>>, vector<1024x1xf32>
    tpu.vector_store %arg16[%swap3A_85, %swap3A_86], %add3A_81 {strides = array<i32>} : memref<1024x1xf32, #tpu.memory_space<vmem>>, vector<1024x1xf32>,
    %reshape3A = vector.shape_cast %mul3A_41 : vector<1024x128xf32> to vector<1x1024x128xf32>
    %swap3A_88 = arith.constant 0 : index
    %swap3A_89 = arith.constant 0 : index
    %swap3A_90 = arith.constant 0 : index
    %swap3A_91 = vector.load %arg17[%swap3A_88, %swap3A_89, %swap3A_90] : memref<1x1024x128xf32, #tpu.memory_space<vmem>>, vector<1x1024x128xf32>
    tpu.vector_store %arg17[%swap3A_88, %swap3A_89, %swap3A_90], %reshape3A {strides = array<i32>} : memref<1x1024x128xf32, #tpu.memory_space<vmem>>, vector<1x1024x128xf32>,
    %reshape3A_92 = vector.shape_cast %add3A_39 : vector<1024x128xf32> to vector<1x1024x128xf32>
    %swap3A_93 = arith.constant 0 : index
    %swap3A_94 = arith.constant 0 : index
    %swap3A_95 = arith.constant 0 : index
    %swap3A_96 = vector.load %arg18[%swap3A_93, %swap3A_94, %swap3A_95] : memref<1x1024x128xf32, #tpu.memory_space<vmem>>, vector<1x1024x128xf32>
    tpu.vector_store %arg18[%swap3A_93, %swap3A_94, %swap3A_95], %reshape3A_92 {strides = array<i32>} : memref<1x1024x128xf32, #tpu.memory_space<vmem>>, vector<1x1024x128xf32>,
    %swap3A_97 = arith.constant 0 : index
    %swap3A_98 = arith.constant 0 : index
    %swap3A_99 = vector.load %arg19[%swap3A_97, %swap3A_98] : memref<1024x128xf32, #tpu.memory_space<vmem>>, vector<1024x128xf32>
    tpu.vector_store %arg19[%swap3A_97, %swap3A_98], %slice3A_27 {strides = array<i32>} : memref<1024x128xf32, #tpu.memory_space<vmem>>, vector<1024x128xf32>,
    %swap3A_100 = arith.constant 0 : index
    %swap3A_101 = arith.constant 0 : index
    %swap3A_102 = vector.load %arg20[%swap3A_100, %swap3A_101] : memref<1024x128xf32, #tpu.memory_space<vmem>>, vector<1024x128xf32>
    tpu.vector_store %arg20[%swap3A_100, %swap3A_101], %slice3A_28 {strides = array<i32>} : memref<1024x128xf32, #tpu.memory_space<vmem>>, vector<1024x128xf32>,
    %swap3A_103 = arith.constant 0 : index
    %swap3A_104 = arith.constant 0 : index
    %swap3A_105 = vector.load %arg21[%swap3A_103, %swap3A_104] : memref<1024x128xf32, #tpu.memory_space<vmem>>, vector<1024x128xf32>
    tpu.vector_store %arg21[%swap3A_103, %swap3A_104], %slice3A_29 {strides = array<i32>} : memref<1024x128xf32, #tpu.memory_space<vmem>>, vector<1024x128xf32>,
    %swap3A_106 = arith.constant 0 : index
    %swap3A_107 = arith.constant 0 : index
    %swap3A_108 = vector.load %arg22[%swap3A_106, %swap3A_107] : memref<1024x128xf32, #tpu.memory_space<vmem>>, vector<1024x128xf32>
    tpu.vector_store %arg22[%swap3A_106, %swap3A_107], %slice3A_30 {strides = array<i32>} : memref<1024x128xf32, #tpu.memory_space<vmem>>, vector<1024x128xf32>,
    %swap3A_109 = arith.constant 0 : index
    %swap3A_110 = arith.constant 0 : index
    %swap3A_111 = vector.load %arg23[%swap3A_109, %swap3A_110] : memref<1024x128xf32, #tpu.memory_space<vmem>>, vector<1024x128xf32>
    tpu.vector_store %arg23[%swap3A_109, %swap3A_110], %tanh3A_35 {strides = array<i32>} : memref<1024x128xf32, #tpu.memory_space<vmem>>, vector<1024x128xf32>,
    %dma_start3A = arith.constant 0 : i32
    %dma_start3A_112 = arith.constant 0 : i32
    %dma_start3A_113 = tpu.memref_slice %arg24[%dma_start3A, %dma_start3A_112] : memref<100000x128xf32, #tpu.memory_space<any>> -> memref<1024x128xf32, #tpu.memory_space<any>>
    tpu.enqueue_dma source(%arg0 : memref<1024x128xf32, #tpu.memory_space<vmem>>) target(%dma_start3A_113 : memref<1024x128xf32, #tpu.memory_space<any>>) target_semaphore(%arg26 : memref<!tpu.dma_semaphore, #tpu.memory_space<semaphore_mem>>)
    %dma_start3A_114 = arith.constant 0 : i32
    %dma_start3A_115 = arith.constant 0 : i32
    %dma_start3A_116 = arith.constant 0 : i32
    %dma_start3A_117 = tpu.memref_slice %arg25[%dma_start3A_115, %dma_start3A_116] : memref<100000x128xf32, #tpu.memory_space<any>> -> memref<1024x128xf32, #tpu.memory_space<any>>
    %dma_start3A_118 = arith.constant 0 : i32
    %dma_start3A_119 = arith.constant 0 : i32
    %dma_start3A_120 = tpu.memref_slice %arg18[%dma_start3A_114, %dma_start3A_118, %dma_start3A_119] : memref<1x1024x128xf32, #tpu.memory_space<vmem>> -> memref<1x1024x128xf32, #tpu.memory_space<vmem>>
    %dma_start3A_121 = tpu.memref_squeeze %dma_start3A_120 : memref<1x1024x128xf32, #tpu.memory_space<vmem>> -> memref<1024x128xf32, #tpu.memory_space<vmem>>
    tpu.enqueue_dma source(%dma_start3A_121 : memref<1024x128xf32, #tpu.memory_space<vmem>>) target(%dma_start3A_117 : memref<1024x128xf32, #tpu.memory_space<any>>) target_semaphore(%arg27 : memref<!tpu.dma_semaphore, #tpu.memory_space<semaphore_mem>>)
    %dma_wait3A = arith.constant 0 : i32
    %dma_wait3A_122 = arith.constant 0 : i32
    %dma_wait3A_123 = tpu.memref_slice %arg24[%dma_wait3A, %dma_wait3A_122] : memref<100000x128xf32, #tpu.memory_space<any>> -> memref<1024x128xf32, #tpu.memory_space<any>>
    tpu.wait_dma2 semaphore(%arg26 : memref<!tpu.dma_semaphore, #tpu.memory_space<semaphore_mem>>) src(%arg0 : memref<1024x128xf32, #tpu.memory_space<vmem>>) dst(%dma_wait3A_123 : memref<1024x128xf32, #tpu.memory_space<any>>)
    %dma_wait3A_124 = arith.constant 0 : i32
    %dma_wait3A_125 = arith.constant 0 : i32
    %dma_wait3A_126 = arith.constant 0 : i32
    %dma_wait3A_127 = tpu.memref_slice %arg25[%dma_wait3A_125, %dma_wait3A_126] : memref<100000x128xf32, #tpu.memory_space<any>> -> memref<1024x128xf32, #tpu.memory_space<any>>
    %dma_wait3A_128 = arith.constant 0 : i32
    %dma_wait3A_129 = arith.constant 0 : i32
    %dma_wait3A_130 = tpu.memref_slice %arg18[%dma_wait3A_124, %dma_wait3A_128, %dma_wait3A_129] : memref<1x1024x128xf32, #tpu.memory_space<vmem>> -> memref<1x1024x128xf32, #tpu.memory_space<vmem>>
    %dma_wait3A_131 = tpu.memref_squeeze %dma_wait3A_130 : memref<1x1024x128xf32, #tpu.memory_space<vmem>> -> memref<1024x128xf32, #tpu.memory_space<vmem>>
    tpu.wait_dma2 semaphore(%arg27 : memref<!tpu.dma_semaphore, #tpu.memory_space<semaphore_mem>>) src(%dma_wait3A_131 : memref<1024x128xf32, #tpu.memory_space<vmem>>) dst(%dma_wait3A_127 : memref<1024x128xf32, #tpu.memory_space<any>>)
    return
  }
}

module attributes {stable_mosaic.version = 14 : i64} {
  func.func @_knn_scan_body(%arg0: i32, %arg1: memref<1024x128xf32, #tpu.memory_space<vmem>>, %arg2: memref<2000x128xf32, #tpu.memory_space<vmem>>, %arg3: memref<2000x128xf32, #tpu.memory_space<vmem>>, %arg4: memref<1024xi32, #tpu.memory_space<vmem>>, %arg5: memref<2000x128xf32, #tpu.memory_space<vmem>>, %arg6: memref<2000x128xf32, #tpu.memory_space<vmem>>, %arg7: memref<8x1024xf32, #tpu.memory_space<vmem>>, %arg8: memref<8x1024xi32, #tpu.memory_space<vmem>>) attributes {dimension_semantics = [#tpu.dimension_semantics<arbitrary>], iteration_bounds = array<i64: 50>, scalar_prefetch = 0 : i64, scratch_operands = 2 : i64, tpu.core_type = #tpu.core_type<tc>, window_params = [{pipeline_mode = #tpu.pipeline_mode<synchronous>, transform_indices = @transform_0, window_bounds = array<i64: 1024, 128>}, {transform_indices = @transform_1, window_bounds = array<i64: 2000, 128>}, {transform_indices = @transform_2, window_bounds = array<i64: 2000, 128>}, {pipeline_mode = #tpu.pipeline_mode<synchronous>, transform_indices = @transform_3, window_bounds = array<i64: 1024>}, {transform_indices = @transform_4, window_bounds = array<i64: 2000, 128>}, {transform_indices = @transform_5, window_bounds = array<i64: 2000, 128>}]} {
    %get3A = arith.constant 0 : index
    %get3A_0 = arith.constant 0 : index
    %get3A_1 = vector.load %arg1[%get3A, %get3A_0] : memref<1024x128xf32, #tpu.memory_space<vmem>>, vector<1024x128xf32>
    %get3A_2 = arith.constant 0 : index
    %get3A_3 = arith.constant 0 : index
    %get3A_4 = vector.load %arg2[%get3A_2, %get3A_3] : memref<2000x128xf32, #tpu.memory_space<vmem>>, vector<2000x128xf32>
    %dot_general3A = arith.constant dense<0.000000e+00> : vector<2000x1024xf32>
    %dot_general3A_5 = tpu.matmul %get3A_4, %get3A_1, %dot_general3A {dimension_numbers = #tpu.dot_dimension_numbers<[1], [1], [0], [0], [0, 0, 1, 0], [], []>, transpose_lhs_hint = false} : vector<2000x128xf32>, vector<1024x128xf32>, vector<2000x1024xf32> -> vector<2000x1024xf32>
    %mul3A = arith.mulf %get3A_4, %get3A_4 : vector<2000x128xf32>
    %broadcast_in_dim3A = arith.constant 1.000000e+00 : f32
    %broadcast_in_dim3A_6 = vector.broadcast %broadcast_in_dim3A : f32 to vector<128xf32>
    %dot_general3A_7 = arith.constant dense<0.000000e+00> : vector<2000xf32>
    %dot_general3A_8 = tpu.matmul %mul3A, %broadcast_in_dim3A_6, %dot_general3A_7 {dimension_numbers = #tpu.dot_dimension_numbers<[1], [0], [0], [], [0, 0], [], []>, transpose_lhs_hint = false} : vector<2000x128xf32>, vector<128xf32>, vector<2000xf32> -> vector<2000xf32>
    %mul3A_9 = arith.constant 5.000000e-01 : f32
    %mul3A_10 = vector.broadcast %mul3A_9 : f32 to vector<2000xf32>
    %mul3A_11 = arith.mulf %mul3A_10, %dot_general3A_8 : vector<2000xf32>
    %broadcast_in_dim3A_12 = vector.shape_cast %mul3A_11 : vector<2000xf32> to vector<2000x1xf32>
    %sub3A = vector.broadcast %broadcast_in_dim3A_12 : vector<2000x1xf32> to vector<2000x1024xf32>
    %sub3A_13 = arith.subf %sub3A, %dot_general3A_5 : vector<2000x1024xf32>
    %reshape3A = vector.shape_cast %sub3A_13 : vector<2000x1024xf32> to vector<250x8x1024xf32>
    %slice3A = vector.extract_strided_slice %reshape3A {offsets = [0, 0, 0], sizes = [1, 8, 1024], strides = [1, 1, 1]} : vector<250x8x1024xf32> to vector<1x8x1024xf32>
    %squeeze3A = vector.shape_cast %slice3A : vector<1x8x1024xf32> to vector<8x1024xf32>
    %broadcast_in_dim3A_14 = arith.constant 0 : i32
    %broadcast_in_dim3A_15 = vector.broadcast %broadcast_in_dim3A_14 : i32 to vector<8x1024xi32>
    %slice3A_16 = vector.extract_strided_slice %reshape3A {offsets = [1, 0, 0], sizes = [1, 8, 1024], strides = [1, 1, 1]} : vector<250x8x1024xf32> to vector<1x8x1024xf32>
    %squeeze3A_17 = vector.shape_cast %slice3A_16 : vector<1x8x1024xf32> to vector<8x1024xf32>
    %lt3A = arith.cmpf olt, %squeeze3A_17, %squeeze3A : vector<8x1024xf32>
    %min3A = arith.minimumf %squeeze3A, %squeeze3A_17 : vector<8x1024xf32>
    %jit3A = arith.constant 1 : i32
    %broadcast_in_dim3A_18 = vector.broadcast %jit3A : i32 to vector<8x1024xi32>
    %select_n3A = arith.select %lt3A, %broadcast_in_dim3A_18, %broadcast_in_dim3A_15 : vector<8x1024xi1>, vector<8x1024xi32>
    %slice3A_19 = vector.extract_strided_slice %reshape3A {offsets = [2, 0, 0], sizes = [1, 8, 1024], strides = [1, 1, 1]} : vector<250x8x1024xf32> to vector<1x8x1024xf32>
    %squeeze3A_20 = vector.shape_cast %slice3A_19 : vector<1x8x1024xf32> to vector<8x1024xf32>
    %lt3A_21 = arith.cmpf olt, %squeeze3A_20, %min3A : vector<8x1024xf32>
    %min3A_22 = arith.minimumf %min3A, %squeeze3A_20 : vector<8x1024xf32>
    %jit3A_23 = arith.constant 2 : i32
    %broadcast_in_dim3A_24 = vector.broadcast %jit3A_23 : i32 to vector<8x1024xi32>
    %select_n3A_25 = arith.select %lt3A_21, %broadcast_in_dim3A_24, %select_n3A : vector<8x1024xi1>, vector<8x1024xi32>
    %slice3A_26 = vector.extract_strided_slice %reshape3A {offsets = [3, 0, 0], sizes = [1, 8, 1024], strides = [1, 1, 1]} : vector<250x8x1024xf32> to vector<1x8x1024xf32>
    %squeeze3A_27 = vector.shape_cast %slice3A_26 : vector<1x8x1024xf32> to vector<8x1024xf32>
    %lt3A_28 = arith.cmpf olt, %squeeze3A_27, %min3A_22 : vector<8x1024xf32>
    %min3A_29 = arith.minimumf %min3A_22, %squeeze3A_27 : vector<8x1024xf32>
    %jit3A_30 = arith.constant 3 : i32
    %broadcast_in_dim3A_31 = vector.broadcast %jit3A_30 : i32 to vector<8x1024xi32>
    %select_n3A_32 = arith.select %lt3A_28, %broadcast_in_dim3A_31, %select_n3A_25 : vector<8x1024xi1>, vector<8x1024xi32>
    %slice3A_33 = vector.extract_strided_slice %reshape3A {offsets = [4, 0, 0], sizes = [1, 8, 1024], strides = [1, 1, 1]} : vector<250x8x1024xf32> to vector<1x8x1024xf32>
    %squeeze3A_34 = vector.shape_cast %slice3A_33 : vector<1x8x1024xf32> to vector<8x1024xf32>
    %lt3A_35 = arith.cmpf olt, %squeeze3A_34, %min3A_29 : vector<8x1024xf32>
    %min3A_36 = arith.minimumf %min3A_29, %squeeze3A_34 : vector<8x1024xf32>
    %jit3A_37 = arith.constant 4 : i32
    %broadcast_in_dim3A_38 = vector.broadcast %jit3A_37 : i32 to vector<8x1024xi32>
    %select_n3A_39 = arith.select %lt3A_35, %broadcast_in_dim3A_38, %select_n3A_32 : vector<8x1024xi1>, vector<8x1024xi32>
    %slice3A_40 = vector.extract_strided_slice %reshape3A {offsets = [5, 0, 0], sizes = [1, 8, 1024], strides = [1, 1, 1]} : vector<250x8x1024xf32> to vector<1x8x1024xf32>
    %squeeze3A_41 = vector.shape_cast %slice3A_40 : vector<1x8x1024xf32> to vector<8x1024xf32>
    %lt3A_42 = arith.cmpf olt, %squeeze3A_41, %min3A_36 : vector<8x1024xf32>
    %min3A_43 = arith.minimumf %min3A_36, %squeeze3A_41 : vector<8x1024xf32>
    %jit3A_44 = arith.constant 5 : i32
    %broadcast_in_dim3A_45 = vector.broadcast %jit3A_44 : i32 to vector<8x1024xi32>
    %select_n3A_46 = arith.select %lt3A_42, %broadcast_in_dim3A_45, %select_n3A_39 : vector<8x1024xi1>, vector<8x1024xi32>
    %slice3A_47 = vector.extract_strided_slice %reshape3A {offsets = [6, 0, 0], sizes = [1, 8, 1024], strides = [1, 1, 1]} : vector<250x8x1024xf32> to vector<1x8x1024xf32>
    %squeeze3A_48 = vector.shape_cast %slice3A_47 : vector<1x8x1024xf32> to vector<8x1024xf32>
    %lt3A_49 = arith.cmpf olt, %squeeze3A_48, %min3A_43 : vector<8x1024xf32>
    %min3A_50 = arith.minimumf %min3A_43, %squeeze3A_48 : vector<8x1024xf32>
    %jit3A_51 = arith.constant 6 : i32
    %broadcast_in_dim3A_52 = vector.broadcast %jit3A_51 : i32 to vector<8x1024xi32>
    %select_n3A_53 = arith.select %lt3A_49, %broadcast_in_dim3A_52, %select_n3A_46 : vector<8x1024xi1>, vector<8x1024xi32>
    %slice3A_54 = vector.extract_strided_slice %reshape3A {offsets = [7, 0, 0], sizes = [1, 8, 1024], strides = [1, 1, 1]} : vector<250x8x1024xf32> to vector<1x8x1024xf32>
    %squeeze3A_55 = vector.shape_cast %slice3A_54 : vector<1x8x1024xf32> to vector<8x1024xf32>
    %lt3A_56 = arith.cmpf olt, %squeeze3A_55, %min3A_50 : vector<8x1024xf32>
    %min3A_57 = arith.minimumf %min3A_50, %squeeze3A_55 : vector<8x1024xf32>
    %jit3A_58 = arith.constant 7 : i32
    %broadcast_in_dim3A_59 = vector.broadcast %jit3A_58 : i32 to vector<8x1024xi32>
    %select_n3A_60 = arith.select %lt3A_56, %broadcast_in_dim3A_59, %select_n3A_53 : vector<8x1024xi1>, vector<8x1024xi32>
    %slice3A_61 = vector.extract_strided_slice %reshape3A {offsets = [8, 0, 0], sizes = [1, 8, 1024], strides = [1, 1, 1]} : vector<250x8x1024xf32> to vector<1x8x1024xf32>
    %squeeze3A_62 = vector.shape_cast %slice3A_61 : vector<1x8x1024xf32> to vector<8x1024xf32>
    %lt3A_63 = arith.cmpf olt, %squeeze3A_62, %min3A_57 : vector<8x1024xf32>
    %min3A_64 = arith.minimumf %min3A_57, %squeeze3A_62 : vector<8x1024xf32>
    %jit3A_65 = arith.constant 8 : i32
    %broadcast_in_dim3A_66 = vector.broadcast %jit3A_65 : i32 to vector<8x1024xi32>
    %select_n3A_67 = arith.select %lt3A_63, %broadcast_in_dim3A_66, %select_n3A_60 : vector<8x1024xi1>, vector<8x1024xi32>
    %slice3A_68 = vector.extract_strided_slice %reshape3A {offsets = [9, 0, 0], sizes = [1, 8, 1024], strides = [1, 1, 1]} : vector<250x8x1024xf32> to vector<1x8x1024xf32>
    %squeeze3A_69 = vector.shape_cast %slice3A_68 : vector<1x8x1024xf32> to vector<8x1024xf32>
    %lt3A_70 = arith.cmpf olt, %squeeze3A_69, %min3A_64 : vector<8x1024xf32>
    %min3A_71 = arith.minimumf %min3A_64, %squeeze3A_69 : vector<8x1024xf32>
    %jit3A_72 = arith.constant 9 : i32
    %broadcast_in_dim3A_73 = vector.broadcast %jit3A_72 : i32 to vector<8x1024xi32>
    %select_n3A_74 = arith.select %lt3A_70, %broadcast_in_dim3A_73, %select_n3A_67 : vector<8x1024xi1>, vector<8x1024xi32>
    %slice3A_75 = vector.extract_strided_slice %reshape3A {offsets = [10, 0, 0], sizes = [1, 8, 1024], strides = [1, 1, 1]} : vector<250x8x1024xf32> to vector<1x8x1024xf32>
    %squeeze3A_76 = vector.shape_cast %slice3A_75 : vector<1x8x1024xf32> to vector<8x1024xf32>
    %lt3A_77 = arith.cmpf olt, %squeeze3A_76, %min3A_71 : vector<8x1024xf32>
    %min3A_78 = arith.minimumf %min3A_71, %squeeze3A_76 : vector<8x1024xf32>
    %jit3A_79 = arith.constant 10 : i32
    %broadcast_in_dim3A_80 = vector.broadcast %jit3A_79 : i32 to vector<8x1024xi32>
    %select_n3A_81 = arith.select %lt3A_77, %broadcast_in_dim3A_80, %select_n3A_74 : vector<8x1024xi1>, vector<8x1024xi32>
    %slice3A_82 = vector.extract_strided_slice %reshape3A {offsets = [11, 0, 0], sizes = [1, 8, 1024], strides = [1, 1, 1]} : vector<250x8x1024xf32> to vector<1x8x1024xf32>
    %squeeze3A_83 = vector.shape_cast %slice3A_82 : vector<1x8x1024xf32> to vector<8x1024xf32>
    %lt3A_84 = arith.cmpf olt, %squeeze3A_83, %min3A_78 : vector<8x1024xf32>
    %min3A_85 = arith.minimumf %min3A_78, %squeeze3A_83 : vector<8x1024xf32>
    %jit3A_86 = arith.constant 11 : i32
    %broadcast_in_dim3A_87 = vector.broadcast %jit3A_86 : i32 to vector<8x1024xi32>
    %select_n3A_88 = arith.select %lt3A_84, %broadcast_in_dim3A_87, %select_n3A_81 : vector<8x1024xi1>, vector<8x1024xi32>
    %slice3A_89 = vector.extract_strided_slice %reshape3A {offsets = [12, 0, 0], sizes = [1, 8, 1024], strides = [1, 1, 1]} : vector<250x8x1024xf32> to vector<1x8x1024xf32>
    %squeeze3A_90 = vector.shape_cast %slice3A_89 : vector<1x8x1024xf32> to vector<8x1024xf32>
    %lt3A_91 = arith.cmpf olt, %squeeze3A_90, %min3A_85 : vector<8x1024xf32>
    %min3A_92 = arith.minimumf %min3A_85, %squeeze3A_90 : vector<8x1024xf32>
    %jit3A_93 = arith.constant 12 : i32
    %broadcast_in_dim3A_94 = vector.broadcast %jit3A_93 : i32 to vector<8x1024xi32>
    %select_n3A_95 = arith.select %lt3A_91, %broadcast_in_dim3A_94, %select_n3A_88 : vector<8x1024xi1>, vector<8x1024xi32>
    %slice3A_96 = vector.extract_strided_slice %reshape3A {offsets = [13, 0, 0], sizes = [1, 8, 1024], strides = [1, 1, 1]} : vector<250x8x1024xf32> to vector<1x8x1024xf32>
    %squeeze3A_97 = vector.shape_cast %slice3A_96 : vector<1x8x1024xf32> to vector<8x1024xf32>
    %lt3A_98 = arith.cmpf olt, %squeeze3A_97, %min3A_92 : vector<8x1024xf32>
    %min3A_99 = arith.minimumf %min3A_92, %squeeze3A_97 : vector<8x1024xf32>
    %jit3A_100 = arith.constant 13 : i32
    %broadcast_in_dim3A_101 = vector.broadcast %jit3A_100 : i32 to vector<8x1024xi32>
    %select_n3A_102 = arith.select %lt3A_98, %broadcast_in_dim3A_101, %select_n3A_95 : vector<8x1024xi1>, vector<8x1024xi32>
    %slice3A_103 = vector.extract_strided_slice %reshape3A {offsets = [14, 0, 0], sizes = [1, 8, 1024], strides = [1, 1, 1]} : vector<250x8x1024xf32> to vector<1x8x1024xf32>
    %squeeze3A_104 = vector.shape_cast %slice3A_103 : vector<1x8x1024xf32> to vector<8x1024xf32>
    %lt3A_105 = arith.cmpf olt, %squeeze3A_104, %min3A_99 : vector<8x1024xf32>
    %min3A_106 = arith.minimumf %min3A_99, %squeeze3A_104 : vector<8x1024xf32>
    %jit3A_107 = arith.constant 14 : i32
    %broadcast_in_dim3A_108 = vector.broadcast %jit3A_107 : i32 to vector<8x1024xi32>
    %select_n3A_109 = arith.select %lt3A_105, %broadcast_in_dim3A_108, %select_n3A_102 : vector<8x1024xi1>, vector<8x1024xi32>
    %slice3A_110 = vector.extract_strided_slice %reshape3A {offsets = [15, 0, 0], sizes = [1, 8, 1024], strides = [1, 1, 1]} : vector<250x8x1024xf32> to vector<1x8x1024xf32>
    %squeeze3A_111 = vector.shape_cast %slice3A_110 : vector<1x8x1024xf32> to vector<8x1024xf32>
    %lt3A_112 = arith.cmpf olt, %squeeze3A_111, %min3A_106 : vector<8x1024xf32>
    %min3A_113 = arith.minimumf %min3A_106, %squeeze3A_111 : vector<8x1024xf32>
    %jit3A_114 = arith.constant 15 : i32
    %broadcast_in_dim3A_115 = vector.broadcast %jit3A_114 : i32 to vector<8x1024xi32>
    %select_n3A_116 = arith.select %lt3A_112, %broadcast_in_dim3A_115, %select_n3A_109 : vector<8x1024xi1>, vector<8x1024xi32>
    %slice3A_117 = vector.extract_strided_slice %reshape3A {offsets = [16, 0, 0], sizes = [1, 8, 1024], strides = [1, 1, 1]} : vector<250x8x1024xf32> to vector<1x8x1024xf32>
    %squeeze3A_118 = vector.shape_cast %slice3A_117 : vector<1x8x1024xf32> to vector<8x1024xf32>
    %lt3A_119 = arith.cmpf olt, %squeeze3A_118, %min3A_113 : vector<8x1024xf32>
    %min3A_120 = arith.minimumf %min3A_113, %squeeze3A_118 : vector<8x1024xf32>
    %jit3A_121 = arith.constant 16 : i32
    %broadcast_in_dim3A_122 = vector.broadcast %jit3A_121 : i32 to vector<8x1024xi32>
    %select_n3A_123 = arith.select %lt3A_119, %broadcast_in_dim3A_122, %select_n3A_116 : vector<8x1024xi1>, vector<8x1024xi32>
    %slice3A_124 = vector.extract_strided_slice %reshape3A {offsets = [17, 0, 0], sizes = [1, 8, 1024], strides = [1, 1, 1]} : vector<250x8x1024xf32> to vector<1x8x1024xf32>
    %squeeze3A_125 = vector.shape_cast %slice3A_124 : vector<1x8x1024xf32> to vector<8x1024xf32>
    %lt3A_126 = arith.cmpf olt, %squeeze3A_125, %min3A_120 : vector<8x1024xf32>
    %min3A_127 = arith.minimumf %min3A_120, %squeeze3A_125 : vector<8x1024xf32>
    %jit3A_128 = arith.constant 17 : i32
    %broadcast_in_dim3A_129 = vector.broadcast %jit3A_128 : i32 to vector<8x1024xi32>
    %select_n3A_130 = arith.select %lt3A_126, %broadcast_in_dim3A_129, %select_n3A_123 : vector<8x1024xi1>, vector<8x1024xi32>
    %slice3A_131 = vector.extract_strided_slice %reshape3A {offsets = [18, 0, 0], sizes = [1, 8, 1024], strides = [1, 1, 1]} : vector<250x8x1024xf32> to vector<1x8x1024xf32>
    %squeeze3A_132 = vector.shape_cast %slice3A_131 : vector<1x8x1024xf32> to vector<8x1024xf32>
    %lt3A_133 = arith.cmpf olt, %squeeze3A_132, %min3A_127 : vector<8x1024xf32>
    %min3A_134 = arith.minimumf %min3A_127, %squeeze3A_132 : vector<8x1024xf32>
    %jit3A_135 = arith.constant 18 : i32
    %broadcast_in_dim3A_136 = vector.broadcast %jit3A_135 : i32 to vector<8x1024xi32>
    %select_n3A_137 = arith.select %lt3A_133, %broadcast_in_dim3A_136, %select_n3A_130 : vector<8x1024xi1>, vector<8x1024xi32>
    %slice3A_138 = vector.extract_strided_slice %reshape3A {offsets = [19, 0, 0], sizes = [1, 8, 1024], strides = [1, 1, 1]} : vector<250x8x1024xf32> to vector<1x8x1024xf32>
    %squeeze3A_139 = vector.shape_cast %slice3A_138 : vector<1x8x1024xf32> to vector<8x1024xf32>
    %lt3A_140 = arith.cmpf olt, %squeeze3A_139, %min3A_134 : vector<8x1024xf32>
    %min3A_141 = arith.minimumf %min3A_134, %squeeze3A_139 : vector<8x1024xf32>
    %jit3A_142 = arith.constant 19 : i32
    %broadcast_in_dim3A_143 = vector.broadcast %jit3A_142 : i32 to vector<8x1024xi32>
    %select_n3A_144 = arith.select %lt3A_140, %broadcast_in_dim3A_143, %select_n3A_137 : vector<8x1024xi1>, vector<8x1024xi32>
    %slice3A_145 = vector.extract_strided_slice %reshape3A {offsets = [20, 0, 0], sizes = [1, 8, 1024], strides = [1, 1, 1]} : vector<250x8x1024xf32> to vector<1x8x1024xf32>
    %squeeze3A_146 = vector.shape_cast %slice3A_145 : vector<1x8x1024xf32> to vector<8x1024xf32>
    %lt3A_147 = arith.cmpf olt, %squeeze3A_146, %min3A_141 : vector<8x1024xf32>
    %min3A_148 = arith.minimumf %min3A_141, %squeeze3A_146 : vector<8x1024xf32>
    %jit3A_149 = arith.constant 20 : i32
    %broadcast_in_dim3A_150 = vector.broadcast %jit3A_149 : i32 to vector<8x1024xi32>
    %select_n3A_151 = arith.select %lt3A_147, %broadcast_in_dim3A_150, %select_n3A_144 : vector<8x1024xi1>, vector<8x1024xi32>
    %slice3A_152 = vector.extract_strided_slice %reshape3A {offsets = [21, 0, 0], sizes = [1, 8, 1024], strides = [1, 1, 1]} : vector<250x8x1024xf32> to vector<1x8x1024xf32>
    %squeeze3A_153 = vector.shape_cast %slice3A_152 : vector<1x8x1024xf32> to vector<8x1024xf32>
    %lt3A_154 = arith.cmpf olt, %squeeze3A_153, %min3A_148 : vector<8x1024xf32>
    %min3A_155 = arith.minimumf %min3A_148, %squeeze3A_153 : vector<8x1024xf32>
    %jit3A_156 = arith.constant 21 : i32
    %broadcast_in_dim3A_157 = vector.broadcast %jit3A_156 : i32 to vector<8x1024xi32>
    %select_n3A_158 = arith.select %lt3A_154, %broadcast_in_dim3A_157, %select_n3A_151 : vector<8x1024xi1>, vector<8x1024xi32>
    %slice3A_159 = vector.extract_strided_slice %reshape3A {offsets = [22, 0, 0], sizes = [1, 8, 1024], strides = [1, 1, 1]} : vector<250x8x1024xf32> to vector<1x8x1024xf32>
    %squeeze3A_160 = vector.shape_cast %slice3A_159 : vector<1x8x1024xf32> to vector<8x1024xf32>
    %lt3A_161 = arith.cmpf olt, %squeeze3A_160, %min3A_155 : vector<8x1024xf32>
    %min3A_162 = arith.minimumf %min3A_155, %squeeze3A_160 : vector<8x1024xf32>
    %jit3A_163 = arith.constant 22 : i32
    %broadcast_in_dim3A_164 = vector.broadcast %jit3A_163 : i32 to vector<8x1024xi32>
    %select_n3A_165 = arith.select %lt3A_161, %broadcast_in_dim3A_164, %select_n3A_158 : vector<8x1024xi1>, vector<8x1024xi32>
    %slice3A_166 = vector.extract_strided_slice %reshape3A {offsets = [23, 0, 0], sizes = [1, 8, 1024], strides = [1, 1, 1]} : vector<250x8x1024xf32> to vector<1x8x1024xf32>
    %squeeze3A_167 = vector.shape_cast %slice3A_166 : vector<1x8x1024xf32> to vector<8x1024xf32>
    %lt3A_168 = arith.cmpf olt, %squeeze3A_167, %min3A_162 : vector<8x1024xf32>
    %min3A_169 = arith.minimumf %min3A_162, %squeeze3A_167 : vector<8x1024xf32>
    %jit3A_170 = arith.constant 23 : i32
    %broadcast_in_dim3A_171 = vector.broadcast %jit3A_170 : i32 to vector<8x1024xi32>
    %select_n3A_172 = arith.select %lt3A_168, %broadcast_in_dim3A_171, %select_n3A_165 : vector<8x1024xi1>, vector<8x1024xi32>
    %slice3A_173 = vector.extract_strided_slice %reshape3A {offsets = [24, 0, 0], sizes = [1, 8, 1024], strides = [1, 1, 1]} : vector<250x8x1024xf32> to vector<1x8x1024xf32>
    %squeeze3A_174 = vector.shape_cast %slice3A_173 : vector<1x8x1024xf32> to vector<8x1024xf32>
    %lt3A_175 = arith.cmpf olt, %squeeze3A_174, %min3A_169 : vector<8x1024xf32>
    %min3A_176 = arith.minimumf %min3A_169, %squeeze3A_174 : vector<8x1024xf32>
    %jit3A_177 = arith.constant 24 : i32
    %broadcast_in_dim3A_178 = vector.broadcast %jit3A_177 : i32 to vector<8x1024xi32>
    %select_n3A_179 = arith.select %lt3A_175, %broadcast_in_dim3A_178, %select_n3A_172 : vector<8x1024xi1>, vector<8x1024xi32>
    %slice3A_180 = vector.extract_strided_slice %reshape3A {offsets = [25, 0, 0], sizes = [1, 8, 1024], strides = [1, 1, 1]} : vector<250x8x1024xf32> to vector<1x8x1024xf32>
    %squeeze3A_181 = vector.shape_cast %slice3A_180 : vector<1x8x1024xf32> to vector<8x1024xf32>
    %lt3A_182 = arith.cmpf olt, %squeeze3A_181, %min3A_176 : vector<8x1024xf32>
    %min3A_183 = arith.minimumf %min3A_176, %squeeze3A_181 : vector<8x1024xf32>
    %jit3A_184 = arith.constant 25 : i32
    %broadcast_in_dim3A_185 = vector.broadcast %jit3A_184 : i32 to vector<8x1024xi32>
    %select_n3A_186 = arith.select %lt3A_182, %broadcast_in_dim3A_185, %select_n3A_179 : vector<8x1024xi1>, vector<8x1024xi32>
    %slice3A_187 = vector.extract_strided_slice %reshape3A {offsets = [26, 0, 0], sizes = [1, 8, 1024], strides = [1, 1, 1]} : vector<250x8x1024xf32> to vector<1x8x1024xf32>
    %squeeze3A_188 = vector.shape_cast %slice3A_187 : vector<1x8x1024xf32> to vector<8x1024xf32>
    %lt3A_189 = arith.cmpf olt, %squeeze3A_188, %min3A_183 : vector<8x1024xf32>
    %min3A_190 = arith.minimumf %min3A_183, %squeeze3A_188 : vector<8x1024xf32>
    %jit3A_191 = arith.constant 26 : i32
    %broadcast_in_dim3A_192 = vector.broadcast %jit3A_191 : i32 to vector<8x1024xi32>
    %select_n3A_193 = arith.select %lt3A_189, %broadcast_in_dim3A_192, %select_n3A_186 : vector<8x1024xi1>, vector<8x1024xi32>
    %slice3A_194 = vector.extract_strided_slice %reshape3A {offsets = [27, 0, 0], sizes = [1, 8, 1024], strides = [1, 1, 1]} : vector<250x8x1024xf32> to vector<1x8x1024xf32>
    %squeeze3A_195 = vector.shape_cast %slice3A_194 : vector<1x8x1024xf32> to vector<8x1024xf32>
    %lt3A_196 = arith.cmpf olt, %squeeze3A_195, %min3A_190 : vector<8x1024xf32>
    %min3A_197 = arith.minimumf %min3A_190, %squeeze3A_195 : vector<8x1024xf32>
    %jit3A_198 = arith.constant 27 : i32
    %broadcast_in_dim3A_199 = vector.broadcast %jit3A_198 : i32 to vector<8x1024xi32>
    %select_n3A_200 = arith.select %lt3A_196, %broadcast_in_dim3A_199, %select_n3A_193 : vector<8x1024xi1>, vector<8x1024xi32>
    %slice3A_201 = vector.extract_strided_slice %reshape3A {offsets = [28, 0, 0], sizes = [1, 8, 1024], strides = [1, 1, 1]} : vector<250x8x1024xf32> to vector<1x8x1024xf32>
    %squeeze3A_202 = vector.shape_cast %slice3A_201 : vector<1x8x1024xf32> to vector<8x1024xf32>
    %lt3A_203 = arith.cmpf olt, %squeeze3A_202, %min3A_197 : vector<8x1024xf32>
    %min3A_204 = arith.minimumf %min3A_197, %squeeze3A_202 : vector<8x1024xf32>
    %jit3A_205 = arith.constant 28 : i32
    %broadcast_in_dim3A_206 = vector.broadcast %jit3A_205 : i32 to vector<8x1024xi32>
    %select_n3A_207 = arith.select %lt3A_203, %broadcast_in_dim3A_206, %select_n3A_200 : vector<8x1024xi1>, vector<8x1024xi32>
    %slice3A_208 = vector.extract_strided_slice %reshape3A {offsets = [29, 0, 0], sizes = [1, 8, 1024], strides = [1, 1, 1]} : vector<250x8x1024xf32> to vector<1x8x1024xf32>
    %squeeze3A_209 = vector.shape_cast %slice3A_208 : vector<1x8x1024xf32> to vector<8x1024xf32>
    %lt3A_210 = arith.cmpf olt, %squeeze3A_209, %min3A_204 : vector<8x1024xf32>
    %min3A_211 = arith.minimumf %min3A_204, %squeeze3A_209 : vector<8x1024xf32>
    %jit3A_212 = arith.constant 29 : i32
    %broadcast_in_dim3A_213 = vector.broadcast %jit3A_212 : i32 to vector<8x1024xi32>
    %select_n3A_214 = arith.select %lt3A_210, %broadcast_in_dim3A_213, %select_n3A_207 : vector<8x1024xi1>, vector<8x1024xi32>
    %slice3A_215 = vector.extract_strided_slice %reshape3A {offsets = [30, 0, 0], sizes = [1, 8, 1024], strides = [1, 1, 1]} : vector<250x8x1024xf32> to vector<1x8x1024xf32>
    %squeeze3A_216 = vector.shape_cast %slice3A_215 : vector<1x8x1024xf32> to vector<8x1024xf32>
    %lt3A_217 = arith.cmpf olt, %squeeze3A_216, %min3A_211 : vector<8x1024xf32>
    %min3A_218 = arith.minimumf %min3A_211, %squeeze3A_216 : vector<8x1024xf32>
    %jit3A_219 = arith.constant 30 : i32
    %broadcast_in_dim3A_220 = vector.broadcast %jit3A_219 : i32 to vector<8x1024xi32>
    %select_n3A_221 = arith.select %lt3A_217, %broadcast_in_dim3A_220, %select_n3A_214 : vector<8x1024xi1>, vector<8x1024xi32>
    %slice3A_222 = vector.extract_strided_slice %reshape3A {offsets = [31, 0, 0], sizes = [1, 8, 1024], strides = [1, 1, 1]} : vector<250x8x1024xf32> to vector<1x8x1024xf32>
    %squeeze3A_223 = vector.shape_cast %slice3A_222 : vector<1x8x1024xf32> to vector<8x1024xf32>
    %lt3A_224 = arith.cmpf olt, %squeeze3A_223, %min3A_218 : vector<8x1024xf32>
    %min3A_225 = arith.minimumf %min3A_218, %squeeze3A_223 : vector<8x1024xf32>
    %jit3A_226 = arith.constant 31 : i32
    %broadcast_in_dim3A_227 = vector.broadcast %jit3A_226 : i32 to vector<8x1024xi32>
    %select_n3A_228 = arith.select %lt3A_224, %broadcast_in_dim3A_227, %select_n3A_221 : vector<8x1024xi1>, vector<8x1024xi32>
    %slice3A_229 = vector.extract_strided_slice %reshape3A {offsets = [32, 0, 0], sizes = [1, 8, 1024], strides = [1, 1, 1]} : vector<250x8x1024xf32> to vector<1x8x1024xf32>
    %squeeze3A_230 = vector.shape_cast %slice3A_229 : vector<1x8x1024xf32> to vector<8x1024xf32>
    %lt3A_231 = arith.cmpf olt, %squeeze3A_230, %min3A_225 : vector<8x1024xf32>
    %min3A_232 = arith.minimumf %min3A_225, %squeeze3A_230 : vector<8x1024xf32>
    %jit3A_233 = arith.constant 32 : i32
    %broadcast_in_dim3A_234 = vector.broadcast %jit3A_233 : i32 to vector<8x1024xi32>
    %select_n3A_235 = arith.select %lt3A_231, %broadcast_in_dim3A_234, %select_n3A_228 : vector<8x1024xi1>, vector<8x1024xi32>
    %slice3A_236 = vector.extract_strided_slice %reshape3A {offsets = [33, 0, 0], sizes = [1, 8, 1024], strides = [1, 1, 1]} : vector<250x8x1024xf32> to vector<1x8x1024xf32>
    %squeeze3A_237 = vector.shape_cast %slice3A_236 : vector<1x8x1024xf32> to vector<8x1024xf32>
    %lt3A_238 = arith.cmpf olt, %squeeze3A_237, %min3A_232 : vector<8x1024xf32>
    %min3A_239 = arith.minimumf %min3A_232, %squeeze3A_237 : vector<8x1024xf32>
    %jit3A_240 = arith.constant 33 : i32
    %broadcast_in_dim3A_241 = vector.broadcast %jit3A_240 : i32 to vector<8x1024xi32>
    %select_n3A_242 = arith.select %lt3A_238, %broadcast_in_dim3A_241, %select_n3A_235 : vector<8x1024xi1>, vector<8x1024xi32>
    %slice3A_243 = vector.extract_strided_slice %reshape3A {offsets = [34, 0, 0], sizes = [1, 8, 1024], strides = [1, 1, 1]} : vector<250x8x1024xf32> to vector<1x8x1024xf32>
    %squeeze3A_244 = vector.shape_cast %slice3A_243 : vector<1x8x1024xf32> to vector<8x1024xf32>
    %lt3A_245 = arith.cmpf olt, %squeeze3A_244, %min3A_239 : vector<8x1024xf32>
    %min3A_246 = arith.minimumf %min3A_239, %squeeze3A_244 : vector<8x1024xf32>
    %jit3A_247 = arith.constant 34 : i32
    %broadcast_in_dim3A_248 = vector.broadcast %jit3A_247 : i32 to vector<8x1024xi32>
    %select_n3A_249 = arith.select %lt3A_245, %broadcast_in_dim3A_248, %select_n3A_242 : vector<8x1024xi1>, vector<8x1024xi32>
    %slice3A_250 = vector.extract_strided_slice %reshape3A {offsets = [35, 0, 0], sizes = [1, 8, 1024], strides = [1, 1, 1]} : vector<250x8x1024xf32> to vector<1x8x1024xf32>
    %squeeze3A_251 = vector.shape_cast %slice3A_250 : vector<1x8x1024xf32> to vector<8x1024xf32>
    %lt3A_252 = arith.cmpf olt, %squeeze3A_251, %min3A_246 : vector<8x1024xf32>
    %min3A_253 = arith.minimumf %min3A_246, %squeeze3A_251 : vector<8x1024xf32>
    %jit3A_254 = arith.constant 35 : i32
    %broadcast_in_dim3A_255 = vector.broadcast %jit3A_254 : i32 to vector<8x1024xi32>
    %select_n3A_256 = arith.select %lt3A_252, %broadcast_in_dim3A_255, %select_n3A_249 : vector<8x1024xi1>, vector<8x1024xi32>
    %slice3A_257 = vector.extract_strided_slice %reshape3A {offsets = [36, 0, 0], sizes = [1, 8, 1024], strides = [1, 1, 1]} : vector<250x8x1024xf32> to vector<1x8x1024xf32>
    %squeeze3A_258 = vector.shape_cast %slice3A_257 : vector<1x8x1024xf32> to vector<8x1024xf32>
    %lt3A_259 = arith.cmpf olt, %squeeze3A_258, %min3A_253 : vector<8x1024xf32>
    %min3A_260 = arith.minimumf %min3A_253, %squeeze3A_258 : vector<8x1024xf32>
    %jit3A_261 = arith.constant 36 : i32
    %broadcast_in_dim3A_262 = vector.broadcast %jit3A_261 : i32 to vector<8x1024xi32>
    %select_n3A_263 = arith.select %lt3A_259, %broadcast_in_dim3A_262, %select_n3A_256 : vector<8x1024xi1>, vector<8x1024xi32>
    %slice3A_264 = vector.extract_strided_slice %reshape3A {offsets = [37, 0, 0], sizes = [1, 8, 1024], strides = [1, 1, 1]} : vector<250x8x1024xf32> to vector<1x8x1024xf32>
    %squeeze3A_265 = vector.shape_cast %slice3A_264 : vector<1x8x1024xf32> to vector<8x1024xf32>
    %lt3A_266 = arith.cmpf olt, %squeeze3A_265, %min3A_260 : vector<8x1024xf32>
    %min3A_267 = arith.minimumf %min3A_260, %squeeze3A_265 : vector<8x1024xf32>
    %jit3A_268 = arith.constant 37 : i32
    %broadcast_in_dim3A_269 = vector.broadcast %jit3A_268 : i32 to vector<8x1024xi32>
    %select_n3A_270 = arith.select %lt3A_266, %broadcast_in_dim3A_269, %select_n3A_263 : vector<8x1024xi1>, vector<8x1024xi32>
    %slice3A_271 = vector.extract_strided_slice %reshape3A {offsets = [38, 0, 0], sizes = [1, 8, 1024], strides = [1, 1, 1]} : vector<250x8x1024xf32> to vector<1x8x1024xf32>
    %squeeze3A_272 = vector.shape_cast %slice3A_271 : vector<1x8x1024xf32> to vector<8x1024xf32>
    %lt3A_273 = arith.cmpf olt, %squeeze3A_272, %min3A_267 : vector<8x1024xf32>
    %min3A_274 = arith.minimumf %min3A_267, %squeeze3A_272 : vector<8x1024xf32>
    %jit3A_275 = arith.constant 38 : i32
    %broadcast_in_dim3A_276 = vector.broadcast %jit3A_275 : i32 to vector<8x1024xi32>
    %select_n3A_277 = arith.select %lt3A_273, %broadcast_in_dim3A_276, %select_n3A_270 : vector<8x1024xi1>, vector<8x1024xi32>
    %slice3A_278 = vector.extract_strided_slice %reshape3A {offsets = [39, 0, 0], sizes = [1, 8, 1024], strides = [1, 1, 1]} : vector<250x8x1024xf32> to vector<1x8x1024xf32>
    %squeeze3A_279 = vector.shape_cast %slice3A_278 : vector<1x8x1024xf32> to vector<8x1024xf32>
    %lt3A_280 = arith.cmpf olt, %squeeze3A_279, %min3A_274 : vector<8x1024xf32>
    %min3A_281 = arith.minimumf %min3A_274, %squeeze3A_279 : vector<8x1024xf32>
    %jit3A_282 = arith.constant 39 : i32
    %broadcast_in_dim3A_283 = vector.broadcast %jit3A_282 : i32 to vector<8x1024xi32>
    %select_n3A_284 = arith.select %lt3A_280, %broadcast_in_dim3A_283, %select_n3A_277 : vector<8x1024xi1>, vector<8x1024xi32>
    %slice3A_285 = vector.extract_strided_slice %reshape3A {offsets = [40, 0, 0], sizes = [1, 8, 1024], strides = [1, 1, 1]} : vector<250x8x1024xf32> to vector<1x8x1024xf32>
    %squeeze3A_286 = vector.shape_cast %slice3A_285 : vector<1x8x1024xf32> to vector<8x1024xf32>
    %lt3A_287 = arith.cmpf olt, %squeeze3A_286, %min3A_281 : vector<8x1024xf32>
    %min3A_288 = arith.minimumf %min3A_281, %squeeze3A_286 : vector<8x1024xf32>
    %jit3A_289 = arith.constant 40 : i32
    %broadcast_in_dim3A_290 = vector.broadcast %jit3A_289 : i32 to vector<8x1024xi32>
    %select_n3A_291 = arith.select %lt3A_287, %broadcast_in_dim3A_290, %select_n3A_284 : vector<8x1024xi1>, vector<8x1024xi32>
    %slice3A_292 = vector.extract_strided_slice %reshape3A {offsets = [41, 0, 0], sizes = [1, 8, 1024], strides = [1, 1, 1]} : vector<250x8x1024xf32> to vector<1x8x1024xf32>
    %squeeze3A_293 = vector.shape_cast %slice3A_292 : vector<1x8x1024xf32> to vector<8x1024xf32>
    %lt3A_294 = arith.cmpf olt, %squeeze3A_293, %min3A_288 : vector<8x1024xf32>
    %min3A_295 = arith.minimumf %min3A_288, %squeeze3A_293 : vector<8x1024xf32>
    %jit3A_296 = arith.constant 41 : i32
    %broadcast_in_dim3A_297 = vector.broadcast %jit3A_296 : i32 to vector<8x1024xi32>
    %select_n3A_298 = arith.select %lt3A_294, %broadcast_in_dim3A_297, %select_n3A_291 : vector<8x1024xi1>, vector<8x1024xi32>
    %slice3A_299 = vector.extract_strided_slice %reshape3A {offsets = [42, 0, 0], sizes = [1, 8, 1024], strides = [1, 1, 1]} : vector<250x8x1024xf32> to vector<1x8x1024xf32>
    %squeeze3A_300 = vector.shape_cast %slice3A_299 : vector<1x8x1024xf32> to vector<8x1024xf32>
    %lt3A_301 = arith.cmpf olt, %squeeze3A_300, %min3A_295 : vector<8x1024xf32>
    %min3A_302 = arith.minimumf %min3A_295, %squeeze3A_300 : vector<8x1024xf32>
    %jit3A_303 = arith.constant 42 : i32
    %broadcast_in_dim3A_304 = vector.broadcast %jit3A_303 : i32 to vector<8x1024xi32>
    %select_n3A_305 = arith.select %lt3A_301, %broadcast_in_dim3A_304, %select_n3A_298 : vector<8x1024xi1>, vector<8x1024xi32>
    %slice3A_306 = vector.extract_strided_slice %reshape3A {offsets = [43, 0, 0], sizes = [1, 8, 1024], strides = [1, 1, 1]} : vector<250x8x1024xf32> to vector<1x8x1024xf32>
    %squeeze3A_307 = vector.shape_cast %slice3A_306 : vector<1x8x1024xf32> to vector<8x1024xf32>
    %lt3A_308 = arith.cmpf olt, %squeeze3A_307, %min3A_302 : vector<8x1024xf32>
    %min3A_309 = arith.minimumf %min3A_302, %squeeze3A_307 : vector<8x1024xf32>
    %jit3A_310 = arith.constant 43 : i32
    %broadcast_in_dim3A_311 = vector.broadcast %jit3A_310 : i32 to vector<8x1024xi32>
    %select_n3A_312 = arith.select %lt3A_308, %broadcast_in_dim3A_311, %select_n3A_305 : vector<8x1024xi1>, vector<8x1024xi32>
    %slice3A_313 = vector.extract_strided_slice %reshape3A {offsets = [44, 0, 0], sizes = [1, 8, 1024], strides = [1, 1, 1]} : vector<250x8x1024xf32> to vector<1x8x1024xf32>
    %squeeze3A_314 = vector.shape_cast %slice3A_313 : vector<1x8x1024xf32> to vector<8x1024xf32>
    %lt3A_315 = arith.cmpf olt, %squeeze3A_314, %min3A_309 : vector<8x1024xf32>
    %min3A_316 = arith.minimumf %min3A_309, %squeeze3A_314 : vector<8x1024xf32>
    %jit3A_317 = arith.constant 44 : i32
    %broadcast_in_dim3A_318 = vector.broadcast %jit3A_317 : i32 to vector<8x1024xi32>
    %select_n3A_319 = arith.select %lt3A_315, %broadcast_in_dim3A_318, %select_n3A_312 : vector<8x1024xi1>, vector<8x1024xi32>
    %slice3A_320 = vector.extract_strided_slice %reshape3A {offsets = [45, 0, 0], sizes = [1, 8, 1024], strides = [1, 1, 1]} : vector<250x8x1024xf32> to vector<1x8x1024xf32>
    %squeeze3A_321 = vector.shape_cast %slice3A_320 : vector<1x8x1024xf32> to vector<8x1024xf32>
    %lt3A_322 = arith.cmpf olt, %squeeze3A_321, %min3A_316 : vector<8x1024xf32>
    %min3A_323 = arith.minimumf %min3A_316, %squeeze3A_321 : vector<8x1024xf32>
    %jit3A_324 = arith.constant 45 : i32
    %broadcast_in_dim3A_325 = vector.broadcast %jit3A_324 : i32 to vector<8x1024xi32>
    %select_n3A_326 = arith.select %lt3A_322, %broadcast_in_dim3A_325, %select_n3A_319 : vector<8x1024xi1>, vector<8x1024xi32>
    %slice3A_327 = vector.extract_strided_slice %reshape3A {offsets = [46, 0, 0], sizes = [1, 8, 1024], strides = [1, 1, 1]} : vector<250x8x1024xf32> to vector<1x8x1024xf32>
    %squeeze3A_328 = vector.shape_cast %slice3A_327 : vector<1x8x1024xf32> to vector<8x1024xf32>
    %lt3A_329 = arith.cmpf olt, %squeeze3A_328, %min3A_323 : vector<8x1024xf32>
    %min3A_330 = arith.minimumf %min3A_323, %squeeze3A_328 : vector<8x1024xf32>
    %jit3A_331 = arith.constant 46 : i32
    %broadcast_in_dim3A_332 = vector.broadcast %jit3A_331 : i32 to vector<8x1024xi32>
    %select_n3A_333 = arith.select %lt3A_329, %broadcast_in_dim3A_332, %select_n3A_326 : vector<8x1024xi1>, vector<8x1024xi32>
    %slice3A_334 = vector.extract_strided_slice %reshape3A {offsets = [47, 0, 0], sizes = [1, 8, 1024], strides = [1, 1, 1]} : vector<250x8x1024xf32> to vector<1x8x1024xf32>
    %squeeze3A_335 = vector.shape_cast %slice3A_334 : vector<1x8x1024xf32> to vector<8x1024xf32>
    %lt3A_336 = arith.cmpf olt, %squeeze3A_335, %min3A_330 : vector<8x1024xf32>
    %min3A_337 = arith.minimumf %min3A_330, %squeeze3A_335 : vector<8x1024xf32>
    %jit3A_338 = arith.constant 47 : i32
    %broadcast_in_dim3A_339 = vector.broadcast %jit3A_338 : i32 to vector<8x1024xi32>
    %select_n3A_340 = arith.select %lt3A_336, %broadcast_in_dim3A_339, %select_n3A_333 : vector<8x1024xi1>, vector<8x1024xi32>
    %slice3A_341 = vector.extract_strided_slice %reshape3A {offsets = [48, 0, 0], sizes = [1, 8, 1024], strides = [1, 1, 1]} : vector<250x8x1024xf32> to vector<1x8x1024xf32>
    %squeeze3A_342 = vector.shape_cast %slice3A_341 : vector<1x8x1024xf32> to vector<8x1024xf32>
    %lt3A_343 = arith.cmpf olt, %squeeze3A_342, %min3A_337 : vector<8x1024xf32>
    %min3A_344 = arith.minimumf %min3A_337, %squeeze3A_342 : vector<8x1024xf32>
    %jit3A_345 = arith.constant 48 : i32
    %broadcast_in_dim3A_346 = vector.broadcast %jit3A_345 : i32 to vector<8x1024xi32>
    %select_n3A_347 = arith.select %lt3A_343, %broadcast_in_dim3A_346, %select_n3A_340 : vector<8x1024xi1>, vector<8x1024xi32>
    %slice3A_348 = vector.extract_strided_slice %reshape3A {offsets = [49, 0, 0], sizes = [1, 8, 1024], strides = [1, 1, 1]} : vector<250x8x1024xf32> to vector<1x8x1024xf32>
    %squeeze3A_349 = vector.shape_cast %slice3A_348 : vector<1x8x1024xf32> to vector<8x1024xf32>
    %lt3A_350 = arith.cmpf olt, %squeeze3A_349, %min3A_344 : vector<8x1024xf32>
    %min3A_351 = arith.minimumf %min3A_344, %squeeze3A_349 : vector<8x1024xf32>
    %jit3A_352 = arith.constant 49 : i32
    %broadcast_in_dim3A_353 = vector.broadcast %jit3A_352 : i32 to vector<8x1024xi32>
    %select_n3A_354 = arith.select %lt3A_350, %broadcast_in_dim3A_353, %select_n3A_347 : vector<8x1024xi1>, vector<8x1024xi32>
    %slice3A_355 = vector.extract_strided_slice %reshape3A {offsets = [50, 0, 0], sizes = [1, 8, 1024], strides = [1, 1, 1]} : vector<250x8x1024xf32> to vector<1x8x1024xf32>
    %squeeze3A_356 = vector.shape_cast %slice3A_355 : vector<1x8x1024xf32> to vector<8x1024xf32>
    %lt3A_357 = arith.cmpf olt, %squeeze3A_356, %min3A_351 : vector<8x1024xf32>
    %min3A_358 = arith.minimumf %min3A_351, %squeeze3A_356 : vector<8x1024xf32>
    %jit3A_359 = arith.constant 50 : i32
    %broadcast_in_dim3A_360 = vector.broadcast %jit3A_359 : i32 to vector<8x1024xi32>
    %select_n3A_361 = arith.select %lt3A_357, %broadcast_in_dim3A_360, %select_n3A_354 : vector<8x1024xi1>, vector<8x1024xi32>
    %slice3A_362 = vector.extract_strided_slice %reshape3A {offsets = [51, 0, 0], sizes = [1, 8, 1024], strides = [1, 1, 1]} : vector<250x8x1024xf32> to vector<1x8x1024xf32>
    %squeeze3A_363 = vector.shape_cast %slice3A_362 : vector<1x8x1024xf32> to vector<8x1024xf32>
    %lt3A_364 = arith.cmpf olt, %squeeze3A_363, %min3A_358 : vector<8x1024xf32>
    %min3A_365 = arith.minimumf %min3A_358, %squeeze3A_363 : vector<8x1024xf32>
    %jit3A_366 = arith.constant 51 : i32
    %broadcast_in_dim3A_367 = vector.broadcast %jit3A_366 : i32 to vector<8x1024xi32>
    %select_n3A_368 = arith.select %lt3A_364, %broadcast_in_dim3A_367, %select_n3A_361 : vector<8x1024xi1>, vector<8x1024xi32>
    %slice3A_369 = vector.extract_strided_slice %reshape3A {offsets = [52, 0, 0], sizes = [1, 8, 1024], strides = [1, 1, 1]} : vector<250x8x1024xf32> to vector<1x8x1024xf32>
    %squeeze3A_370 = vector.shape_cast %slice3A_369 : vector<1x8x1024xf32> to vector<8x1024xf32>
    %lt3A_371 = arith.cmpf olt, %squeeze3A_370, %min3A_365 : vector<8x1024xf32>
    %min3A_372 = arith.minimumf %min3A_365, %squeeze3A_370 : vector<8x1024xf32>
    %jit3A_373 = arith.constant 52 : i32
    %broadcast_in_dim3A_374 = vector.broadcast %jit3A_373 : i32 to vector<8x1024xi32>
    %select_n3A_375 = arith.select %lt3A_371, %broadcast_in_dim3A_374, %select_n3A_368 : vector<8x1024xi1>, vector<8x1024xi32>
    %slice3A_376 = vector.extract_strided_slice %reshape3A {offsets = [53, 0, 0], sizes = [1, 8, 1024], strides = [1, 1, 1]} : vector<250x8x1024xf32> to vector<1x8x1024xf32>
    %squeeze3A_377 = vector.shape_cast %slice3A_376 : vector<1x8x1024xf32> to vector<8x1024xf32>
    %lt3A_378 = arith.cmpf olt, %squeeze3A_377, %min3A_372 : vector<8x1024xf32>
    %min3A_379 = arith.minimumf %min3A_372, %squeeze3A_377 : vector<8x1024xf32>
    %jit3A_380 = arith.constant 53 : i32
    %broadcast_in_dim3A_381 = vector.broadcast %jit3A_380 : i32 to vector<8x1024xi32>
    %select_n3A_382 = arith.select %lt3A_378, %broadcast_in_dim3A_381, %select_n3A_375 : vector<8x1024xi1>, vector<8x1024xi32>
    %slice3A_383 = vector.extract_strided_slice %reshape3A {offsets = [54, 0, 0], sizes = [1, 8, 1024], strides = [1, 1, 1]} : vector<250x8x1024xf32> to vector<1x8x1024xf32>
    %squeeze3A_384 = vector.shape_cast %slice3A_383 : vector<1x8x1024xf32> to vector<8x1024xf32>
    %lt3A_385 = arith.cmpf olt, %squeeze3A_384, %min3A_379 : vector<8x1024xf32>
    %min3A_386 = arith.minimumf %min3A_379, %squeeze3A_384 : vector<8x1024xf32>
    %jit3A_387 = arith.constant 54 : i32
    %broadcast_in_dim3A_388 = vector.broadcast %jit3A_387 : i32 to vector<8x1024xi32>
    %select_n3A_389 = arith.select %lt3A_385, %broadcast_in_dim3A_388, %select_n3A_382 : vector<8x1024xi1>, vector<8x1024xi32>
    %slice3A_390 = vector.extract_strided_slice %reshape3A {offsets = [55, 0, 0], sizes = [1, 8, 1024], strides = [1, 1, 1]} : vector<250x8x1024xf32> to vector<1x8x1024xf32>
    %squeeze3A_391 = vector.shape_cast %slice3A_390 : vector<1x8x1024xf32> to vector<8x1024xf32>
    %lt3A_392 = arith.cmpf olt, %squeeze3A_391, %min3A_386 : vector<8x1024xf32>
    %min3A_393 = arith.minimumf %min3A_386, %squeeze3A_391 : vector<8x1024xf32>
    %jit3A_394 = arith.constant 55 : i32
    %broadcast_in_dim3A_395 = vector.broadcast %jit3A_394 : i32 to vector<8x1024xi32>
    %select_n3A_396 = arith.select %lt3A_392, %broadcast_in_dim3A_395, %select_n3A_389 : vector<8x1024xi1>, vector<8x1024xi32>
    %slice3A_397 = vector.extract_strided_slice %reshape3A {offsets = [56, 0, 0], sizes = [1, 8, 1024], strides = [1, 1, 1]} : vector<250x8x1024xf32> to vector<1x8x1024xf32>
    %squeeze3A_398 = vector.shape_cast %slice3A_397 : vector<1x8x1024xf32> to vector<8x1024xf32>
    %lt3A_399 = arith.cmpf olt, %squeeze3A_398, %min3A_393 : vector<8x1024xf32>
    %min3A_400 = arith.minimumf %min3A_393, %squeeze3A_398 : vector<8x1024xf32>
    %jit3A_401 = arith.constant 56 : i32
    %broadcast_in_dim3A_402 = vector.broadcast %jit3A_401 : i32 to vector<8x1024xi32>
    %select_n3A_403 = arith.select %lt3A_399, %broadcast_in_dim3A_402, %select_n3A_396 : vector<8x1024xi1>, vector<8x1024xi32>
    %slice3A_404 = vector.extract_strided_slice %reshape3A {offsets = [57, 0, 0], sizes = [1, 8, 1024], strides = [1, 1, 1]} : vector<250x8x1024xf32> to vector<1x8x1024xf32>
    %squeeze3A_405 = vector.shape_cast %slice3A_404 : vector<1x8x1024xf32> to vector<8x1024xf32>
    %lt3A_406 = arith.cmpf olt, %squeeze3A_405, %min3A_400 : vector<8x1024xf32>
    %min3A_407 = arith.minimumf %min3A_400, %squeeze3A_405 : vector<8x1024xf32>
    %jit3A_408 = arith.constant 57 : i32
    %broadcast_in_dim3A_409 = vector.broadcast %jit3A_408 : i32 to vector<8x1024xi32>
    %select_n3A_410 = arith.select %lt3A_406, %broadcast_in_dim3A_409, %select_n3A_403 : vector<8x1024xi1>, vector<8x1024xi32>
    %slice3A_411 = vector.extract_strided_slice %reshape3A {offsets = [58, 0, 0], sizes = [1, 8, 1024], strides = [1, 1, 1]} : vector<250x8x1024xf32> to vector<1x8x1024xf32>
    %squeeze3A_412 = vector.shape_cast %slice3A_411 : vector<1x8x1024xf32> to vector<8x1024xf32>
    %lt3A_413 = arith.cmpf olt, %squeeze3A_412, %min3A_407 : vector<8x1024xf32>
    %min3A_414 = arith.minimumf %min3A_407, %squeeze3A_412 : vector<8x1024xf32>
    %jit3A_415 = arith.constant 58 : i32
    %broadcast_in_dim3A_416 = vector.broadcast %jit3A_415 : i32 to vector<8x1024xi32>
    %select_n3A_417 = arith.select %lt3A_413, %broadcast_in_dim3A_416, %select_n3A_410 : vector<8x1024xi1>, vector<8x1024xi32>
    %slice3A_418 = vector.extract_strided_slice %reshape3A {offsets = [59, 0, 0], sizes = [1, 8, 1024], strides = [1, 1, 1]} : vector<250x8x1024xf32> to vector<1x8x1024xf32>
    %squeeze3A_419 = vector.shape_cast %slice3A_418 : vector<1x8x1024xf32> to vector<8x1024xf32>
    %lt3A_420 = arith.cmpf olt, %squeeze3A_419, %min3A_414 : vector<8x1024xf32>
    %min3A_421 = arith.minimumf %min3A_414, %squeeze3A_419 : vector<8x1024xf32>
    %jit3A_422 = arith.constant 59 : i32
    %broadcast_in_dim3A_423 = vector.broadcast %jit3A_422 : i32 to vector<8x1024xi32>
    %select_n3A_424 = arith.select %lt3A_420, %broadcast_in_dim3A_423, %select_n3A_417 : vector<8x1024xi1>, vector<8x1024xi32>
    %slice3A_425 = vector.extract_strided_slice %reshape3A {offsets = [60, 0, 0], sizes = [1, 8, 1024], strides = [1, 1, 1]} : vector<250x8x1024xf32> to vector<1x8x1024xf32>
    %squeeze3A_426 = vector.shape_cast %slice3A_425 : vector<1x8x1024xf32> to vector<8x1024xf32>
    %lt3A_427 = arith.cmpf olt, %squeeze3A_426, %min3A_421 : vector<8x1024xf32>
    %min3A_428 = arith.minimumf %min3A_421, %squeeze3A_426 : vector<8x1024xf32>
    %jit3A_429 = arith.constant 60 : i32
    %broadcast_in_dim3A_430 = vector.broadcast %jit3A_429 : i32 to vector<8x1024xi32>
    %select_n3A_431 = arith.select %lt3A_427, %broadcast_in_dim3A_430, %select_n3A_424 : vector<8x1024xi1>, vector<8x1024xi32>
    %slice3A_432 = vector.extract_strided_slice %reshape3A {offsets = [61, 0, 0], sizes = [1, 8, 1024], strides = [1, 1, 1]} : vector<250x8x1024xf32> to vector<1x8x1024xf32>
    %squeeze3A_433 = vector.shape_cast %slice3A_432 : vector<1x8x1024xf32> to vector<8x1024xf32>
    %lt3A_434 = arith.cmpf olt, %squeeze3A_433, %min3A_428 : vector<8x1024xf32>
    %min3A_435 = arith.minimumf %min3A_428, %squeeze3A_433 : vector<8x1024xf32>
    %jit3A_436 = arith.constant 61 : i32
    %broadcast_in_dim3A_437 = vector.broadcast %jit3A_436 : i32 to vector<8x1024xi32>
    %select_n3A_438 = arith.select %lt3A_434, %broadcast_in_dim3A_437, %select_n3A_431 : vector<8x1024xi1>, vector<8x1024xi32>
    %slice3A_439 = vector.extract_strided_slice %reshape3A {offsets = [62, 0, 0], sizes = [1, 8, 1024], strides = [1, 1, 1]} : vector<250x8x1024xf32> to vector<1x8x1024xf32>
    %squeeze3A_440 = vector.shape_cast %slice3A_439 : vector<1x8x1024xf32> to vector<8x1024xf32>
    %lt3A_441 = arith.cmpf olt, %squeeze3A_440, %min3A_435 : vector<8x1024xf32>
    %min3A_442 = arith.minimumf %min3A_435, %squeeze3A_440 : vector<8x1024xf32>
    %jit3A_443 = arith.constant 62 : i32
    %broadcast_in_dim3A_444 = vector.broadcast %jit3A_443 : i32 to vector<8x1024xi32>
    %select_n3A_445 = arith.select %lt3A_441, %broadcast_in_dim3A_444, %select_n3A_438 : vector<8x1024xi1>, vector<8x1024xi32>
    %slice3A_446 = vector.extract_strided_slice %reshape3A {offsets = [63, 0, 0], sizes = [1, 8, 1024], strides = [1, 1, 1]} : vector<250x8x1024xf32> to vector<1x8x1024xf32>
    %squeeze3A_447 = vector.shape_cast %slice3A_446 : vector<1x8x1024xf32> to vector<8x1024xf32>
    %lt3A_448 = arith.cmpf olt, %squeeze3A_447, %min3A_442 : vector<8x1024xf32>
    %min3A_449 = arith.minimumf %min3A_442, %squeeze3A_447 : vector<8x1024xf32>
    %jit3A_450 = arith.constant 63 : i32
    %broadcast_in_dim3A_451 = vector.broadcast %jit3A_450 : i32 to vector<8x1024xi32>
    %select_n3A_452 = arith.select %lt3A_448, %broadcast_in_dim3A_451, %select_n3A_445 : vector<8x1024xi1>, vector<8x1024xi32>
    %slice3A_453 = vector.extract_strided_slice %reshape3A {offsets = [64, 0, 0], sizes = [1, 8, 1024], strides = [1, 1, 1]} : vector<250x8x1024xf32> to vector<1x8x1024xf32>
    %squeeze3A_454 = vector.shape_cast %slice3A_453 : vector<1x8x1024xf32> to vector<8x1024xf32>
    %lt3A_455 = arith.cmpf olt, %squeeze3A_454, %min3A_449 : vector<8x1024xf32>
    %min3A_456 = arith.minimumf %min3A_449, %squeeze3A_454 : vector<8x1024xf32>
    %jit3A_457 = arith.constant 64 : i32
    %broadcast_in_dim3A_458 = vector.broadcast %jit3A_457 : i32 to vector<8x1024xi32>
    %select_n3A_459 = arith.select %lt3A_455, %broadcast_in_dim3A_458, %select_n3A_452 : vector<8x1024xi1>, vector<8x1024xi32>
    %slice3A_460 = vector.extract_strided_slice %reshape3A {offsets = [65, 0, 0], sizes = [1, 8, 1024], strides = [1, 1, 1]} : vector<250x8x1024xf32> to vector<1x8x1024xf32>
    %squeeze3A_461 = vector.shape_cast %slice3A_460 : vector<1x8x1024xf32> to vector<8x1024xf32>
    %lt3A_462 = arith.cmpf olt, %squeeze3A_461, %min3A_456 : vector<8x1024xf32>
    %min3A_463 = arith.minimumf %min3A_456, %squeeze3A_461 : vector<8x1024xf32>
    %jit3A_464 = arith.constant 65 : i32
    %broadcast_in_dim3A_465 = vector.broadcast %jit3A_464 : i32 to vector<8x1024xi32>
    %select_n3A_466 = arith.select %lt3A_462, %broadcast_in_dim3A_465, %select_n3A_459 : vector<8x1024xi1>, vector<8x1024xi32>
    %slice3A_467 = vector.extract_strided_slice %reshape3A {offsets = [66, 0, 0], sizes = [1, 8, 1024], strides = [1, 1, 1]} : vector<250x8x1024xf32> to vector<1x8x1024xf32>
    %squeeze3A_468 = vector.shape_cast %slice3A_467 : vector<1x8x1024xf32> to vector<8x1024xf32>
    %lt3A_469 = arith.cmpf olt, %squeeze3A_468, %min3A_463 : vector<8x1024xf32>
    %min3A_470 = arith.minimumf %min3A_463, %squeeze3A_468 : vector<8x1024xf32>
    %jit3A_471 = arith.constant 66 : i32
    %broadcast_in_dim3A_472 = vector.broadcast %jit3A_471 : i32 to vector<8x1024xi32>
    %select_n3A_473 = arith.select %lt3A_469, %broadcast_in_dim3A_472, %select_n3A_466 : vector<8x1024xi1>, vector<8x1024xi32>
    %slice3A_474 = vector.extract_strided_slice %reshape3A {offsets = [67, 0, 0], sizes = [1, 8, 1024], strides = [1, 1, 1]} : vector<250x8x1024xf32> to vector<1x8x1024xf32>
    %squeeze3A_475 = vector.shape_cast %slice3A_474 : vector<1x8x1024xf32> to vector<8x1024xf32>
    %lt3A_476 = arith.cmpf olt, %squeeze3A_475, %min3A_470 : vector<8x1024xf32>
    %min3A_477 = arith.minimumf %min3A_470, %squeeze3A_475 : vector<8x1024xf32>
    %jit3A_478 = arith.constant 67 : i32
    %broadcast_in_dim3A_479 = vector.broadcast %jit3A_478 : i32 to vector<8x1024xi32>
    %select_n3A_480 = arith.select %lt3A_476, %broadcast_in_dim3A_479, %select_n3A_473 : vector<8x1024xi1>, vector<8x1024xi32>
    %slice3A_481 = vector.extract_strided_slice %reshape3A {offsets = [68, 0, 0], sizes = [1, 8, 1024], strides = [1, 1, 1]} : vector<250x8x1024xf32> to vector<1x8x1024xf32>
    %squeeze3A_482 = vector.shape_cast %slice3A_481 : vector<1x8x1024xf32> to vector<8x1024xf32>
    %lt3A_483 = arith.cmpf olt, %squeeze3A_482, %min3A_477 : vector<8x1024xf32>
    %min3A_484 = arith.minimumf %min3A_477, %squeeze3A_482 : vector<8x1024xf32>
    %jit3A_485 = arith.constant 68 : i32
    %broadcast_in_dim3A_486 = vector.broadcast %jit3A_485 : i32 to vector<8x1024xi32>
    %select_n3A_487 = arith.select %lt3A_483, %broadcast_in_dim3A_486, %select_n3A_480 : vector<8x1024xi1>, vector<8x1024xi32>
    %slice3A_488 = vector.extract_strided_slice %reshape3A {offsets = [69, 0, 0], sizes = [1, 8, 1024], strides = [1, 1, 1]} : vector<250x8x1024xf32> to vector<1x8x1024xf32>
    %squeeze3A_489 = vector.shape_cast %slice3A_488 : vector<1x8x1024xf32> to vector<8x1024xf32>
    %lt3A_490 = arith.cmpf olt, %squeeze3A_489, %min3A_484 : vector<8x1024xf32>
    %min3A_491 = arith.minimumf %min3A_484, %squeeze3A_489 : vector<8x1024xf32>
    %jit3A_492 = arith.constant 69 : i32
    %broadcast_in_dim3A_493 = vector.broadcast %jit3A_492 : i32 to vector<8x1024xi32>
    %select_n3A_494 = arith.select %lt3A_490, %broadcast_in_dim3A_493, %select_n3A_487 : vector<8x1024xi1>, vector<8x1024xi32>
    %slice3A_495 = vector.extract_strided_slice %reshape3A {offsets = [70, 0, 0], sizes = [1, 8, 1024], strides = [1, 1, 1]} : vector<250x8x1024xf32> to vector<1x8x1024xf32>
    %squeeze3A_496 = vector.shape_cast %slice3A_495 : vector<1x8x1024xf32> to vector<8x1024xf32>
    %lt3A_497 = arith.cmpf olt, %squeeze3A_496, %min3A_491 : vector<8x1024xf32>
    %min3A_498 = arith.minimumf %min3A_491, %squeeze3A_496 : vector<8x1024xf32>
    %jit3A_499 = arith.constant 70 : i32
    %broadcast_in_dim3A_500 = vector.broadcast %jit3A_499 : i32 to vector<8x1024xi32>
    %select_n3A_501 = arith.select %lt3A_497, %broadcast_in_dim3A_500, %select_n3A_494 : vector<8x1024xi1>, vector<8x1024xi32>
    %slice3A_502 = vector.extract_strided_slice %reshape3A {offsets = [71, 0, 0], sizes = [1, 8, 1024], strides = [1, 1, 1]} : vector<250x8x1024xf32> to vector<1x8x1024xf32>
    %squeeze3A_503 = vector.shape_cast %slice3A_502 : vector<1x8x1024xf32> to vector<8x1024xf32>
    %lt3A_504 = arith.cmpf olt, %squeeze3A_503, %min3A_498 : vector<8x1024xf32>
    %min3A_505 = arith.minimumf %min3A_498, %squeeze3A_503 : vector<8x1024xf32>
    %jit3A_506 = arith.constant 71 : i32
    %broadcast_in_dim3A_507 = vector.broadcast %jit3A_506 : i32 to vector<8x1024xi32>
    %select_n3A_508 = arith.select %lt3A_504, %broadcast_in_dim3A_507, %select_n3A_501 : vector<8x1024xi1>, vector<8x1024xi32>
    %slice3A_509 = vector.extract_strided_slice %reshape3A {offsets = [72, 0, 0], sizes = [1, 8, 1024], strides = [1, 1, 1]} : vector<250x8x1024xf32> to vector<1x8x1024xf32>
    %squeeze3A_510 = vector.shape_cast %slice3A_509 : vector<1x8x1024xf32> to vector<8x1024xf32>
    %lt3A_511 = arith.cmpf olt, %squeeze3A_510, %min3A_505 : vector<8x1024xf32>
    %min3A_512 = arith.minimumf %min3A_505, %squeeze3A_510 : vector<8x1024xf32>
    %jit3A_513 = arith.constant 72 : i32
    %broadcast_in_dim3A_514 = vector.broadcast %jit3A_513 : i32 to vector<8x1024xi32>
    %select_n3A_515 = arith.select %lt3A_511, %broadcast_in_dim3A_514, %select_n3A_508 : vector<8x1024xi1>, vector<8x1024xi32>
    %slice3A_516 = vector.extract_strided_slice %reshape3A {offsets = [73, 0, 0], sizes = [1, 8, 1024], strides = [1, 1, 1]} : vector<250x8x1024xf32> to vector<1x8x1024xf32>
    %squeeze3A_517 = vector.shape_cast %slice3A_516 : vector<1x8x1024xf32> to vector<8x1024xf32>
    %lt3A_518 = arith.cmpf olt, %squeeze3A_517, %min3A_512 : vector<8x1024xf32>
    %min3A_519 = arith.minimumf %min3A_512, %squeeze3A_517 : vector<8x1024xf32>
    %jit3A_520 = arith.constant 73 : i32
    %broadcast_in_dim3A_521 = vector.broadcast %jit3A_520 : i32 to vector<8x1024xi32>
    %select_n3A_522 = arith.select %lt3A_518, %broadcast_in_dim3A_521, %select_n3A_515 : vector<8x1024xi1>, vector<8x1024xi32>
    %slice3A_523 = vector.extract_strided_slice %reshape3A {offsets = [74, 0, 0], sizes = [1, 8, 1024], strides = [1, 1, 1]} : vector<250x8x1024xf32> to vector<1x8x1024xf32>
    %squeeze3A_524 = vector.shape_cast %slice3A_523 : vector<1x8x1024xf32> to vector<8x1024xf32>
    %lt3A_525 = arith.cmpf olt, %squeeze3A_524, %min3A_519 : vector<8x1024xf32>
    %min3A_526 = arith.minimumf %min3A_519, %squeeze3A_524 : vector<8x1024xf32>
    %jit3A_527 = arith.constant 74 : i32
    %broadcast_in_dim3A_528 = vector.broadcast %jit3A_527 : i32 to vector<8x1024xi32>
    %select_n3A_529 = arith.select %lt3A_525, %broadcast_in_dim3A_528, %select_n3A_522 : vector<8x1024xi1>, vector<8x1024xi32>
    %slice3A_530 = vector.extract_strided_slice %reshape3A {offsets = [75, 0, 0], sizes = [1, 8, 1024], strides = [1, 1, 1]} : vector<250x8x1024xf32> to vector<1x8x1024xf32>
    %squeeze3A_531 = vector.shape_cast %slice3A_530 : vector<1x8x1024xf32> to vector<8x1024xf32>
    %lt3A_532 = arith.cmpf olt, %squeeze3A_531, %min3A_526 : vector<8x1024xf32>
    %min3A_533 = arith.minimumf %min3A_526, %squeeze3A_531 : vector<8x1024xf32>
    %jit3A_534 = arith.constant 75 : i32
    %broadcast_in_dim3A_535 = vector.broadcast %jit3A_534 : i32 to vector<8x1024xi32>
    %select_n3A_536 = arith.select %lt3A_532, %broadcast_in_dim3A_535, %select_n3A_529 : vector<8x1024xi1>, vector<8x1024xi32>
    %slice3A_537 = vector.extract_strided_slice %reshape3A {offsets = [76, 0, 0], sizes = [1, 8, 1024], strides = [1, 1, 1]} : vector<250x8x1024xf32> to vector<1x8x1024xf32>
    %squeeze3A_538 = vector.shape_cast %slice3A_537 : vector<1x8x1024xf32> to vector<8x1024xf32>
    %lt3A_539 = arith.cmpf olt, %squeeze3A_538, %min3A_533 : vector<8x1024xf32>
    %min3A_540 = arith.minimumf %min3A_533, %squeeze3A_538 : vector<8x1024xf32>
    %jit3A_541 = arith.constant 76 : i32
    %broadcast_in_dim3A_542 = vector.broadcast %jit3A_541 : i32 to vector<8x1024xi32>
    %select_n3A_543 = arith.select %lt3A_539, %broadcast_in_dim3A_542, %select_n3A_536 : vector<8x1024xi1>, vector<8x1024xi32>
    %slice3A_544 = vector.extract_strided_slice %reshape3A {offsets = [77, 0, 0], sizes = [1, 8, 1024], strides = [1, 1, 1]} : vector<250x8x1024xf32> to vector<1x8x1024xf32>
    %squeeze3A_545 = vector.shape_cast %slice3A_544 : vector<1x8x1024xf32> to vector<8x1024xf32>
    %lt3A_546 = arith.cmpf olt, %squeeze3A_545, %min3A_540 : vector<8x1024xf32>
    %min3A_547 = arith.minimumf %min3A_540, %squeeze3A_545 : vector<8x1024xf32>
    %jit3A_548 = arith.constant 77 : i32
    %broadcast_in_dim3A_549 = vector.broadcast %jit3A_548 : i32 to vector<8x1024xi32>
    %select_n3A_550 = arith.select %lt3A_546, %broadcast_in_dim3A_549, %select_n3A_543 : vector<8x1024xi1>, vector<8x1024xi32>
    %slice3A_551 = vector.extract_strided_slice %reshape3A {offsets = [78, 0, 0], sizes = [1, 8, 1024], strides = [1, 1, 1]} : vector<250x8x1024xf32> to vector<1x8x1024xf32>
    %squeeze3A_552 = vector.shape_cast %slice3A_551 : vector<1x8x1024xf32> to vector<8x1024xf32>
    %lt3A_553 = arith.cmpf olt, %squeeze3A_552, %min3A_547 : vector<8x1024xf32>
    %min3A_554 = arith.minimumf %min3A_547, %squeeze3A_552 : vector<8x1024xf32>
    %jit3A_555 = arith.constant 78 : i32
    %broadcast_in_dim3A_556 = vector.broadcast %jit3A_555 : i32 to vector<8x1024xi32>
    %select_n3A_557 = arith.select %lt3A_553, %broadcast_in_dim3A_556, %select_n3A_550 : vector<8x1024xi1>, vector<8x1024xi32>
    %slice3A_558 = vector.extract_strided_slice %reshape3A {offsets = [79, 0, 0], sizes = [1, 8, 1024], strides = [1, 1, 1]} : vector<250x8x1024xf32> to vector<1x8x1024xf32>
    %squeeze3A_559 = vector.shape_cast %slice3A_558 : vector<1x8x1024xf32> to vector<8x1024xf32>
    %lt3A_560 = arith.cmpf olt, %squeeze3A_559, %min3A_554 : vector<8x1024xf32>
    %min3A_561 = arith.minimumf %min3A_554, %squeeze3A_559 : vector<8x1024xf32>
    %jit3A_562 = arith.constant 79 : i32
    %broadcast_in_dim3A_563 = vector.broadcast %jit3A_562 : i32 to vector<8x1024xi32>
    %select_n3A_564 = arith.select %lt3A_560, %broadcast_in_dim3A_563, %select_n3A_557 : vector<8x1024xi1>, vector<8x1024xi32>
    %slice3A_565 = vector.extract_strided_slice %reshape3A {offsets = [80, 0, 0], sizes = [1, 8, 1024], strides = [1, 1, 1]} : vector<250x8x1024xf32> to vector<1x8x1024xf32>
    %squeeze3A_566 = vector.shape_cast %slice3A_565 : vector<1x8x1024xf32> to vector<8x1024xf32>
    %lt3A_567 = arith.cmpf olt, %squeeze3A_566, %min3A_561 : vector<8x1024xf32>
    %min3A_568 = arith.minimumf %min3A_561, %squeeze3A_566 : vector<8x1024xf32>
    %jit3A_569 = arith.constant 80 : i32
    %broadcast_in_dim3A_570 = vector.broadcast %jit3A_569 : i32 to vector<8x1024xi32>
    %select_n3A_571 = arith.select %lt3A_567, %broadcast_in_dim3A_570, %select_n3A_564 : vector<8x1024xi1>, vector<8x1024xi32>
    %slice3A_572 = vector.extract_strided_slice %reshape3A {offsets = [81, 0, 0], sizes = [1, 8, 1024], strides = [1, 1, 1]} : vector<250x8x1024xf32> to vector<1x8x1024xf32>
    %squeeze3A_573 = vector.shape_cast %slice3A_572 : vector<1x8x1024xf32> to vector<8x1024xf32>
    %lt3A_574 = arith.cmpf olt, %squeeze3A_573, %min3A_568 : vector<8x1024xf32>
    %min3A_575 = arith.minimumf %min3A_568, %squeeze3A_573 : vector<8x1024xf32>
    %jit3A_576 = arith.constant 81 : i32
    %broadcast_in_dim3A_577 = vector.broadcast %jit3A_576 : i32 to vector<8x1024xi32>
    %select_n3A_578 = arith.select %lt3A_574, %broadcast_in_dim3A_577, %select_n3A_571 : vector<8x1024xi1>, vector<8x1024xi32>
    %slice3A_579 = vector.extract_strided_slice %reshape3A {offsets = [82, 0, 0], sizes = [1, 8, 1024], strides = [1, 1, 1]} : vector<250x8x1024xf32> to vector<1x8x1024xf32>
    %squeeze3A_580 = vector.shape_cast %slice3A_579 : vector<1x8x1024xf32> to vector<8x1024xf32>
    %lt3A_581 = arith.cmpf olt, %squeeze3A_580, %min3A_575 : vector<8x1024xf32>
    %min3A_582 = arith.minimumf %min3A_575, %squeeze3A_580 : vector<8x1024xf32>
    %jit3A_583 = arith.constant 82 : i32
    %broadcast_in_dim3A_584 = vector.broadcast %jit3A_583 : i32 to vector<8x1024xi32>
    %select_n3A_585 = arith.select %lt3A_581, %broadcast_in_dim3A_584, %select_n3A_578 : vector<8x1024xi1>, vector<8x1024xi32>
    %slice3A_586 = vector.extract_strided_slice %reshape3A {offsets = [83, 0, 0], sizes = [1, 8, 1024], strides = [1, 1, 1]} : vector<250x8x1024xf32> to vector<1x8x1024xf32>
    %squeeze3A_587 = vector.shape_cast %slice3A_586 : vector<1x8x1024xf32> to vector<8x1024xf32>
    %lt3A_588 = arith.cmpf olt, %squeeze3A_587, %min3A_582 : vector<8x1024xf32>
    %min3A_589 = arith.minimumf %min3A_582, %squeeze3A_587 : vector<8x1024xf32>
    %jit3A_590 = arith.constant 83 : i32
    %broadcast_in_dim3A_591 = vector.broadcast %jit3A_590 : i32 to vector<8x1024xi32>
    %select_n3A_592 = arith.select %lt3A_588, %broadcast_in_dim3A_591, %select_n3A_585 : vector<8x1024xi1>, vector<8x1024xi32>
    %slice3A_593 = vector.extract_strided_slice %reshape3A {offsets = [84, 0, 0], sizes = [1, 8, 1024], strides = [1, 1, 1]} : vector<250x8x1024xf32> to vector<1x8x1024xf32>
    %squeeze3A_594 = vector.shape_cast %slice3A_593 : vector<1x8x1024xf32> to vector<8x1024xf32>
    %lt3A_595 = arith.cmpf olt, %squeeze3A_594, %min3A_589 : vector<8x1024xf32>
    %min3A_596 = arith.minimumf %min3A_589, %squeeze3A_594 : vector<8x1024xf32>
    %jit3A_597 = arith.constant 84 : i32
    %broadcast_in_dim3A_598 = vector.broadcast %jit3A_597 : i32 to vector<8x1024xi32>
    %select_n3A_599 = arith.select %lt3A_595, %broadcast_in_dim3A_598, %select_n3A_592 : vector<8x1024xi1>, vector<8x1024xi32>
    %slice3A_600 = vector.extract_strided_slice %reshape3A {offsets = [85, 0, 0], sizes = [1, 8, 1024], strides = [1, 1, 1]} : vector<250x8x1024xf32> to vector<1x8x1024xf32>
    %squeeze3A_601 = vector.shape_cast %slice3A_600 : vector<1x8x1024xf32> to vector<8x1024xf32>
    %lt3A_602 = arith.cmpf olt, %squeeze3A_601, %min3A_596 : vector<8x1024xf32>
    %min3A_603 = arith.minimumf %min3A_596, %squeeze3A_601 : vector<8x1024xf32>
    %jit3A_604 = arith.constant 85 : i32
    %broadcast_in_dim3A_605 = vector.broadcast %jit3A_604 : i32 to vector<8x1024xi32>
    %select_n3A_606 = arith.select %lt3A_602, %broadcast_in_dim3A_605, %select_n3A_599 : vector<8x1024xi1>, vector<8x1024xi32>
    %slice3A_607 = vector.extract_strided_slice %reshape3A {offsets = [86, 0, 0], sizes = [1, 8, 1024], strides = [1, 1, 1]} : vector<250x8x1024xf32> to vector<1x8x1024xf32>
    %squeeze3A_608 = vector.shape_cast %slice3A_607 : vector<1x8x1024xf32> to vector<8x1024xf32>
    %lt3A_609 = arith.cmpf olt, %squeeze3A_608, %min3A_603 : vector<8x1024xf32>
    %min3A_610 = arith.minimumf %min3A_603, %squeeze3A_608 : vector<8x1024xf32>
    %jit3A_611 = arith.constant 86 : i32
    %broadcast_in_dim3A_612 = vector.broadcast %jit3A_611 : i32 to vector<8x1024xi32>
    %select_n3A_613 = arith.select %lt3A_609, %broadcast_in_dim3A_612, %select_n3A_606 : vector<8x1024xi1>, vector<8x1024xi32>
    %slice3A_614 = vector.extract_strided_slice %reshape3A {offsets = [87, 0, 0], sizes = [1, 8, 1024], strides = [1, 1, 1]} : vector<250x8x1024xf32> to vector<1x8x1024xf32>
    %squeeze3A_615 = vector.shape_cast %slice3A_614 : vector<1x8x1024xf32> to vector<8x1024xf32>
    %lt3A_616 = arith.cmpf olt, %squeeze3A_615, %min3A_610 : vector<8x1024xf32>
    %min3A_617 = arith.minimumf %min3A_610, %squeeze3A_615 : vector<8x1024xf32>
    %jit3A_618 = arith.constant 87 : i32
    %broadcast_in_dim3A_619 = vector.broadcast %jit3A_618 : i32 to vector<8x1024xi32>
    %select_n3A_620 = arith.select %lt3A_616, %broadcast_in_dim3A_619, %select_n3A_613 : vector<8x1024xi1>, vector<8x1024xi32>
    %slice3A_621 = vector.extract_strided_slice %reshape3A {offsets = [88, 0, 0], sizes = [1, 8, 1024], strides = [1, 1, 1]} : vector<250x8x1024xf32> to vector<1x8x1024xf32>
    %squeeze3A_622 = vector.shape_cast %slice3A_621 : vector<1x8x1024xf32> to vector<8x1024xf32>
    %lt3A_623 = arith.cmpf olt, %squeeze3A_622, %min3A_617 : vector<8x1024xf32>
    %min3A_624 = arith.minimumf %min3A_617, %squeeze3A_622 : vector<8x1024xf32>
    %jit3A_625 = arith.constant 88 : i32
    %broadcast_in_dim3A_626 = vector.broadcast %jit3A_625 : i32 to vector<8x1024xi32>
    %select_n3A_627 = arith.select %lt3A_623, %broadcast_in_dim3A_626, %select_n3A_620 : vector<8x1024xi1>, vector<8x1024xi32>
    %slice3A_628 = vector.extract_strided_slice %reshape3A {offsets = [89, 0, 0], sizes = [1, 8, 1024], strides = [1, 1, 1]} : vector<250x8x1024xf32> to vector<1x8x1024xf32>
    %squeeze3A_629 = vector.shape_cast %slice3A_628 : vector<1x8x1024xf32> to vector<8x1024xf32>
    %lt3A_630 = arith.cmpf olt, %squeeze3A_629, %min3A_624 : vector<8x1024xf32>
    %min3A_631 = arith.minimumf %min3A_624, %squeeze3A_629 : vector<8x1024xf32>
    %jit3A_632 = arith.constant 89 : i32
    %broadcast_in_dim3A_633 = vector.broadcast %jit3A_632 : i32 to vector<8x1024xi32>
    %select_n3A_634 = arith.select %lt3A_630, %broadcast_in_dim3A_633, %select_n3A_627 : vector<8x1024xi1>, vector<8x1024xi32>
    %slice3A_635 = vector.extract_strided_slice %reshape3A {offsets = [90, 0, 0], sizes = [1, 8, 1024], strides = [1, 1, 1]} : vector<250x8x1024xf32> to vector<1x8x1024xf32>
    %squeeze3A_636 = vector.shape_cast %slice3A_635 : vector<1x8x1024xf32> to vector<8x1024xf32>
    %lt3A_637 = arith.cmpf olt, %squeeze3A_636, %min3A_631 : vector<8x1024xf32>
    %min3A_638 = arith.minimumf %min3A_631, %squeeze3A_636 : vector<8x1024xf32>
    %jit3A_639 = arith.constant 90 : i32
    %broadcast_in_dim3A_640 = vector.broadcast %jit3A_639 : i32 to vector<8x1024xi32>
    %select_n3A_641 = arith.select %lt3A_637, %broadcast_in_dim3A_640, %select_n3A_634 : vector<8x1024xi1>, vector<8x1024xi32>
    %slice3A_642 = vector.extract_strided_slice %reshape3A {offsets = [91, 0, 0], sizes = [1, 8, 1024], strides = [1, 1, 1]} : vector<250x8x1024xf32> to vector<1x8x1024xf32>
    %squeeze3A_643 = vector.shape_cast %slice3A_642 : vector<1x8x1024xf32> to vector<8x1024xf32>
    %lt3A_644 = arith.cmpf olt, %squeeze3A_643, %min3A_638 : vector<8x1024xf32>
    %min3A_645 = arith.minimumf %min3A_638, %squeeze3A_643 : vector<8x1024xf32>
    %jit3A_646 = arith.constant 91 : i32
    %broadcast_in_dim3A_647 = vector.broadcast %jit3A_646 : i32 to vector<8x1024xi32>
    %select_n3A_648 = arith.select %lt3A_644, %broadcast_in_dim3A_647, %select_n3A_641 : vector<8x1024xi1>, vector<8x1024xi32>
    %slice3A_649 = vector.extract_strided_slice %reshape3A {offsets = [92, 0, 0], sizes = [1, 8, 1024], strides = [1, 1, 1]} : vector<250x8x1024xf32> to vector<1x8x1024xf32>
    %squeeze3A_650 = vector.shape_cast %slice3A_649 : vector<1x8x1024xf32> to vector<8x1024xf32>
    %lt3A_651 = arith.cmpf olt, %squeeze3A_650, %min3A_645 : vector<8x1024xf32>
    %min3A_652 = arith.minimumf %min3A_645, %squeeze3A_650 : vector<8x1024xf32>
    %jit3A_653 = arith.constant 92 : i32
    %broadcast_in_dim3A_654 = vector.broadcast %jit3A_653 : i32 to vector<8x1024xi32>
    %select_n3A_655 = arith.select %lt3A_651, %broadcast_in_dim3A_654, %select_n3A_648 : vector<8x1024xi1>, vector<8x1024xi32>
    %slice3A_656 = vector.extract_strided_slice %reshape3A {offsets = [93, 0, 0], sizes = [1, 8, 1024], strides = [1, 1, 1]} : vector<250x8x1024xf32> to vector<1x8x1024xf32>
    %squeeze3A_657 = vector.shape_cast %slice3A_656 : vector<1x8x1024xf32> to vector<8x1024xf32>
    %lt3A_658 = arith.cmpf olt, %squeeze3A_657, %min3A_652 : vector<8x1024xf32>
    %min3A_659 = arith.minimumf %min3A_652, %squeeze3A_657 : vector<8x1024xf32>
    %jit3A_660 = arith.constant 93 : i32
    %broadcast_in_dim3A_661 = vector.broadcast %jit3A_660 : i32 to vector<8x1024xi32>
    %select_n3A_662 = arith.select %lt3A_658, %broadcast_in_dim3A_661, %select_n3A_655 : vector<8x1024xi1>, vector<8x1024xi32>
    %slice3A_663 = vector.extract_strided_slice %reshape3A {offsets = [94, 0, 0], sizes = [1, 8, 1024], strides = [1, 1, 1]} : vector<250x8x1024xf32> to vector<1x8x1024xf32>
    %squeeze3A_664 = vector.shape_cast %slice3A_663 : vector<1x8x1024xf32> to vector<8x1024xf32>
    %lt3A_665 = arith.cmpf olt, %squeeze3A_664, %min3A_659 : vector<8x1024xf32>
    %min3A_666 = arith.minimumf %min3A_659, %squeeze3A_664 : vector<8x1024xf32>
    %jit3A_667 = arith.constant 94 : i32
    %broadcast_in_dim3A_668 = vector.broadcast %jit3A_667 : i32 to vector<8x1024xi32>
    %select_n3A_669 = arith.select %lt3A_665, %broadcast_in_dim3A_668, %select_n3A_662 : vector<8x1024xi1>, vector<8x1024xi32>
    %slice3A_670 = vector.extract_strided_slice %reshape3A {offsets = [95, 0, 0], sizes = [1, 8, 1024], strides = [1, 1, 1]} : vector<250x8x1024xf32> to vector<1x8x1024xf32>
    %squeeze3A_671 = vector.shape_cast %slice3A_670 : vector<1x8x1024xf32> to vector<8x1024xf32>
    %lt3A_672 = arith.cmpf olt, %squeeze3A_671, %min3A_666 : vector<8x1024xf32>
    %min3A_673 = arith.minimumf %min3A_666, %squeeze3A_671 : vector<8x1024xf32>
    %jit3A_674 = arith.constant 95 : i32
    %broadcast_in_dim3A_675 = vector.broadcast %jit3A_674 : i32 to vector<8x1024xi32>
    %select_n3A_676 = arith.select %lt3A_672, %broadcast_in_dim3A_675, %select_n3A_669 : vector<8x1024xi1>, vector<8x1024xi32>
    %slice3A_677 = vector.extract_strided_slice %reshape3A {offsets = [96, 0, 0], sizes = [1, 8, 1024], strides = [1, 1, 1]} : vector<250x8x1024xf32> to vector<1x8x1024xf32>
    %squeeze3A_678 = vector.shape_cast %slice3A_677 : vector<1x8x1024xf32> to vector<8x1024xf32>
    %lt3A_679 = arith.cmpf olt, %squeeze3A_678, %min3A_673 : vector<8x1024xf32>
    %min3A_680 = arith.minimumf %min3A_673, %squeeze3A_678 : vector<8x1024xf32>
    %jit3A_681 = arith.constant 96 : i32
    %broadcast_in_dim3A_682 = vector.broadcast %jit3A_681 : i32 to vector<8x1024xi32>
    %select_n3A_683 = arith.select %lt3A_679, %broadcast_in_dim3A_682, %select_n3A_676 : vector<8x1024xi1>, vector<8x1024xi32>
    %slice3A_684 = vector.extract_strided_slice %reshape3A {offsets = [97, 0, 0], sizes = [1, 8, 1024], strides = [1, 1, 1]} : vector<250x8x1024xf32> to vector<1x8x1024xf32>
    %squeeze3A_685 = vector.shape_cast %slice3A_684 : vector<1x8x1024xf32> to vector<8x1024xf32>
    %lt3A_686 = arith.cmpf olt, %squeeze3A_685, %min3A_680 : vector<8x1024xf32>
    %min3A_687 = arith.minimumf %min3A_680, %squeeze3A_685 : vector<8x1024xf32>
    %jit3A_688 = arith.constant 97 : i32
    %broadcast_in_dim3A_689 = vector.broadcast %jit3A_688 : i32 to vector<8x1024xi32>
    %select_n3A_690 = arith.select %lt3A_686, %broadcast_in_dim3A_689, %select_n3A_683 : vector<8x1024xi1>, vector<8x1024xi32>
    %slice3A_691 = vector.extract_strided_slice %reshape3A {offsets = [98, 0, 0], sizes = [1, 8, 1024], strides = [1, 1, 1]} : vector<250x8x1024xf32> to vector<1x8x1024xf32>
    %squeeze3A_692 = vector.shape_cast %slice3A_691 : vector<1x8x1024xf32> to vector<8x1024xf32>
    %lt3A_693 = arith.cmpf olt, %squeeze3A_692, %min3A_687 : vector<8x1024xf32>
    %min3A_694 = arith.minimumf %min3A_687, %squeeze3A_692 : vector<8x1024xf32>
    %jit3A_695 = arith.constant 98 : i32
    %broadcast_in_dim3A_696 = vector.broadcast %jit3A_695 : i32 to vector<8x1024xi32>
    %select_n3A_697 = arith.select %lt3A_693, %broadcast_in_dim3A_696, %select_n3A_690 : vector<8x1024xi1>, vector<8x1024xi32>
    %slice3A_698 = vector.extract_strided_slice %reshape3A {offsets = [99, 0, 0], sizes = [1, 8, 1024], strides = [1, 1, 1]} : vector<250x8x1024xf32> to vector<1x8x1024xf32>
    %squeeze3A_699 = vector.shape_cast %slice3A_698 : vector<1x8x1024xf32> to vector<8x1024xf32>
    %lt3A_700 = arith.cmpf olt, %squeeze3A_699, %min3A_694 : vector<8x1024xf32>
    %min3A_701 = arith.minimumf %min3A_694, %squeeze3A_699 : vector<8x1024xf32>
    %jit3A_702 = arith.constant 99 : i32
    %broadcast_in_dim3A_703 = vector.broadcast %jit3A_702 : i32 to vector<8x1024xi32>
    %select_n3A_704 = arith.select %lt3A_700, %broadcast_in_dim3A_703, %select_n3A_697 : vector<8x1024xi1>, vector<8x1024xi32>
    %slice3A_705 = vector.extract_strided_slice %reshape3A {offsets = [100, 0, 0], sizes = [1, 8, 1024], strides = [1, 1, 1]} : vector<250x8x1024xf32> to vector<1x8x1024xf32>
    %squeeze3A_706 = vector.shape_cast %slice3A_705 : vector<1x8x1024xf32> to vector<8x1024xf32>
    %lt3A_707 = arith.cmpf olt, %squeeze3A_706, %min3A_701 : vector<8x1024xf32>
    %min3A_708 = arith.minimumf %min3A_701, %squeeze3A_706 : vector<8x1024xf32>
    %jit3A_709 = arith.constant 100 : i32
    %broadcast_in_dim3A_710 = vector.broadcast %jit3A_709 : i32 to vector<8x1024xi32>
    %select_n3A_711 = arith.select %lt3A_707, %broadcast_in_dim3A_710, %select_n3A_704 : vector<8x1024xi1>, vector<8x1024xi32>
    %slice3A_712 = vector.extract_strided_slice %reshape3A {offsets = [101, 0, 0], sizes = [1, 8, 1024], strides = [1, 1, 1]} : vector<250x8x1024xf32> to vector<1x8x1024xf32>
    %squeeze3A_713 = vector.shape_cast %slice3A_712 : vector<1x8x1024xf32> to vector<8x1024xf32>
    %lt3A_714 = arith.cmpf olt, %squeeze3A_713, %min3A_708 : vector<8x1024xf32>
    %min3A_715 = arith.minimumf %min3A_708, %squeeze3A_713 : vector<8x1024xf32>
    %jit3A_716 = arith.constant 101 : i32
    %broadcast_in_dim3A_717 = vector.broadcast %jit3A_716 : i32 to vector<8x1024xi32>
    %select_n3A_718 = arith.select %lt3A_714, %broadcast_in_dim3A_717, %select_n3A_711 : vector<8x1024xi1>, vector<8x1024xi32>
    %slice3A_719 = vector.extract_strided_slice %reshape3A {offsets = [102, 0, 0], sizes = [1, 8, 1024], strides = [1, 1, 1]} : vector<250x8x1024xf32> to vector<1x8x1024xf32>
    %squeeze3A_720 = vector.shape_cast %slice3A_719 : vector<1x8x1024xf32> to vector<8x1024xf32>
    %lt3A_721 = arith.cmpf olt, %squeeze3A_720, %min3A_715 : vector<8x1024xf32>
    %min3A_722 = arith.minimumf %min3A_715, %squeeze3A_720 : vector<8x1024xf32>
    %jit3A_723 = arith.constant 102 : i32
    %broadcast_in_dim3A_724 = vector.broadcast %jit3A_723 : i32 to vector<8x1024xi32>
    %select_n3A_725 = arith.select %lt3A_721, %broadcast_in_dim3A_724, %select_n3A_718 : vector<8x1024xi1>, vector<8x1024xi32>
    %slice3A_726 = vector.extract_strided_slice %reshape3A {offsets = [103, 0, 0], sizes = [1, 8, 1024], strides = [1, 1, 1]} : vector<250x8x1024xf32> to vector<1x8x1024xf32>
    %squeeze3A_727 = vector.shape_cast %slice3A_726 : vector<1x8x1024xf32> to vector<8x1024xf32>
    %lt3A_728 = arith.cmpf olt, %squeeze3A_727, %min3A_722 : vector<8x1024xf32>
    %min3A_729 = arith.minimumf %min3A_722, %squeeze3A_727 : vector<8x1024xf32>
    %jit3A_730 = arith.constant 103 : i32
    %broadcast_in_dim3A_731 = vector.broadcast %jit3A_730 : i32 to vector<8x1024xi32>
    %select_n3A_732 = arith.select %lt3A_728, %broadcast_in_dim3A_731, %select_n3A_725 : vector<8x1024xi1>, vector<8x1024xi32>
    %slice3A_733 = vector.extract_strided_slice %reshape3A {offsets = [104, 0, 0], sizes = [1, 8, 1024], strides = [1, 1, 1]} : vector<250x8x1024xf32> to vector<1x8x1024xf32>
    %squeeze3A_734 = vector.shape_cast %slice3A_733 : vector<1x8x1024xf32> to vector<8x1024xf32>
    %lt3A_735 = arith.cmpf olt, %squeeze3A_734, %min3A_729 : vector<8x1024xf32>
    %min3A_736 = arith.minimumf %min3A_729, %squeeze3A_734 : vector<8x1024xf32>
    %jit3A_737 = arith.constant 104 : i32
    %broadcast_in_dim3A_738 = vector.broadcast %jit3A_737 : i32 to vector<8x1024xi32>
    %select_n3A_739 = arith.select %lt3A_735, %broadcast_in_dim3A_738, %select_n3A_732 : vector<8x1024xi1>, vector<8x1024xi32>
    %slice3A_740 = vector.extract_strided_slice %reshape3A {offsets = [105, 0, 0], sizes = [1, 8, 1024], strides = [1, 1, 1]} : vector<250x8x1024xf32> to vector<1x8x1024xf32>
    %squeeze3A_741 = vector.shape_cast %slice3A_740 : vector<1x8x1024xf32> to vector<8x1024xf32>
    %lt3A_742 = arith.cmpf olt, %squeeze3A_741, %min3A_736 : vector<8x1024xf32>
    %min3A_743 = arith.minimumf %min3A_736, %squeeze3A_741 : vector<8x1024xf32>
    %jit3A_744 = arith.constant 105 : i32
    %broadcast_in_dim3A_745 = vector.broadcast %jit3A_744 : i32 to vector<8x1024xi32>
    %select_n3A_746 = arith.select %lt3A_742, %broadcast_in_dim3A_745, %select_n3A_739 : vector<8x1024xi1>, vector<8x1024xi32>
    %slice3A_747 = vector.extract_strided_slice %reshape3A {offsets = [106, 0, 0], sizes = [1, 8, 1024], strides = [1, 1, 1]} : vector<250x8x1024xf32> to vector<1x8x1024xf32>
    %squeeze3A_748 = vector.shape_cast %slice3A_747 : vector<1x8x1024xf32> to vector<8x1024xf32>
    %lt3A_749 = arith.cmpf olt, %squeeze3A_748, %min3A_743 : vector<8x1024xf32>
    %min3A_750 = arith.minimumf %min3A_743, %squeeze3A_748 : vector<8x1024xf32>
    %jit3A_751 = arith.constant 106 : i32
    %broadcast_in_dim3A_752 = vector.broadcast %jit3A_751 : i32 to vector<8x1024xi32>
    %select_n3A_753 = arith.select %lt3A_749, %broadcast_in_dim3A_752, %select_n3A_746 : vector<8x1024xi1>, vector<8x1024xi32>
    %slice3A_754 = vector.extract_strided_slice %reshape3A {offsets = [107, 0, 0], sizes = [1, 8, 1024], strides = [1, 1, 1]} : vector<250x8x1024xf32> to vector<1x8x1024xf32>
    %squeeze3A_755 = vector.shape_cast %slice3A_754 : vector<1x8x1024xf32> to vector<8x1024xf32>
    %lt3A_756 = arith.cmpf olt, %squeeze3A_755, %min3A_750 : vector<8x1024xf32>
    %min3A_757 = arith.minimumf %min3A_750, %squeeze3A_755 : vector<8x1024xf32>
    %jit3A_758 = arith.constant 107 : i32
    %broadcast_in_dim3A_759 = vector.broadcast %jit3A_758 : i32 to vector<8x1024xi32>
    %select_n3A_760 = arith.select %lt3A_756, %broadcast_in_dim3A_759, %select_n3A_753 : vector<8x1024xi1>, vector<8x1024xi32>
    %slice3A_761 = vector.extract_strided_slice %reshape3A {offsets = [108, 0, 0], sizes = [1, 8, 1024], strides = [1, 1, 1]} : vector<250x8x1024xf32> to vector<1x8x1024xf32>
    %squeeze3A_762 = vector.shape_cast %slice3A_761 : vector<1x8x1024xf32> to vector<8x1024xf32>
    %lt3A_763 = arith.cmpf olt, %squeeze3A_762, %min3A_757 : vector<8x1024xf32>
    %min3A_764 = arith.minimumf %min3A_757, %squeeze3A_762 : vector<8x1024xf32>
    %jit3A_765 = arith.constant 108 : i32
    %broadcast_in_dim3A_766 = vector.broadcast %jit3A_765 : i32 to vector<8x1024xi32>
    %select_n3A_767 = arith.select %lt3A_763, %broadcast_in_dim3A_766, %select_n3A_760 : vector<8x1024xi1>, vector<8x1024xi32>
    %slice3A_768 = vector.extract_strided_slice %reshape3A {offsets = [109, 0, 0], sizes = [1, 8, 1024], strides = [1, 1, 1]} : vector<250x8x1024xf32> to vector<1x8x1024xf32>
    %squeeze3A_769 = vector.shape_cast %slice3A_768 : vector<1x8x1024xf32> to vector<8x1024xf32>
    %lt3A_770 = arith.cmpf olt, %squeeze3A_769, %min3A_764 : vector<8x1024xf32>
    %min3A_771 = arith.minimumf %min3A_764, %squeeze3A_769 : vector<8x1024xf32>
    %jit3A_772 = arith.constant 109 : i32
    %broadcast_in_dim3A_773 = vector.broadcast %jit3A_772 : i32 to vector<8x1024xi32>
    %select_n3A_774 = arith.select %lt3A_770, %broadcast_in_dim3A_773, %select_n3A_767 : vector<8x1024xi1>, vector<8x1024xi32>
    %slice3A_775 = vector.extract_strided_slice %reshape3A {offsets = [110, 0, 0], sizes = [1, 8, 1024], strides = [1, 1, 1]} : vector<250x8x1024xf32> to vector<1x8x1024xf32>
    %squeeze3A_776 = vector.shape_cast %slice3A_775 : vector<1x8x1024xf32> to vector<8x1024xf32>
    %lt3A_777 = arith.cmpf olt, %squeeze3A_776, %min3A_771 : vector<8x1024xf32>
    %min3A_778 = arith.minimumf %min3A_771, %squeeze3A_776 : vector<8x1024xf32>
    %jit3A_779 = arith.constant 110 : i32
    %broadcast_in_dim3A_780 = vector.broadcast %jit3A_779 : i32 to vector<8x1024xi32>
    %select_n3A_781 = arith.select %lt3A_777, %broadcast_in_dim3A_780, %select_n3A_774 : vector<8x1024xi1>, vector<8x1024xi32>
    %slice3A_782 = vector.extract_strided_slice %reshape3A {offsets = [111, 0, 0], sizes = [1, 8, 1024], strides = [1, 1, 1]} : vector<250x8x1024xf32> to vector<1x8x1024xf32>
    %squeeze3A_783 = vector.shape_cast %slice3A_782 : vector<1x8x1024xf32> to vector<8x1024xf32>
    %lt3A_784 = arith.cmpf olt, %squeeze3A_783, %min3A_778 : vector<8x1024xf32>
    %min3A_785 = arith.minimumf %min3A_778, %squeeze3A_783 : vector<8x1024xf32>
    %jit3A_786 = arith.constant 111 : i32
    %broadcast_in_dim3A_787 = vector.broadcast %jit3A_786 : i32 to vector<8x1024xi32>
    %select_n3A_788 = arith.select %lt3A_784, %broadcast_in_dim3A_787, %select_n3A_781 : vector<8x1024xi1>, vector<8x1024xi32>
    %slice3A_789 = vector.extract_strided_slice %reshape3A {offsets = [112, 0, 0], sizes = [1, 8, 1024], strides = [1, 1, 1]} : vector<250x8x1024xf32> to vector<1x8x1024xf32>
    %squeeze3A_790 = vector.shape_cast %slice3A_789 : vector<1x8x1024xf32> to vector<8x1024xf32>
    %lt3A_791 = arith.cmpf olt, %squeeze3A_790, %min3A_785 : vector<8x1024xf32>
    %min3A_792 = arith.minimumf %min3A_785, %squeeze3A_790 : vector<8x1024xf32>
    %jit3A_793 = arith.constant 112 : i32
    %broadcast_in_dim3A_794 = vector.broadcast %jit3A_793 : i32 to vector<8x1024xi32>
    %select_n3A_795 = arith.select %lt3A_791, %broadcast_in_dim3A_794, %select_n3A_788 : vector<8x1024xi1>, vector<8x1024xi32>
    %slice3A_796 = vector.extract_strided_slice %reshape3A {offsets = [113, 0, 0], sizes = [1, 8, 1024], strides = [1, 1, 1]} : vector<250x8x1024xf32> to vector<1x8x1024xf32>
    %squeeze3A_797 = vector.shape_cast %slice3A_796 : vector<1x8x1024xf32> to vector<8x1024xf32>
    %lt3A_798 = arith.cmpf olt, %squeeze3A_797, %min3A_792 : vector<8x1024xf32>
    %min3A_799 = arith.minimumf %min3A_792, %squeeze3A_797 : vector<8x1024xf32>
    %jit3A_800 = arith.constant 113 : i32
    %broadcast_in_dim3A_801 = vector.broadcast %jit3A_800 : i32 to vector<8x1024xi32>
    %select_n3A_802 = arith.select %lt3A_798, %broadcast_in_dim3A_801, %select_n3A_795 : vector<8x1024xi1>, vector<8x1024xi32>
    %slice3A_803 = vector.extract_strided_slice %reshape3A {offsets = [114, 0, 0], sizes = [1, 8, 1024], strides = [1, 1, 1]} : vector<250x8x1024xf32> to vector<1x8x1024xf32>
    %squeeze3A_804 = vector.shape_cast %slice3A_803 : vector<1x8x1024xf32> to vector<8x1024xf32>
    %lt3A_805 = arith.cmpf olt, %squeeze3A_804, %min3A_799 : vector<8x1024xf32>
    %min3A_806 = arith.minimumf %min3A_799, %squeeze3A_804 : vector<8x1024xf32>
    %jit3A_807 = arith.constant 114 : i32
    %broadcast_in_dim3A_808 = vector.broadcast %jit3A_807 : i32 to vector<8x1024xi32>
    %select_n3A_809 = arith.select %lt3A_805, %broadcast_in_dim3A_808, %select_n3A_802 : vector<8x1024xi1>, vector<8x1024xi32>
    %slice3A_810 = vector.extract_strided_slice %reshape3A {offsets = [115, 0, 0], sizes = [1, 8, 1024], strides = [1, 1, 1]} : vector<250x8x1024xf32> to vector<1x8x1024xf32>
    %squeeze3A_811 = vector.shape_cast %slice3A_810 : vector<1x8x1024xf32> to vector<8x1024xf32>
    %lt3A_812 = arith.cmpf olt, %squeeze3A_811, %min3A_806 : vector<8x1024xf32>
    %min3A_813 = arith.minimumf %min3A_806, %squeeze3A_811 : vector<8x1024xf32>
    %jit3A_814 = arith.constant 115 : i32
    %broadcast_in_dim3A_815 = vector.broadcast %jit3A_814 : i32 to vector<8x1024xi32>
    %select_n3A_816 = arith.select %lt3A_812, %broadcast_in_dim3A_815, %select_n3A_809 : vector<8x1024xi1>, vector<8x1024xi32>
    %slice3A_817 = vector.extract_strided_slice %reshape3A {offsets = [116, 0, 0], sizes = [1, 8, 1024], strides = [1, 1, 1]} : vector<250x8x1024xf32> to vector<1x8x1024xf32>
    %squeeze3A_818 = vector.shape_cast %slice3A_817 : vector<1x8x1024xf32> to vector<8x1024xf32>
    %lt3A_819 = arith.cmpf olt, %squeeze3A_818, %min3A_813 : vector<8x1024xf32>
    %min3A_820 = arith.minimumf %min3A_813, %squeeze3A_818 : vector<8x1024xf32>
    %jit3A_821 = arith.constant 116 : i32
    %broadcast_in_dim3A_822 = vector.broadcast %jit3A_821 : i32 to vector<8x1024xi32>
    %select_n3A_823 = arith.select %lt3A_819, %broadcast_in_dim3A_822, %select_n3A_816 : vector<8x1024xi1>, vector<8x1024xi32>
    %slice3A_824 = vector.extract_strided_slice %reshape3A {offsets = [117, 0, 0], sizes = [1, 8, 1024], strides = [1, 1, 1]} : vector<250x8x1024xf32> to vector<1x8x1024xf32>
    %squeeze3A_825 = vector.shape_cast %slice3A_824 : vector<1x8x1024xf32> to vector<8x1024xf32>
    %lt3A_826 = arith.cmpf olt, %squeeze3A_825, %min3A_820 : vector<8x1024xf32>
    %min3A_827 = arith.minimumf %min3A_820, %squeeze3A_825 : vector<8x1024xf32>
    %jit3A_828 = arith.constant 117 : i32
    %broadcast_in_dim3A_829 = vector.broadcast %jit3A_828 : i32 to vector<8x1024xi32>
    %select_n3A_830 = arith.select %lt3A_826, %broadcast_in_dim3A_829, %select_n3A_823 : vector<8x1024xi1>, vector<8x1024xi32>
    %slice3A_831 = vector.extract_strided_slice %reshape3A {offsets = [118, 0, 0], sizes = [1, 8, 1024], strides = [1, 1, 1]} : vector<250x8x1024xf32> to vector<1x8x1024xf32>
    %squeeze3A_832 = vector.shape_cast %slice3A_831 : vector<1x8x1024xf32> to vector<8x1024xf32>
    %lt3A_833 = arith.cmpf olt, %squeeze3A_832, %min3A_827 : vector<8x1024xf32>
    %min3A_834 = arith.minimumf %min3A_827, %squeeze3A_832 : vector<8x1024xf32>
    %jit3A_835 = arith.constant 118 : i32
    %broadcast_in_dim3A_836 = vector.broadcast %jit3A_835 : i32 to vector<8x1024xi32>
    %select_n3A_837 = arith.select %lt3A_833, %broadcast_in_dim3A_836, %select_n3A_830 : vector<8x1024xi1>, vector<8x1024xi32>
    %slice3A_838 = vector.extract_strided_slice %reshape3A {offsets = [119, 0, 0], sizes = [1, 8, 1024], strides = [1, 1, 1]} : vector<250x8x1024xf32> to vector<1x8x1024xf32>
    %squeeze3A_839 = vector.shape_cast %slice3A_838 : vector<1x8x1024xf32> to vector<8x1024xf32>
    %lt3A_840 = arith.cmpf olt, %squeeze3A_839, %min3A_834 : vector<8x1024xf32>
    %min3A_841 = arith.minimumf %min3A_834, %squeeze3A_839 : vector<8x1024xf32>
    %jit3A_842 = arith.constant 119 : i32
    %broadcast_in_dim3A_843 = vector.broadcast %jit3A_842 : i32 to vector<8x1024xi32>
    %select_n3A_844 = arith.select %lt3A_840, %broadcast_in_dim3A_843, %select_n3A_837 : vector<8x1024xi1>, vector<8x1024xi32>
    %slice3A_845 = vector.extract_strided_slice %reshape3A {offsets = [120, 0, 0], sizes = [1, 8, 1024], strides = [1, 1, 1]} : vector<250x8x1024xf32> to vector<1x8x1024xf32>
    %squeeze3A_846 = vector.shape_cast %slice3A_845 : vector<1x8x1024xf32> to vector<8x1024xf32>
    %lt3A_847 = arith.cmpf olt, %squeeze3A_846, %min3A_841 : vector<8x1024xf32>
    %min3A_848 = arith.minimumf %min3A_841, %squeeze3A_846 : vector<8x1024xf32>
    %jit3A_849 = arith.constant 120 : i32
    %broadcast_in_dim3A_850 = vector.broadcast %jit3A_849 : i32 to vector<8x1024xi32>
    %select_n3A_851 = arith.select %lt3A_847, %broadcast_in_dim3A_850, %select_n3A_844 : vector<8x1024xi1>, vector<8x1024xi32>
    %slice3A_852 = vector.extract_strided_slice %reshape3A {offsets = [121, 0, 0], sizes = [1, 8, 1024], strides = [1, 1, 1]} : vector<250x8x1024xf32> to vector<1x8x1024xf32>
    %squeeze3A_853 = vector.shape_cast %slice3A_852 : vector<1x8x1024xf32> to vector<8x1024xf32>
    %lt3A_854 = arith.cmpf olt, %squeeze3A_853, %min3A_848 : vector<8x1024xf32>
    %min3A_855 = arith.minimumf %min3A_848, %squeeze3A_853 : vector<8x1024xf32>
    %jit3A_856 = arith.constant 121 : i32
    %broadcast_in_dim3A_857 = vector.broadcast %jit3A_856 : i32 to vector<8x1024xi32>
    %select_n3A_858 = arith.select %lt3A_854, %broadcast_in_dim3A_857, %select_n3A_851 : vector<8x1024xi1>, vector<8x1024xi32>
    %slice3A_859 = vector.extract_strided_slice %reshape3A {offsets = [122, 0, 0], sizes = [1, 8, 1024], strides = [1, 1, 1]} : vector<250x8x1024xf32> to vector<1x8x1024xf32>
    %squeeze3A_860 = vector.shape_cast %slice3A_859 : vector<1x8x1024xf32> to vector<8x1024xf32>
    %lt3A_861 = arith.cmpf olt, %squeeze3A_860, %min3A_855 : vector<8x1024xf32>
    %min3A_862 = arith.minimumf %min3A_855, %squeeze3A_860 : vector<8x1024xf32>
    %jit3A_863 = arith.constant 122 : i32
    %broadcast_in_dim3A_864 = vector.broadcast %jit3A_863 : i32 to vector<8x1024xi32>
    %select_n3A_865 = arith.select %lt3A_861, %broadcast_in_dim3A_864, %select_n3A_858 : vector<8x1024xi1>, vector<8x1024xi32>
    %slice3A_866 = vector.extract_strided_slice %reshape3A {offsets = [123, 0, 0], sizes = [1, 8, 1024], strides = [1, 1, 1]} : vector<250x8x1024xf32> to vector<1x8x1024xf32>
    %squeeze3A_867 = vector.shape_cast %slice3A_866 : vector<1x8x1024xf32> to vector<8x1024xf32>
    %lt3A_868 = arith.cmpf olt, %squeeze3A_867, %min3A_862 : vector<8x1024xf32>
    %min3A_869 = arith.minimumf %min3A_862, %squeeze3A_867 : vector<8x1024xf32>
    %jit3A_870 = arith.constant 123 : i32
    %broadcast_in_dim3A_871 = vector.broadcast %jit3A_870 : i32 to vector<8x1024xi32>
    %select_n3A_872 = arith.select %lt3A_868, %broadcast_in_dim3A_871, %select_n3A_865 : vector<8x1024xi1>, vector<8x1024xi32>
    %slice3A_873 = vector.extract_strided_slice %reshape3A {offsets = [124, 0, 0], sizes = [1, 8, 1024], strides = [1, 1, 1]} : vector<250x8x1024xf32> to vector<1x8x1024xf32>
    %squeeze3A_874 = vector.shape_cast %slice3A_873 : vector<1x8x1024xf32> to vector<8x1024xf32>
    %lt3A_875 = arith.cmpf olt, %squeeze3A_874, %min3A_869 : vector<8x1024xf32>
    %min3A_876 = arith.minimumf %min3A_869, %squeeze3A_874 : vector<8x1024xf32>
    %jit3A_877 = arith.constant 124 : i32
    %broadcast_in_dim3A_878 = vector.broadcast %jit3A_877 : i32 to vector<8x1024xi32>
    %select_n3A_879 = arith.select %lt3A_875, %broadcast_in_dim3A_878, %select_n3A_872 : vector<8x1024xi1>, vector<8x1024xi32>
    %slice3A_880 = vector.extract_strided_slice %reshape3A {offsets = [125, 0, 0], sizes = [1, 8, 1024], strides = [1, 1, 1]} : vector<250x8x1024xf32> to vector<1x8x1024xf32>
    %squeeze3A_881 = vector.shape_cast %slice3A_880 : vector<1x8x1024xf32> to vector<8x1024xf32>
    %lt3A_882 = arith.cmpf olt, %squeeze3A_881, %min3A_876 : vector<8x1024xf32>
    %min3A_883 = arith.minimumf %min3A_876, %squeeze3A_881 : vector<8x1024xf32>
    %jit3A_884 = arith.constant 125 : i32
    %broadcast_in_dim3A_885 = vector.broadcast %jit3A_884 : i32 to vector<8x1024xi32>
    %select_n3A_886 = arith.select %lt3A_882, %broadcast_in_dim3A_885, %select_n3A_879 : vector<8x1024xi1>, vector<8x1024xi32>
    %slice3A_887 = vector.extract_strided_slice %reshape3A {offsets = [126, 0, 0], sizes = [1, 8, 1024], strides = [1, 1, 1]} : vector<250x8x1024xf32> to vector<1x8x1024xf32>
    %squeeze3A_888 = vector.shape_cast %slice3A_887 : vector<1x8x1024xf32> to vector<8x1024xf32>
    %lt3A_889 = arith.cmpf olt, %squeeze3A_888, %min3A_883 : vector<8x1024xf32>
    %min3A_890 = arith.minimumf %min3A_883, %squeeze3A_888 : vector<8x1024xf32>
    %jit3A_891 = arith.constant 126 : i32
    %broadcast_in_dim3A_892 = vector.broadcast %jit3A_891 : i32 to vector<8x1024xi32>
    %select_n3A_893 = arith.select %lt3A_889, %broadcast_in_dim3A_892, %select_n3A_886 : vector<8x1024xi1>, vector<8x1024xi32>
    %slice3A_894 = vector.extract_strided_slice %reshape3A {offsets = [127, 0, 0], sizes = [1, 8, 1024], strides = [1, 1, 1]} : vector<250x8x1024xf32> to vector<1x8x1024xf32>
    %squeeze3A_895 = vector.shape_cast %slice3A_894 : vector<1x8x1024xf32> to vector<8x1024xf32>
    %lt3A_896 = arith.cmpf olt, %squeeze3A_895, %min3A_890 : vector<8x1024xf32>
    %min3A_897 = arith.minimumf %min3A_890, %squeeze3A_895 : vector<8x1024xf32>
    %jit3A_898 = arith.constant 127 : i32
    %broadcast_in_dim3A_899 = vector.broadcast %jit3A_898 : i32 to vector<8x1024xi32>
    %select_n3A_900 = arith.select %lt3A_896, %broadcast_in_dim3A_899, %select_n3A_893 : vector<8x1024xi1>, vector<8x1024xi32>
    %slice3A_901 = vector.extract_strided_slice %reshape3A {offsets = [128, 0, 0], sizes = [1, 8, 1024], strides = [1, 1, 1]} : vector<250x8x1024xf32> to vector<1x8x1024xf32>
    %squeeze3A_902 = vector.shape_cast %slice3A_901 : vector<1x8x1024xf32> to vector<8x1024xf32>
    %lt3A_903 = arith.cmpf olt, %squeeze3A_902, %min3A_897 : vector<8x1024xf32>
    %min3A_904 = arith.minimumf %min3A_897, %squeeze3A_902 : vector<8x1024xf32>
    %jit3A_905 = arith.constant 128 : i32
    %broadcast_in_dim3A_906 = vector.broadcast %jit3A_905 : i32 to vector<8x1024xi32>
    %select_n3A_907 = arith.select %lt3A_903, %broadcast_in_dim3A_906, %select_n3A_900 : vector<8x1024xi1>, vector<8x1024xi32>
    %slice3A_908 = vector.extract_strided_slice %reshape3A {offsets = [129, 0, 0], sizes = [1, 8, 1024], strides = [1, 1, 1]} : vector<250x8x1024xf32> to vector<1x8x1024xf32>
    %squeeze3A_909 = vector.shape_cast %slice3A_908 : vector<1x8x1024xf32> to vector<8x1024xf32>
    %lt3A_910 = arith.cmpf olt, %squeeze3A_909, %min3A_904 : vector<8x1024xf32>
    %min3A_911 = arith.minimumf %min3A_904, %squeeze3A_909 : vector<8x1024xf32>
    %jit3A_912 = arith.constant 129 : i32
    %broadcast_in_dim3A_913 = vector.broadcast %jit3A_912 : i32 to vector<8x1024xi32>
    %select_n3A_914 = arith.select %lt3A_910, %broadcast_in_dim3A_913, %select_n3A_907 : vector<8x1024xi1>, vector<8x1024xi32>
    %slice3A_915 = vector.extract_strided_slice %reshape3A {offsets = [130, 0, 0], sizes = [1, 8, 1024], strides = [1, 1, 1]} : vector<250x8x1024xf32> to vector<1x8x1024xf32>
    %squeeze3A_916 = vector.shape_cast %slice3A_915 : vector<1x8x1024xf32> to vector<8x1024xf32>
    %lt3A_917 = arith.cmpf olt, %squeeze3A_916, %min3A_911 : vector<8x1024xf32>
    %min3A_918 = arith.minimumf %min3A_911, %squeeze3A_916 : vector<8x1024xf32>
    %jit3A_919 = arith.constant 130 : i32
    %broadcast_in_dim3A_920 = vector.broadcast %jit3A_919 : i32 to vector<8x1024xi32>
    %select_n3A_921 = arith.select %lt3A_917, %broadcast_in_dim3A_920, %select_n3A_914 : vector<8x1024xi1>, vector<8x1024xi32>
    %slice3A_922 = vector.extract_strided_slice %reshape3A {offsets = [131, 0, 0], sizes = [1, 8, 1024], strides = [1, 1, 1]} : vector<250x8x1024xf32> to vector<1x8x1024xf32>
    %squeeze3A_923 = vector.shape_cast %slice3A_922 : vector<1x8x1024xf32> to vector<8x1024xf32>
    %lt3A_924 = arith.cmpf olt, %squeeze3A_923, %min3A_918 : vector<8x1024xf32>
    %min3A_925 = arith.minimumf %min3A_918, %squeeze3A_923 : vector<8x1024xf32>
    %jit3A_926 = arith.constant 131 : i32
    %broadcast_in_dim3A_927 = vector.broadcast %jit3A_926 : i32 to vector<8x1024xi32>
    %select_n3A_928 = arith.select %lt3A_924, %broadcast_in_dim3A_927, %select_n3A_921 : vector<8x1024xi1>, vector<8x1024xi32>
    %slice3A_929 = vector.extract_strided_slice %reshape3A {offsets = [132, 0, 0], sizes = [1, 8, 1024], strides = [1, 1, 1]} : vector<250x8x1024xf32> to vector<1x8x1024xf32>
    %squeeze3A_930 = vector.shape_cast %slice3A_929 : vector<1x8x1024xf32> to vector<8x1024xf32>
    %lt3A_931 = arith.cmpf olt, %squeeze3A_930, %min3A_925 : vector<8x1024xf32>
    %min3A_932 = arith.minimumf %min3A_925, %squeeze3A_930 : vector<8x1024xf32>
    %jit3A_933 = arith.constant 132 : i32
    %broadcast_in_dim3A_934 = vector.broadcast %jit3A_933 : i32 to vector<8x1024xi32>
    %select_n3A_935 = arith.select %lt3A_931, %broadcast_in_dim3A_934, %select_n3A_928 : vector<8x1024xi1>, vector<8x1024xi32>
    %slice3A_936 = vector.extract_strided_slice %reshape3A {offsets = [133, 0, 0], sizes = [1, 8, 1024], strides = [1, 1, 1]} : vector<250x8x1024xf32> to vector<1x8x1024xf32>
    %squeeze3A_937 = vector.shape_cast %slice3A_936 : vector<1x8x1024xf32> to vector<8x1024xf32>
    %lt3A_938 = arith.cmpf olt, %squeeze3A_937, %min3A_932 : vector<8x1024xf32>
    %min3A_939 = arith.minimumf %min3A_932, %squeeze3A_937 : vector<8x1024xf32>
    %jit3A_940 = arith.constant 133 : i32
    %broadcast_in_dim3A_941 = vector.broadcast %jit3A_940 : i32 to vector<8x1024xi32>
    %select_n3A_942 = arith.select %lt3A_938, %broadcast_in_dim3A_941, %select_n3A_935 : vector<8x1024xi1>, vector<8x1024xi32>
    %slice3A_943 = vector.extract_strided_slice %reshape3A {offsets = [134, 0, 0], sizes = [1, 8, 1024], strides = [1, 1, 1]} : vector<250x8x1024xf32> to vector<1x8x1024xf32>
    %squeeze3A_944 = vector.shape_cast %slice3A_943 : vector<1x8x1024xf32> to vector<8x1024xf32>
    %lt3A_945 = arith.cmpf olt, %squeeze3A_944, %min3A_939 : vector<8x1024xf32>
    %min3A_946 = arith.minimumf %min3A_939, %squeeze3A_944 : vector<8x1024xf32>
    %jit3A_947 = arith.constant 134 : i32
    %broadcast_in_dim3A_948 = vector.broadcast %jit3A_947 : i32 to vector<8x1024xi32>
    %select_n3A_949 = arith.select %lt3A_945, %broadcast_in_dim3A_948, %select_n3A_942 : vector<8x1024xi1>, vector<8x1024xi32>
    %slice3A_950 = vector.extract_strided_slice %reshape3A {offsets = [135, 0, 0], sizes = [1, 8, 1024], strides = [1, 1, 1]} : vector<250x8x1024xf32> to vector<1x8x1024xf32>
    %squeeze3A_951 = vector.shape_cast %slice3A_950 : vector<1x8x1024xf32> to vector<8x1024xf32>
    %lt3A_952 = arith.cmpf olt, %squeeze3A_951, %min3A_946 : vector<8x1024xf32>
    %min3A_953 = arith.minimumf %min3A_946, %squeeze3A_951 : vector<8x1024xf32>
    %jit3A_954 = arith.constant 135 : i32
    %broadcast_in_dim3A_955 = vector.broadcast %jit3A_954 : i32 to vector<8x1024xi32>
    %select_n3A_956 = arith.select %lt3A_952, %broadcast_in_dim3A_955, %select_n3A_949 : vector<8x1024xi1>, vector<8x1024xi32>
    %slice3A_957 = vector.extract_strided_slice %reshape3A {offsets = [136, 0, 0], sizes = [1, 8, 1024], strides = [1, 1, 1]} : vector<250x8x1024xf32> to vector<1x8x1024xf32>
    %squeeze3A_958 = vector.shape_cast %slice3A_957 : vector<1x8x1024xf32> to vector<8x1024xf32>
    %lt3A_959 = arith.cmpf olt, %squeeze3A_958, %min3A_953 : vector<8x1024xf32>
    %min3A_960 = arith.minimumf %min3A_953, %squeeze3A_958 : vector<8x1024xf32>
    %jit3A_961 = arith.constant 136 : i32
    %broadcast_in_dim3A_962 = vector.broadcast %jit3A_961 : i32 to vector<8x1024xi32>
    %select_n3A_963 = arith.select %lt3A_959, %broadcast_in_dim3A_962, %select_n3A_956 : vector<8x1024xi1>, vector<8x1024xi32>
    %slice3A_964 = vector.extract_strided_slice %reshape3A {offsets = [137, 0, 0], sizes = [1, 8, 1024], strides = [1, 1, 1]} : vector<250x8x1024xf32> to vector<1x8x1024xf32>
    %squeeze3A_965 = vector.shape_cast %slice3A_964 : vector<1x8x1024xf32> to vector<8x1024xf32>
    %lt3A_966 = arith.cmpf olt, %squeeze3A_965, %min3A_960 : vector<8x1024xf32>
    %min3A_967 = arith.minimumf %min3A_960, %squeeze3A_965 : vector<8x1024xf32>
    %jit3A_968 = arith.constant 137 : i32
    %broadcast_in_dim3A_969 = vector.broadcast %jit3A_968 : i32 to vector<8x1024xi32>
    %select_n3A_970 = arith.select %lt3A_966, %broadcast_in_dim3A_969, %select_n3A_963 : vector<8x1024xi1>, vector<8x1024xi32>
    %slice3A_971 = vector.extract_strided_slice %reshape3A {offsets = [138, 0, 0], sizes = [1, 8, 1024], strides = [1, 1, 1]} : vector<250x8x1024xf32> to vector<1x8x1024xf32>
    %squeeze3A_972 = vector.shape_cast %slice3A_971 : vector<1x8x1024xf32> to vector<8x1024xf32>
    %lt3A_973 = arith.cmpf olt, %squeeze3A_972, %min3A_967 : vector<8x1024xf32>
    %min3A_974 = arith.minimumf %min3A_967, %squeeze3A_972 : vector<8x1024xf32>
    %jit3A_975 = arith.constant 138 : i32
    %broadcast_in_dim3A_976 = vector.broadcast %jit3A_975 : i32 to vector<8x1024xi32>
    %select_n3A_977 = arith.select %lt3A_973, %broadcast_in_dim3A_976, %select_n3A_970 : vector<8x1024xi1>, vector<8x1024xi32>
    %slice3A_978 = vector.extract_strided_slice %reshape3A {offsets = [139, 0, 0], sizes = [1, 8, 1024], strides = [1, 1, 1]} : vector<250x8x1024xf32> to vector<1x8x1024xf32>
    %squeeze3A_979 = vector.shape_cast %slice3A_978 : vector<1x8x1024xf32> to vector<8x1024xf32>
    %lt3A_980 = arith.cmpf olt, %squeeze3A_979, %min3A_974 : vector<8x1024xf32>
    %min3A_981 = arith.minimumf %min3A_974, %squeeze3A_979 : vector<8x1024xf32>
    %jit3A_982 = arith.constant 139 : i32
    %broadcast_in_dim3A_983 = vector.broadcast %jit3A_982 : i32 to vector<8x1024xi32>
    %select_n3A_984 = arith.select %lt3A_980, %broadcast_in_dim3A_983, %select_n3A_977 : vector<8x1024xi1>, vector<8x1024xi32>
    %slice3A_985 = vector.extract_strided_slice %reshape3A {offsets = [140, 0, 0], sizes = [1, 8, 1024], strides = [1, 1, 1]} : vector<250x8x1024xf32> to vector<1x8x1024xf32>
    %squeeze3A_986 = vector.shape_cast %slice3A_985 : vector<1x8x1024xf32> to vector<8x1024xf32>
    %lt3A_987 = arith.cmpf olt, %squeeze3A_986, %min3A_981 : vector<8x1024xf32>
    %min3A_988 = arith.minimumf %min3A_981, %squeeze3A_986 : vector<8x1024xf32>
    %jit3A_989 = arith.constant 140 : i32
    %broadcast_in_dim3A_990 = vector.broadcast %jit3A_989 : i32 to vector<8x1024xi32>
    %select_n3A_991 = arith.select %lt3A_987, %broadcast_in_dim3A_990, %select_n3A_984 : vector<8x1024xi1>, vector<8x1024xi32>
    %slice3A_992 = vector.extract_strided_slice %reshape3A {offsets = [141, 0, 0], sizes = [1, 8, 1024], strides = [1, 1, 1]} : vector<250x8x1024xf32> to vector<1x8x1024xf32>
    %squeeze3A_993 = vector.shape_cast %slice3A_992 : vector<1x8x1024xf32> to vector<8x1024xf32>
    %lt3A_994 = arith.cmpf olt, %squeeze3A_993, %min3A_988 : vector<8x1024xf32>
    %min3A_995 = arith.minimumf %min3A_988, %squeeze3A_993 : vector<8x1024xf32>
    %jit3A_996 = arith.constant 141 : i32
    %broadcast_in_dim3A_997 = vector.broadcast %jit3A_996 : i32 to vector<8x1024xi32>
    %select_n3A_998 = arith.select %lt3A_994, %broadcast_in_dim3A_997, %select_n3A_991 : vector<8x1024xi1>, vector<8x1024xi32>
    %slice3A_999 = vector.extract_strided_slice %reshape3A {offsets = [142, 0, 0], sizes = [1, 8, 1024], strides = [1, 1, 1]} : vector<250x8x1024xf32> to vector<1x8x1024xf32>
    %squeeze3A_1000 = vector.shape_cast %slice3A_999 : vector<1x8x1024xf32> to vector<8x1024xf32>
    %lt3A_1001 = arith.cmpf olt, %squeeze3A_1000, %min3A_995 : vector<8x1024xf32>
    %min3A_1002 = arith.minimumf %min3A_995, %squeeze3A_1000 : vector<8x1024xf32>
    %jit3A_1003 = arith.constant 142 : i32
    %broadcast_in_dim3A_1004 = vector.broadcast %jit3A_1003 : i32 to vector<8x1024xi32>
    %select_n3A_1005 = arith.select %lt3A_1001, %broadcast_in_dim3A_1004, %select_n3A_998 : vector<8x1024xi1>, vector<8x1024xi32>
    %slice3A_1006 = vector.extract_strided_slice %reshape3A {offsets = [143, 0, 0], sizes = [1, 8, 1024], strides = [1, 1, 1]} : vector<250x8x1024xf32> to vector<1x8x1024xf32>
    %squeeze3A_1007 = vector.shape_cast %slice3A_1006 : vector<1x8x1024xf32> to vector<8x1024xf32>
    %lt3A_1008 = arith.cmpf olt, %squeeze3A_1007, %min3A_1002 : vector<8x1024xf32>
    %min3A_1009 = arith.minimumf %min3A_1002, %squeeze3A_1007 : vector<8x1024xf32>
    %jit3A_1010 = arith.constant 143 : i32
    %broadcast_in_dim3A_1011 = vector.broadcast %jit3A_1010 : i32 to vector<8x1024xi32>
    %select_n3A_1012 = arith.select %lt3A_1008, %broadcast_in_dim3A_1011, %select_n3A_1005 : vector<8x1024xi1>, vector<8x1024xi32>
    %slice3A_1013 = vector.extract_strided_slice %reshape3A {offsets = [144, 0, 0], sizes = [1, 8, 1024], strides = [1, 1, 1]} : vector<250x8x1024xf32> to vector<1x8x1024xf32>
    %squeeze3A_1014 = vector.shape_cast %slice3A_1013 : vector<1x8x1024xf32> to vector<8x1024xf32>
    %lt3A_1015 = arith.cmpf olt, %squeeze3A_1014, %min3A_1009 : vector<8x1024xf32>
    %min3A_1016 = arith.minimumf %min3A_1009, %squeeze3A_1014 : vector<8x1024xf32>
    %jit3A_1017 = arith.constant 144 : i32
    %broadcast_in_dim3A_1018 = vector.broadcast %jit3A_1017 : i32 to vector<8x1024xi32>
    %select_n3A_1019 = arith.select %lt3A_1015, %broadcast_in_dim3A_1018, %select_n3A_1012 : vector<8x1024xi1>, vector<8x1024xi32>
    %slice3A_1020 = vector.extract_strided_slice %reshape3A {offsets = [145, 0, 0], sizes = [1, 8, 1024], strides = [1, 1, 1]} : vector<250x8x1024xf32> to vector<1x8x1024xf32>
    %squeeze3A_1021 = vector.shape_cast %slice3A_1020 : vector<1x8x1024xf32> to vector<8x1024xf32>
    %lt3A_1022 = arith.cmpf olt, %squeeze3A_1021, %min3A_1016 : vector<8x1024xf32>
    %min3A_1023 = arith.minimumf %min3A_1016, %squeeze3A_1021 : vector<8x1024xf32>
    %jit3A_1024 = arith.constant 145 : i32
    %broadcast_in_dim3A_1025 = vector.broadcast %jit3A_1024 : i32 to vector<8x1024xi32>
    %select_n3A_1026 = arith.select %lt3A_1022, %broadcast_in_dim3A_1025, %select_n3A_1019 : vector<8x1024xi1>, vector<8x1024xi32>
    %slice3A_1027 = vector.extract_strided_slice %reshape3A {offsets = [146, 0, 0], sizes = [1, 8, 1024], strides = [1, 1, 1]} : vector<250x8x1024xf32> to vector<1x8x1024xf32>
    %squeeze3A_1028 = vector.shape_cast %slice3A_1027 : vector<1x8x1024xf32> to vector<8x1024xf32>
    %lt3A_1029 = arith.cmpf olt, %squeeze3A_1028, %min3A_1023 : vector<8x1024xf32>
    %min3A_1030 = arith.minimumf %min3A_1023, %squeeze3A_1028 : vector<8x1024xf32>
    %jit3A_1031 = arith.constant 146 : i32
    %broadcast_in_dim3A_1032 = vector.broadcast %jit3A_1031 : i32 to vector<8x1024xi32>
    %select_n3A_1033 = arith.select %lt3A_1029, %broadcast_in_dim3A_1032, %select_n3A_1026 : vector<8x1024xi1>, vector<8x1024xi32>
    %slice3A_1034 = vector.extract_strided_slice %reshape3A {offsets = [147, 0, 0], sizes = [1, 8, 1024], strides = [1, 1, 1]} : vector<250x8x1024xf32> to vector<1x8x1024xf32>
    %squeeze3A_1035 = vector.shape_cast %slice3A_1034 : vector<1x8x1024xf32> to vector<8x1024xf32>
    %lt3A_1036 = arith.cmpf olt, %squeeze3A_1035, %min3A_1030 : vector<8x1024xf32>
    %min3A_1037 = arith.minimumf %min3A_1030, %squeeze3A_1035 : vector<8x1024xf32>
    %jit3A_1038 = arith.constant 147 : i32
    %broadcast_in_dim3A_1039 = vector.broadcast %jit3A_1038 : i32 to vector<8x1024xi32>
    %select_n3A_1040 = arith.select %lt3A_1036, %broadcast_in_dim3A_1039, %select_n3A_1033 : vector<8x1024xi1>, vector<8x1024xi32>
    %slice3A_1041 = vector.extract_strided_slice %reshape3A {offsets = [148, 0, 0], sizes = [1, 8, 1024], strides = [1, 1, 1]} : vector<250x8x1024xf32> to vector<1x8x1024xf32>
    %squeeze3A_1042 = vector.shape_cast %slice3A_1041 : vector<1x8x1024xf32> to vector<8x1024xf32>
    %lt3A_1043 = arith.cmpf olt, %squeeze3A_1042, %min3A_1037 : vector<8x1024xf32>
    %min3A_1044 = arith.minimumf %min3A_1037, %squeeze3A_1042 : vector<8x1024xf32>
    %jit3A_1045 = arith.constant 148 : i32
    %broadcast_in_dim3A_1046 = vector.broadcast %jit3A_1045 : i32 to vector<8x1024xi32>
    %select_n3A_1047 = arith.select %lt3A_1043, %broadcast_in_dim3A_1046, %select_n3A_1040 : vector<8x1024xi1>, vector<8x1024xi32>
    %slice3A_1048 = vector.extract_strided_slice %reshape3A {offsets = [149, 0, 0], sizes = [1, 8, 1024], strides = [1, 1, 1]} : vector<250x8x1024xf32> to vector<1x8x1024xf32>
    %squeeze3A_1049 = vector.shape_cast %slice3A_1048 : vector<1x8x1024xf32> to vector<8x1024xf32>
    %lt3A_1050 = arith.cmpf olt, %squeeze3A_1049, %min3A_1044 : vector<8x1024xf32>
    %min3A_1051 = arith.minimumf %min3A_1044, %squeeze3A_1049 : vector<8x1024xf32>
    %jit3A_1052 = arith.constant 149 : i32
    %broadcast_in_dim3A_1053 = vector.broadcast %jit3A_1052 : i32 to vector<8x1024xi32>
    %select_n3A_1054 = arith.select %lt3A_1050, %broadcast_in_dim3A_1053, %select_n3A_1047 : vector<8x1024xi1>, vector<8x1024xi32>
    %slice3A_1055 = vector.extract_strided_slice %reshape3A {offsets = [150, 0, 0], sizes = [1, 8, 1024], strides = [1, 1, 1]} : vector<250x8x1024xf32> to vector<1x8x1024xf32>
    %squeeze3A_1056 = vector.shape_cast %slice3A_1055 : vector<1x8x1024xf32> to vector<8x1024xf32>
    %lt3A_1057 = arith.cmpf olt, %squeeze3A_1056, %min3A_1051 : vector<8x1024xf32>
    %min3A_1058 = arith.minimumf %min3A_1051, %squeeze3A_1056 : vector<8x1024xf32>
    %jit3A_1059 = arith.constant 150 : i32
    %broadcast_in_dim3A_1060 = vector.broadcast %jit3A_1059 : i32 to vector<8x1024xi32>
    %select_n3A_1061 = arith.select %lt3A_1057, %broadcast_in_dim3A_1060, %select_n3A_1054 : vector<8x1024xi1>, vector<8x1024xi32>
    %slice3A_1062 = vector.extract_strided_slice %reshape3A {offsets = [151, 0, 0], sizes = [1, 8, 1024], strides = [1, 1, 1]} : vector<250x8x1024xf32> to vector<1x8x1024xf32>
    %squeeze3A_1063 = vector.shape_cast %slice3A_1062 : vector<1x8x1024xf32> to vector<8x1024xf32>
    %lt3A_1064 = arith.cmpf olt, %squeeze3A_1063, %min3A_1058 : vector<8x1024xf32>
    %min3A_1065 = arith.minimumf %min3A_1058, %squeeze3A_1063 : vector<8x1024xf32>
    %jit3A_1066 = arith.constant 151 : i32
    %broadcast_in_dim3A_1067 = vector.broadcast %jit3A_1066 : i32 to vector<8x1024xi32>
    %select_n3A_1068 = arith.select %lt3A_1064, %broadcast_in_dim3A_1067, %select_n3A_1061 : vector<8x1024xi1>, vector<8x1024xi32>
    %slice3A_1069 = vector.extract_strided_slice %reshape3A {offsets = [152, 0, 0], sizes = [1, 8, 1024], strides = [1, 1, 1]} : vector<250x8x1024xf32> to vector<1x8x1024xf32>
    %squeeze3A_1070 = vector.shape_cast %slice3A_1069 : vector<1x8x1024xf32> to vector<8x1024xf32>
    %lt3A_1071 = arith.cmpf olt, %squeeze3A_1070, %min3A_1065 : vector<8x1024xf32>
    %min3A_1072 = arith.minimumf %min3A_1065, %squeeze3A_1070 : vector<8x1024xf32>
    %jit3A_1073 = arith.constant 152 : i32
    %broadcast_in_dim3A_1074 = vector.broadcast %jit3A_1073 : i32 to vector<8x1024xi32>
    %select_n3A_1075 = arith.select %lt3A_1071, %broadcast_in_dim3A_1074, %select_n3A_1068 : vector<8x1024xi1>, vector<8x1024xi32>
    %slice3A_1076 = vector.extract_strided_slice %reshape3A {offsets = [153, 0, 0], sizes = [1, 8, 1024], strides = [1, 1, 1]} : vector<250x8x1024xf32> to vector<1x8x1024xf32>
    %squeeze3A_1077 = vector.shape_cast %slice3A_1076 : vector<1x8x1024xf32> to vector<8x1024xf32>
    %lt3A_1078 = arith.cmpf olt, %squeeze3A_1077, %min3A_1072 : vector<8x1024xf32>
    %min3A_1079 = arith.minimumf %min3A_1072, %squeeze3A_1077 : vector<8x1024xf32>
    %jit3A_1080 = arith.constant 153 : i32
    %broadcast_in_dim3A_1081 = vector.broadcast %jit3A_1080 : i32 to vector<8x1024xi32>
    %select_n3A_1082 = arith.select %lt3A_1078, %broadcast_in_dim3A_1081, %select_n3A_1075 : vector<8x1024xi1>, vector<8x1024xi32>
    %slice3A_1083 = vector.extract_strided_slice %reshape3A {offsets = [154, 0, 0], sizes = [1, 8, 1024], strides = [1, 1, 1]} : vector<250x8x1024xf32> to vector<1x8x1024xf32>
    %squeeze3A_1084 = vector.shape_cast %slice3A_1083 : vector<1x8x1024xf32> to vector<8x1024xf32>
    %lt3A_1085 = arith.cmpf olt, %squeeze3A_1084, %min3A_1079 : vector<8x1024xf32>
    %min3A_1086 = arith.minimumf %min3A_1079, %squeeze3A_1084 : vector<8x1024xf32>
    %jit3A_1087 = arith.constant 154 : i32
    %broadcast_in_dim3A_1088 = vector.broadcast %jit3A_1087 : i32 to vector<8x1024xi32>
    %select_n3A_1089 = arith.select %lt3A_1085, %broadcast_in_dim3A_1088, %select_n3A_1082 : vector<8x1024xi1>, vector<8x1024xi32>
    %slice3A_1090 = vector.extract_strided_slice %reshape3A {offsets = [155, 0, 0], sizes = [1, 8, 1024], strides = [1, 1, 1]} : vector<250x8x1024xf32> to vector<1x8x1024xf32>
    %squeeze3A_1091 = vector.shape_cast %slice3A_1090 : vector<1x8x1024xf32> to vector<8x1024xf32>
    %lt3A_1092 = arith.cmpf olt, %squeeze3A_1091, %min3A_1086 : vector<8x1024xf32>
    %min3A_1093 = arith.minimumf %min3A_1086, %squeeze3A_1091 : vector<8x1024xf32>
    %jit3A_1094 = arith.constant 155 : i32
    %broadcast_in_dim3A_1095 = vector.broadcast %jit3A_1094 : i32 to vector<8x1024xi32>
    %select_n3A_1096 = arith.select %lt3A_1092, %broadcast_in_dim3A_1095, %select_n3A_1089 : vector<8x1024xi1>, vector<8x1024xi32>
    %slice3A_1097 = vector.extract_strided_slice %reshape3A {offsets = [156, 0, 0], sizes = [1, 8, 1024], strides = [1, 1, 1]} : vector<250x8x1024xf32> to vector<1x8x1024xf32>
    %squeeze3A_1098 = vector.shape_cast %slice3A_1097 : vector<1x8x1024xf32> to vector<8x1024xf32>
    %lt3A_1099 = arith.cmpf olt, %squeeze3A_1098, %min3A_1093 : vector<8x1024xf32>
    %min3A_1100 = arith.minimumf %min3A_1093, %squeeze3A_1098 : vector<8x1024xf32>
    %jit3A_1101 = arith.constant 156 : i32
    %broadcast_in_dim3A_1102 = vector.broadcast %jit3A_1101 : i32 to vector<8x1024xi32>
    %select_n3A_1103 = arith.select %lt3A_1099, %broadcast_in_dim3A_1102, %select_n3A_1096 : vector<8x1024xi1>, vector<8x1024xi32>
    %slice3A_1104 = vector.extract_strided_slice %reshape3A {offsets = [157, 0, 0], sizes = [1, 8, 1024], strides = [1, 1, 1]} : vector<250x8x1024xf32> to vector<1x8x1024xf32>
    %squeeze3A_1105 = vector.shape_cast %slice3A_1104 : vector<1x8x1024xf32> to vector<8x1024xf32>
    %lt3A_1106 = arith.cmpf olt, %squeeze3A_1105, %min3A_1100 : vector<8x1024xf32>
    %min3A_1107 = arith.minimumf %min3A_1100, %squeeze3A_1105 : vector<8x1024xf32>
    %jit3A_1108 = arith.constant 157 : i32
    %broadcast_in_dim3A_1109 = vector.broadcast %jit3A_1108 : i32 to vector<8x1024xi32>
    %select_n3A_1110 = arith.select %lt3A_1106, %broadcast_in_dim3A_1109, %select_n3A_1103 : vector<8x1024xi1>, vector<8x1024xi32>
    %slice3A_1111 = vector.extract_strided_slice %reshape3A {offsets = [158, 0, 0], sizes = [1, 8, 1024], strides = [1, 1, 1]} : vector<250x8x1024xf32> to vector<1x8x1024xf32>
    %squeeze3A_1112 = vector.shape_cast %slice3A_1111 : vector<1x8x1024xf32> to vector<8x1024xf32>
    %lt3A_1113 = arith.cmpf olt, %squeeze3A_1112, %min3A_1107 : vector<8x1024xf32>
    %min3A_1114 = arith.minimumf %min3A_1107, %squeeze3A_1112 : vector<8x1024xf32>
    %jit3A_1115 = arith.constant 158 : i32
    %broadcast_in_dim3A_1116 = vector.broadcast %jit3A_1115 : i32 to vector<8x1024xi32>
    %select_n3A_1117 = arith.select %lt3A_1113, %broadcast_in_dim3A_1116, %select_n3A_1110 : vector<8x1024xi1>, vector<8x1024xi32>
    %slice3A_1118 = vector.extract_strided_slice %reshape3A {offsets = [159, 0, 0], sizes = [1, 8, 1024], strides = [1, 1, 1]} : vector<250x8x1024xf32> to vector<1x8x1024xf32>
    %squeeze3A_1119 = vector.shape_cast %slice3A_1118 : vector<1x8x1024xf32> to vector<8x1024xf32>
    %lt3A_1120 = arith.cmpf olt, %squeeze3A_1119, %min3A_1114 : vector<8x1024xf32>
    %min3A_1121 = arith.minimumf %min3A_1114, %squeeze3A_1119 : vector<8x1024xf32>
    %jit3A_1122 = arith.constant 159 : i32
    %broadcast_in_dim3A_1123 = vector.broadcast %jit3A_1122 : i32 to vector<8x1024xi32>
    %select_n3A_1124 = arith.select %lt3A_1120, %broadcast_in_dim3A_1123, %select_n3A_1117 : vector<8x1024xi1>, vector<8x1024xi32>
    %slice3A_1125 = vector.extract_strided_slice %reshape3A {offsets = [160, 0, 0], sizes = [1, 8, 1024], strides = [1, 1, 1]} : vector<250x8x1024xf32> to vector<1x8x1024xf32>
    %squeeze3A_1126 = vector.shape_cast %slice3A_1125 : vector<1x8x1024xf32> to vector<8x1024xf32>
    %lt3A_1127 = arith.cmpf olt, %squeeze3A_1126, %min3A_1121 : vector<8x1024xf32>
    %min3A_1128 = arith.minimumf %min3A_1121, %squeeze3A_1126 : vector<8x1024xf32>
    %jit3A_1129 = arith.constant 160 : i32
    %broadcast_in_dim3A_1130 = vector.broadcast %jit3A_1129 : i32 to vector<8x1024xi32>
    %select_n3A_1131 = arith.select %lt3A_1127, %broadcast_in_dim3A_1130, %select_n3A_1124 : vector<8x1024xi1>, vector<8x1024xi32>
    %slice3A_1132 = vector.extract_strided_slice %reshape3A {offsets = [161, 0, 0], sizes = [1, 8, 1024], strides = [1, 1, 1]} : vector<250x8x1024xf32> to vector<1x8x1024xf32>
    %squeeze3A_1133 = vector.shape_cast %slice3A_1132 : vector<1x8x1024xf32> to vector<8x1024xf32>
    %lt3A_1134 = arith.cmpf olt, %squeeze3A_1133, %min3A_1128 : vector<8x1024xf32>
    %min3A_1135 = arith.minimumf %min3A_1128, %squeeze3A_1133 : vector<8x1024xf32>
    %jit3A_1136 = arith.constant 161 : i32
    %broadcast_in_dim3A_1137 = vector.broadcast %jit3A_1136 : i32 to vector<8x1024xi32>
    %select_n3A_1138 = arith.select %lt3A_1134, %broadcast_in_dim3A_1137, %select_n3A_1131 : vector<8x1024xi1>, vector<8x1024xi32>
    %slice3A_1139 = vector.extract_strided_slice %reshape3A {offsets = [162, 0, 0], sizes = [1, 8, 1024], strides = [1, 1, 1]} : vector<250x8x1024xf32> to vector<1x8x1024xf32>
    %squeeze3A_1140 = vector.shape_cast %slice3A_1139 : vector<1x8x1024xf32> to vector<8x1024xf32>
    %lt3A_1141 = arith.cmpf olt, %squeeze3A_1140, %min3A_1135 : vector<8x1024xf32>
    %min3A_1142 = arith.minimumf %min3A_1135, %squeeze3A_1140 : vector<8x1024xf32>
    %jit3A_1143 = arith.constant 162 : i32
    %broadcast_in_dim3A_1144 = vector.broadcast %jit3A_1143 : i32 to vector<8x1024xi32>
    %select_n3A_1145 = arith.select %lt3A_1141, %broadcast_in_dim3A_1144, %select_n3A_1138 : vector<8x1024xi1>, vector<8x1024xi32>
    %slice3A_1146 = vector.extract_strided_slice %reshape3A {offsets = [163, 0, 0], sizes = [1, 8, 1024], strides = [1, 1, 1]} : vector<250x8x1024xf32> to vector<1x8x1024xf32>
    %squeeze3A_1147 = vector.shape_cast %slice3A_1146 : vector<1x8x1024xf32> to vector<8x1024xf32>
    %lt3A_1148 = arith.cmpf olt, %squeeze3A_1147, %min3A_1142 : vector<8x1024xf32>
    %min3A_1149 = arith.minimumf %min3A_1142, %squeeze3A_1147 : vector<8x1024xf32>
    %jit3A_1150 = arith.constant 163 : i32
    %broadcast_in_dim3A_1151 = vector.broadcast %jit3A_1150 : i32 to vector<8x1024xi32>
    %select_n3A_1152 = arith.select %lt3A_1148, %broadcast_in_dim3A_1151, %select_n3A_1145 : vector<8x1024xi1>, vector<8x1024xi32>
    %slice3A_1153 = vector.extract_strided_slice %reshape3A {offsets = [164, 0, 0], sizes = [1, 8, 1024], strides = [1, 1, 1]} : vector<250x8x1024xf32> to vector<1x8x1024xf32>
    %squeeze3A_1154 = vector.shape_cast %slice3A_1153 : vector<1x8x1024xf32> to vector<8x1024xf32>
    %lt3A_1155 = arith.cmpf olt, %squeeze3A_1154, %min3A_1149 : vector<8x1024xf32>
    %min3A_1156 = arith.minimumf %min3A_1149, %squeeze3A_1154 : vector<8x1024xf32>
    %jit3A_1157 = arith.constant 164 : i32
    %broadcast_in_dim3A_1158 = vector.broadcast %jit3A_1157 : i32 to vector<8x1024xi32>
    %select_n3A_1159 = arith.select %lt3A_1155, %broadcast_in_dim3A_1158, %select_n3A_1152 : vector<8x1024xi1>, vector<8x1024xi32>
    %slice3A_1160 = vector.extract_strided_slice %reshape3A {offsets = [165, 0, 0], sizes = [1, 8, 1024], strides = [1, 1, 1]} : vector<250x8x1024xf32> to vector<1x8x1024xf32>
    %squeeze3A_1161 = vector.shape_cast %slice3A_1160 : vector<1x8x1024xf32> to vector<8x1024xf32>
    %lt3A_1162 = arith.cmpf olt, %squeeze3A_1161, %min3A_1156 : vector<8x1024xf32>
    %min3A_1163 = arith.minimumf %min3A_1156, %squeeze3A_1161 : vector<8x1024xf32>
    %jit3A_1164 = arith.constant 165 : i32
    %broadcast_in_dim3A_1165 = vector.broadcast %jit3A_1164 : i32 to vector<8x1024xi32>
    %select_n3A_1166 = arith.select %lt3A_1162, %broadcast_in_dim3A_1165, %select_n3A_1159 : vector<8x1024xi1>, vector<8x1024xi32>
    %slice3A_1167 = vector.extract_strided_slice %reshape3A {offsets = [166, 0, 0], sizes = [1, 8, 1024], strides = [1, 1, 1]} : vector<250x8x1024xf32> to vector<1x8x1024xf32>
    %squeeze3A_1168 = vector.shape_cast %slice3A_1167 : vector<1x8x1024xf32> to vector<8x1024xf32>
    %lt3A_1169 = arith.cmpf olt, %squeeze3A_1168, %min3A_1163 : vector<8x1024xf32>
    %min3A_1170 = arith.minimumf %min3A_1163, %squeeze3A_1168 : vector<8x1024xf32>
    %jit3A_1171 = arith.constant 166 : i32
    %broadcast_in_dim3A_1172 = vector.broadcast %jit3A_1171 : i32 to vector<8x1024xi32>
    %select_n3A_1173 = arith.select %lt3A_1169, %broadcast_in_dim3A_1172, %select_n3A_1166 : vector<8x1024xi1>, vector<8x1024xi32>
    %slice3A_1174 = vector.extract_strided_slice %reshape3A {offsets = [167, 0, 0], sizes = [1, 8, 1024], strides = [1, 1, 1]} : vector<250x8x1024xf32> to vector<1x8x1024xf32>
    %squeeze3A_1175 = vector.shape_cast %slice3A_1174 : vector<1x8x1024xf32> to vector<8x1024xf32>
    %lt3A_1176 = arith.cmpf olt, %squeeze3A_1175, %min3A_1170 : vector<8x1024xf32>
    %min3A_1177 = arith.minimumf %min3A_1170, %squeeze3A_1175 : vector<8x1024xf32>
    %jit3A_1178 = arith.constant 167 : i32
    %broadcast_in_dim3A_1179 = vector.broadcast %jit3A_1178 : i32 to vector<8x1024xi32>
    %select_n3A_1180 = arith.select %lt3A_1176, %broadcast_in_dim3A_1179, %select_n3A_1173 : vector<8x1024xi1>, vector<8x1024xi32>
    %slice3A_1181 = vector.extract_strided_slice %reshape3A {offsets = [168, 0, 0], sizes = [1, 8, 1024], strides = [1, 1, 1]} : vector<250x8x1024xf32> to vector<1x8x1024xf32>
    %squeeze3A_1182 = vector.shape_cast %slice3A_1181 : vector<1x8x1024xf32> to vector<8x1024xf32>
    %lt3A_1183 = arith.cmpf olt, %squeeze3A_1182, %min3A_1177 : vector<8x1024xf32>
    %min3A_1184 = arith.minimumf %min3A_1177, %squeeze3A_1182 : vector<8x1024xf32>
    %jit3A_1185 = arith.constant 168 : i32
    %broadcast_in_dim3A_1186 = vector.broadcast %jit3A_1185 : i32 to vector<8x1024xi32>
    %select_n3A_1187 = arith.select %lt3A_1183, %broadcast_in_dim3A_1186, %select_n3A_1180 : vector<8x1024xi1>, vector<8x1024xi32>
    %slice3A_1188 = vector.extract_strided_slice %reshape3A {offsets = [169, 0, 0], sizes = [1, 8, 1024], strides = [1, 1, 1]} : vector<250x8x1024xf32> to vector<1x8x1024xf32>
    %squeeze3A_1189 = vector.shape_cast %slice3A_1188 : vector<1x8x1024xf32> to vector<8x1024xf32>
    %lt3A_1190 = arith.cmpf olt, %squeeze3A_1189, %min3A_1184 : vector<8x1024xf32>
    %min3A_1191 = arith.minimumf %min3A_1184, %squeeze3A_1189 : vector<8x1024xf32>
    %jit3A_1192 = arith.constant 169 : i32
    %broadcast_in_dim3A_1193 = vector.broadcast %jit3A_1192 : i32 to vector<8x1024xi32>
    %select_n3A_1194 = arith.select %lt3A_1190, %broadcast_in_dim3A_1193, %select_n3A_1187 : vector<8x1024xi1>, vector<8x1024xi32>
    %slice3A_1195 = vector.extract_strided_slice %reshape3A {offsets = [170, 0, 0], sizes = [1, 8, 1024], strides = [1, 1, 1]} : vector<250x8x1024xf32> to vector<1x8x1024xf32>
    %squeeze3A_1196 = vector.shape_cast %slice3A_1195 : vector<1x8x1024xf32> to vector<8x1024xf32>
    %lt3A_1197 = arith.cmpf olt, %squeeze3A_1196, %min3A_1191 : vector<8x1024xf32>
    %min3A_1198 = arith.minimumf %min3A_1191, %squeeze3A_1196 : vector<8x1024xf32>
    %jit3A_1199 = arith.constant 170 : i32
    %broadcast_in_dim3A_1200 = vector.broadcast %jit3A_1199 : i32 to vector<8x1024xi32>
    %select_n3A_1201 = arith.select %lt3A_1197, %broadcast_in_dim3A_1200, %select_n3A_1194 : vector<8x1024xi1>, vector<8x1024xi32>
    %slice3A_1202 = vector.extract_strided_slice %reshape3A {offsets = [171, 0, 0], sizes = [1, 8, 1024], strides = [1, 1, 1]} : vector<250x8x1024xf32> to vector<1x8x1024xf32>
    %squeeze3A_1203 = vector.shape_cast %slice3A_1202 : vector<1x8x1024xf32> to vector<8x1024xf32>
    %lt3A_1204 = arith.cmpf olt, %squeeze3A_1203, %min3A_1198 : vector<8x1024xf32>
    %min3A_1205 = arith.minimumf %min3A_1198, %squeeze3A_1203 : vector<8x1024xf32>
    %jit3A_1206 = arith.constant 171 : i32
    %broadcast_in_dim3A_1207 = vector.broadcast %jit3A_1206 : i32 to vector<8x1024xi32>
    %select_n3A_1208 = arith.select %lt3A_1204, %broadcast_in_dim3A_1207, %select_n3A_1201 : vector<8x1024xi1>, vector<8x1024xi32>
    %slice3A_1209 = vector.extract_strided_slice %reshape3A {offsets = [172, 0, 0], sizes = [1, 8, 1024], strides = [1, 1, 1]} : vector<250x8x1024xf32> to vector<1x8x1024xf32>
    %squeeze3A_1210 = vector.shape_cast %slice3A_1209 : vector<1x8x1024xf32> to vector<8x1024xf32>
    %lt3A_1211 = arith.cmpf olt, %squeeze3A_1210, %min3A_1205 : vector<8x1024xf32>
    %min3A_1212 = arith.minimumf %min3A_1205, %squeeze3A_1210 : vector<8x1024xf32>
    %jit3A_1213 = arith.constant 172 : i32
    %broadcast_in_dim3A_1214 = vector.broadcast %jit3A_1213 : i32 to vector<8x1024xi32>
    %select_n3A_1215 = arith.select %lt3A_1211, %broadcast_in_dim3A_1214, %select_n3A_1208 : vector<8x1024xi1>, vector<8x1024xi32>
    %slice3A_1216 = vector.extract_strided_slice %reshape3A {offsets = [173, 0, 0], sizes = [1, 8, 1024], strides = [1, 1, 1]} : vector<250x8x1024xf32> to vector<1x8x1024xf32>
    %squeeze3A_1217 = vector.shape_cast %slice3A_1216 : vector<1x8x1024xf32> to vector<8x1024xf32>
    %lt3A_1218 = arith.cmpf olt, %squeeze3A_1217, %min3A_1212 : vector<8x1024xf32>
    %min3A_1219 = arith.minimumf %min3A_1212, %squeeze3A_1217 : vector<8x1024xf32>
    %jit3A_1220 = arith.constant 173 : i32
    %broadcast_in_dim3A_1221 = vector.broadcast %jit3A_1220 : i32 to vector<8x1024xi32>
    %select_n3A_1222 = arith.select %lt3A_1218, %broadcast_in_dim3A_1221, %select_n3A_1215 : vector<8x1024xi1>, vector<8x1024xi32>
    %slice3A_1223 = vector.extract_strided_slice %reshape3A {offsets = [174, 0, 0], sizes = [1, 8, 1024], strides = [1, 1, 1]} : vector<250x8x1024xf32> to vector<1x8x1024xf32>
    %squeeze3A_1224 = vector.shape_cast %slice3A_1223 : vector<1x8x1024xf32> to vector<8x1024xf32>
    %lt3A_1225 = arith.cmpf olt, %squeeze3A_1224, %min3A_1219 : vector<8x1024xf32>
    %min3A_1226 = arith.minimumf %min3A_1219, %squeeze3A_1224 : vector<8x1024xf32>
    %jit3A_1227 = arith.constant 174 : i32
    %broadcast_in_dim3A_1228 = vector.broadcast %jit3A_1227 : i32 to vector<8x1024xi32>
    %select_n3A_1229 = arith.select %lt3A_1225, %broadcast_in_dim3A_1228, %select_n3A_1222 : vector<8x1024xi1>, vector<8x1024xi32>
    %slice3A_1230 = vector.extract_strided_slice %reshape3A {offsets = [175, 0, 0], sizes = [1, 8, 1024], strides = [1, 1, 1]} : vector<250x8x1024xf32> to vector<1x8x1024xf32>
    %squeeze3A_1231 = vector.shape_cast %slice3A_1230 : vector<1x8x1024xf32> to vector<8x1024xf32>
    %lt3A_1232 = arith.cmpf olt, %squeeze3A_1231, %min3A_1226 : vector<8x1024xf32>
    %min3A_1233 = arith.minimumf %min3A_1226, %squeeze3A_1231 : vector<8x1024xf32>
    %jit3A_1234 = arith.constant 175 : i32
    %broadcast_in_dim3A_1235 = vector.broadcast %jit3A_1234 : i32 to vector<8x1024xi32>
    %select_n3A_1236 = arith.select %lt3A_1232, %broadcast_in_dim3A_1235, %select_n3A_1229 : vector<8x1024xi1>, vector<8x1024xi32>
    %slice3A_1237 = vector.extract_strided_slice %reshape3A {offsets = [176, 0, 0], sizes = [1, 8, 1024], strides = [1, 1, 1]} : vector<250x8x1024xf32> to vector<1x8x1024xf32>
    %squeeze3A_1238 = vector.shape_cast %slice3A_1237 : vector<1x8x1024xf32> to vector<8x1024xf32>
    %lt3A_1239 = arith.cmpf olt, %squeeze3A_1238, %min3A_1233 : vector<8x1024xf32>
    %min3A_1240 = arith.minimumf %min3A_1233, %squeeze3A_1238 : vector<8x1024xf32>
    %jit3A_1241 = arith.constant 176 : i32
    %broadcast_in_dim3A_1242 = vector.broadcast %jit3A_1241 : i32 to vector<8x1024xi32>
    %select_n3A_1243 = arith.select %lt3A_1239, %broadcast_in_dim3A_1242, %select_n3A_1236 : vector<8x1024xi1>, vector<8x1024xi32>
    %slice3A_1244 = vector.extract_strided_slice %reshape3A {offsets = [177, 0, 0], sizes = [1, 8, 1024], strides = [1, 1, 1]} : vector<250x8x1024xf32> to vector<1x8x1024xf32>
    %squeeze3A_1245 = vector.shape_cast %slice3A_1244 : vector<1x8x1024xf32> to vector<8x1024xf32>
    %lt3A_1246 = arith.cmpf olt, %squeeze3A_1245, %min3A_1240 : vector<8x1024xf32>
    %min3A_1247 = arith.minimumf %min3A_1240, %squeeze3A_1245 : vector<8x1024xf32>
    %jit3A_1248 = arith.constant 177 : i32
    %broadcast_in_dim3A_1249 = vector.broadcast %jit3A_1248 : i32 to vector<8x1024xi32>
    %select_n3A_1250 = arith.select %lt3A_1246, %broadcast_in_dim3A_1249, %select_n3A_1243 : vector<8x1024xi1>, vector<8x1024xi32>
    %slice3A_1251 = vector.extract_strided_slice %reshape3A {offsets = [178, 0, 0], sizes = [1, 8, 1024], strides = [1, 1, 1]} : vector<250x8x1024xf32> to vector<1x8x1024xf32>
    %squeeze3A_1252 = vector.shape_cast %slice3A_1251 : vector<1x8x1024xf32> to vector<8x1024xf32>
    %lt3A_1253 = arith.cmpf olt, %squeeze3A_1252, %min3A_1247 : vector<8x1024xf32>
    %min3A_1254 = arith.minimumf %min3A_1247, %squeeze3A_1252 : vector<8x1024xf32>
    %jit3A_1255 = arith.constant 178 : i32
    %broadcast_in_dim3A_1256 = vector.broadcast %jit3A_1255 : i32 to vector<8x1024xi32>
    %select_n3A_1257 = arith.select %lt3A_1253, %broadcast_in_dim3A_1256, %select_n3A_1250 : vector<8x1024xi1>, vector<8x1024xi32>
    %slice3A_1258 = vector.extract_strided_slice %reshape3A {offsets = [179, 0, 0], sizes = [1, 8, 1024], strides = [1, 1, 1]} : vector<250x8x1024xf32> to vector<1x8x1024xf32>
    %squeeze3A_1259 = vector.shape_cast %slice3A_1258 : vector<1x8x1024xf32> to vector<8x1024xf32>
    %lt3A_1260 = arith.cmpf olt, %squeeze3A_1259, %min3A_1254 : vector<8x1024xf32>
    %min3A_1261 = arith.minimumf %min3A_1254, %squeeze3A_1259 : vector<8x1024xf32>
    %jit3A_1262 = arith.constant 179 : i32
    %broadcast_in_dim3A_1263 = vector.broadcast %jit3A_1262 : i32 to vector<8x1024xi32>
    %select_n3A_1264 = arith.select %lt3A_1260, %broadcast_in_dim3A_1263, %select_n3A_1257 : vector<8x1024xi1>, vector<8x1024xi32>
    %slice3A_1265 = vector.extract_strided_slice %reshape3A {offsets = [180, 0, 0], sizes = [1, 8, 1024], strides = [1, 1, 1]} : vector<250x8x1024xf32> to vector<1x8x1024xf32>
    %squeeze3A_1266 = vector.shape_cast %slice3A_1265 : vector<1x8x1024xf32> to vector<8x1024xf32>
    %lt3A_1267 = arith.cmpf olt, %squeeze3A_1266, %min3A_1261 : vector<8x1024xf32>
    %min3A_1268 = arith.minimumf %min3A_1261, %squeeze3A_1266 : vector<8x1024xf32>
    %jit3A_1269 = arith.constant 180 : i32
    %broadcast_in_dim3A_1270 = vector.broadcast %jit3A_1269 : i32 to vector<8x1024xi32>
    %select_n3A_1271 = arith.select %lt3A_1267, %broadcast_in_dim3A_1270, %select_n3A_1264 : vector<8x1024xi1>, vector<8x1024xi32>
    %slice3A_1272 = vector.extract_strided_slice %reshape3A {offsets = [181, 0, 0], sizes = [1, 8, 1024], strides = [1, 1, 1]} : vector<250x8x1024xf32> to vector<1x8x1024xf32>
    %squeeze3A_1273 = vector.shape_cast %slice3A_1272 : vector<1x8x1024xf32> to vector<8x1024xf32>
    %lt3A_1274 = arith.cmpf olt, %squeeze3A_1273, %min3A_1268 : vector<8x1024xf32>
    %min3A_1275 = arith.minimumf %min3A_1268, %squeeze3A_1273 : vector<8x1024xf32>
    %jit3A_1276 = arith.constant 181 : i32
    %broadcast_in_dim3A_1277 = vector.broadcast %jit3A_1276 : i32 to vector<8x1024xi32>
    %select_n3A_1278 = arith.select %lt3A_1274, %broadcast_in_dim3A_1277, %select_n3A_1271 : vector<8x1024xi1>, vector<8x1024xi32>
    %slice3A_1279 = vector.extract_strided_slice %reshape3A {offsets = [182, 0, 0], sizes = [1, 8, 1024], strides = [1, 1, 1]} : vector<250x8x1024xf32> to vector<1x8x1024xf32>
    %squeeze3A_1280 = vector.shape_cast %slice3A_1279 : vector<1x8x1024xf32> to vector<8x1024xf32>
    %lt3A_1281 = arith.cmpf olt, %squeeze3A_1280, %min3A_1275 : vector<8x1024xf32>
    %min3A_1282 = arith.minimumf %min3A_1275, %squeeze3A_1280 : vector<8x1024xf32>
    %jit3A_1283 = arith.constant 182 : i32
    %broadcast_in_dim3A_1284 = vector.broadcast %jit3A_1283 : i32 to vector<8x1024xi32>
    %select_n3A_1285 = arith.select %lt3A_1281, %broadcast_in_dim3A_1284, %select_n3A_1278 : vector<8x1024xi1>, vector<8x1024xi32>
    %slice3A_1286 = vector.extract_strided_slice %reshape3A {offsets = [183, 0, 0], sizes = [1, 8, 1024], strides = [1, 1, 1]} : vector<250x8x1024xf32> to vector<1x8x1024xf32>
    %squeeze3A_1287 = vector.shape_cast %slice3A_1286 : vector<1x8x1024xf32> to vector<8x1024xf32>
    %lt3A_1288 = arith.cmpf olt, %squeeze3A_1287, %min3A_1282 : vector<8x1024xf32>
    %min3A_1289 = arith.minimumf %min3A_1282, %squeeze3A_1287 : vector<8x1024xf32>
    %jit3A_1290 = arith.constant 183 : i32
    %broadcast_in_dim3A_1291 = vector.broadcast %jit3A_1290 : i32 to vector<8x1024xi32>
    %select_n3A_1292 = arith.select %lt3A_1288, %broadcast_in_dim3A_1291, %select_n3A_1285 : vector<8x1024xi1>, vector<8x1024xi32>
    %slice3A_1293 = vector.extract_strided_slice %reshape3A {offsets = [184, 0, 0], sizes = [1, 8, 1024], strides = [1, 1, 1]} : vector<250x8x1024xf32> to vector<1x8x1024xf32>
    %squeeze3A_1294 = vector.shape_cast %slice3A_1293 : vector<1x8x1024xf32> to vector<8x1024xf32>
    %lt3A_1295 = arith.cmpf olt, %squeeze3A_1294, %min3A_1289 : vector<8x1024xf32>
    %min3A_1296 = arith.minimumf %min3A_1289, %squeeze3A_1294 : vector<8x1024xf32>
    %jit3A_1297 = arith.constant 184 : i32
    %broadcast_in_dim3A_1298 = vector.broadcast %jit3A_1297 : i32 to vector<8x1024xi32>
    %select_n3A_1299 = arith.select %lt3A_1295, %broadcast_in_dim3A_1298, %select_n3A_1292 : vector<8x1024xi1>, vector<8x1024xi32>
    %slice3A_1300 = vector.extract_strided_slice %reshape3A {offsets = [185, 0, 0], sizes = [1, 8, 1024], strides = [1, 1, 1]} : vector<250x8x1024xf32> to vector<1x8x1024xf32>
    %squeeze3A_1301 = vector.shape_cast %slice3A_1300 : vector<1x8x1024xf32> to vector<8x1024xf32>
    %lt3A_1302 = arith.cmpf olt, %squeeze3A_1301, %min3A_1296 : vector<8x1024xf32>
    %min3A_1303 = arith.minimumf %min3A_1296, %squeeze3A_1301 : vector<8x1024xf32>
    %jit3A_1304 = arith.constant 185 : i32
    %broadcast_in_dim3A_1305 = vector.broadcast %jit3A_1304 : i32 to vector<8x1024xi32>
    %select_n3A_1306 = arith.select %lt3A_1302, %broadcast_in_dim3A_1305, %select_n3A_1299 : vector<8x1024xi1>, vector<8x1024xi32>
    %slice3A_1307 = vector.extract_strided_slice %reshape3A {offsets = [186, 0, 0], sizes = [1, 8, 1024], strides = [1, 1, 1]} : vector<250x8x1024xf32> to vector<1x8x1024xf32>
    %squeeze3A_1308 = vector.shape_cast %slice3A_1307 : vector<1x8x1024xf32> to vector<8x1024xf32>
    %lt3A_1309 = arith.cmpf olt, %squeeze3A_1308, %min3A_1303 : vector<8x1024xf32>
    %min3A_1310 = arith.minimumf %min3A_1303, %squeeze3A_1308 : vector<8x1024xf32>
    %jit3A_1311 = arith.constant 186 : i32
    %broadcast_in_dim3A_1312 = vector.broadcast %jit3A_1311 : i32 to vector<8x1024xi32>
    %select_n3A_1313 = arith.select %lt3A_1309, %broadcast_in_dim3A_1312, %select_n3A_1306 : vector<8x1024xi1>, vector<8x1024xi32>
    %slice3A_1314 = vector.extract_strided_slice %reshape3A {offsets = [187, 0, 0], sizes = [1, 8, 1024], strides = [1, 1, 1]} : vector<250x8x1024xf32> to vector<1x8x1024xf32>
    %squeeze3A_1315 = vector.shape_cast %slice3A_1314 : vector<1x8x1024xf32> to vector<8x1024xf32>
    %lt3A_1316 = arith.cmpf olt, %squeeze3A_1315, %min3A_1310 : vector<8x1024xf32>
    %min3A_1317 = arith.minimumf %min3A_1310, %squeeze3A_1315 : vector<8x1024xf32>
    %jit3A_1318 = arith.constant 187 : i32
    %broadcast_in_dim3A_1319 = vector.broadcast %jit3A_1318 : i32 to vector<8x1024xi32>
    %select_n3A_1320 = arith.select %lt3A_1316, %broadcast_in_dim3A_1319, %select_n3A_1313 : vector<8x1024xi1>, vector<8x1024xi32>
    %slice3A_1321 = vector.extract_strided_slice %reshape3A {offsets = [188, 0, 0], sizes = [1, 8, 1024], strides = [1, 1, 1]} : vector<250x8x1024xf32> to vector<1x8x1024xf32>
    %squeeze3A_1322 = vector.shape_cast %slice3A_1321 : vector<1x8x1024xf32> to vector<8x1024xf32>
    %lt3A_1323 = arith.cmpf olt, %squeeze3A_1322, %min3A_1317 : vector<8x1024xf32>
    %min3A_1324 = arith.minimumf %min3A_1317, %squeeze3A_1322 : vector<8x1024xf32>
    %jit3A_1325 = arith.constant 188 : i32
    %broadcast_in_dim3A_1326 = vector.broadcast %jit3A_1325 : i32 to vector<8x1024xi32>
    %select_n3A_1327 = arith.select %lt3A_1323, %broadcast_in_dim3A_1326, %select_n3A_1320 : vector<8x1024xi1>, vector<8x1024xi32>
    %slice3A_1328 = vector.extract_strided_slice %reshape3A {offsets = [189, 0, 0], sizes = [1, 8, 1024], strides = [1, 1, 1]} : vector<250x8x1024xf32> to vector<1x8x1024xf32>
    %squeeze3A_1329 = vector.shape_cast %slice3A_1328 : vector<1x8x1024xf32> to vector<8x1024xf32>
    %lt3A_1330 = arith.cmpf olt, %squeeze3A_1329, %min3A_1324 : vector<8x1024xf32>
    %min3A_1331 = arith.minimumf %min3A_1324, %squeeze3A_1329 : vector<8x1024xf32>
    %jit3A_1332 = arith.constant 189 : i32
    %broadcast_in_dim3A_1333 = vector.broadcast %jit3A_1332 : i32 to vector<8x1024xi32>
    %select_n3A_1334 = arith.select %lt3A_1330, %broadcast_in_dim3A_1333, %select_n3A_1327 : vector<8x1024xi1>, vector<8x1024xi32>
    %slice3A_1335 = vector.extract_strided_slice %reshape3A {offsets = [190, 0, 0], sizes = [1, 8, 1024], strides = [1, 1, 1]} : vector<250x8x1024xf32> to vector<1x8x1024xf32>
    %squeeze3A_1336 = vector.shape_cast %slice3A_1335 : vector<1x8x1024xf32> to vector<8x1024xf32>
    %lt3A_1337 = arith.cmpf olt, %squeeze3A_1336, %min3A_1331 : vector<8x1024xf32>
    %min3A_1338 = arith.minimumf %min3A_1331, %squeeze3A_1336 : vector<8x1024xf32>
    %jit3A_1339 = arith.constant 190 : i32
    %broadcast_in_dim3A_1340 = vector.broadcast %jit3A_1339 : i32 to vector<8x1024xi32>
    %select_n3A_1341 = arith.select %lt3A_1337, %broadcast_in_dim3A_1340, %select_n3A_1334 : vector<8x1024xi1>, vector<8x1024xi32>
    %slice3A_1342 = vector.extract_strided_slice %reshape3A {offsets = [191, 0, 0], sizes = [1, 8, 1024], strides = [1, 1, 1]} : vector<250x8x1024xf32> to vector<1x8x1024xf32>
    %squeeze3A_1343 = vector.shape_cast %slice3A_1342 : vector<1x8x1024xf32> to vector<8x1024xf32>
    %lt3A_1344 = arith.cmpf olt, %squeeze3A_1343, %min3A_1338 : vector<8x1024xf32>
    %min3A_1345 = arith.minimumf %min3A_1338, %squeeze3A_1343 : vector<8x1024xf32>
    %jit3A_1346 = arith.constant 191 : i32
    %broadcast_in_dim3A_1347 = vector.broadcast %jit3A_1346 : i32 to vector<8x1024xi32>
    %select_n3A_1348 = arith.select %lt3A_1344, %broadcast_in_dim3A_1347, %select_n3A_1341 : vector<8x1024xi1>, vector<8x1024xi32>
    %slice3A_1349 = vector.extract_strided_slice %reshape3A {offsets = [192, 0, 0], sizes = [1, 8, 1024], strides = [1, 1, 1]} : vector<250x8x1024xf32> to vector<1x8x1024xf32>
    %squeeze3A_1350 = vector.shape_cast %slice3A_1349 : vector<1x8x1024xf32> to vector<8x1024xf32>
    %lt3A_1351 = arith.cmpf olt, %squeeze3A_1350, %min3A_1345 : vector<8x1024xf32>
    %min3A_1352 = arith.minimumf %min3A_1345, %squeeze3A_1350 : vector<8x1024xf32>
    %jit3A_1353 = arith.constant 192 : i32
    %broadcast_in_dim3A_1354 = vector.broadcast %jit3A_1353 : i32 to vector<8x1024xi32>
    %select_n3A_1355 = arith.select %lt3A_1351, %broadcast_in_dim3A_1354, %select_n3A_1348 : vector<8x1024xi1>, vector<8x1024xi32>
    %slice3A_1356 = vector.extract_strided_slice %reshape3A {offsets = [193, 0, 0], sizes = [1, 8, 1024], strides = [1, 1, 1]} : vector<250x8x1024xf32> to vector<1x8x1024xf32>
    %squeeze3A_1357 = vector.shape_cast %slice3A_1356 : vector<1x8x1024xf32> to vector<8x1024xf32>
    %lt3A_1358 = arith.cmpf olt, %squeeze3A_1357, %min3A_1352 : vector<8x1024xf32>
    %min3A_1359 = arith.minimumf %min3A_1352, %squeeze3A_1357 : vector<8x1024xf32>
    %jit3A_1360 = arith.constant 193 : i32
    %broadcast_in_dim3A_1361 = vector.broadcast %jit3A_1360 : i32 to vector<8x1024xi32>
    %select_n3A_1362 = arith.select %lt3A_1358, %broadcast_in_dim3A_1361, %select_n3A_1355 : vector<8x1024xi1>, vector<8x1024xi32>
    %slice3A_1363 = vector.extract_strided_slice %reshape3A {offsets = [194, 0, 0], sizes = [1, 8, 1024], strides = [1, 1, 1]} : vector<250x8x1024xf32> to vector<1x8x1024xf32>
    %squeeze3A_1364 = vector.shape_cast %slice3A_1363 : vector<1x8x1024xf32> to vector<8x1024xf32>
    %lt3A_1365 = arith.cmpf olt, %squeeze3A_1364, %min3A_1359 : vector<8x1024xf32>
    %min3A_1366 = arith.minimumf %min3A_1359, %squeeze3A_1364 : vector<8x1024xf32>
    %jit3A_1367 = arith.constant 194 : i32
    %broadcast_in_dim3A_1368 = vector.broadcast %jit3A_1367 : i32 to vector<8x1024xi32>
    %select_n3A_1369 = arith.select %lt3A_1365, %broadcast_in_dim3A_1368, %select_n3A_1362 : vector<8x1024xi1>, vector<8x1024xi32>
    %slice3A_1370 = vector.extract_strided_slice %reshape3A {offsets = [195, 0, 0], sizes = [1, 8, 1024], strides = [1, 1, 1]} : vector<250x8x1024xf32> to vector<1x8x1024xf32>
    %squeeze3A_1371 = vector.shape_cast %slice3A_1370 : vector<1x8x1024xf32> to vector<8x1024xf32>
    %lt3A_1372 = arith.cmpf olt, %squeeze3A_1371, %min3A_1366 : vector<8x1024xf32>
    %min3A_1373 = arith.minimumf %min3A_1366, %squeeze3A_1371 : vector<8x1024xf32>
    %jit3A_1374 = arith.constant 195 : i32
    %broadcast_in_dim3A_1375 = vector.broadcast %jit3A_1374 : i32 to vector<8x1024xi32>
    %select_n3A_1376 = arith.select %lt3A_1372, %broadcast_in_dim3A_1375, %select_n3A_1369 : vector<8x1024xi1>, vector<8x1024xi32>
    %slice3A_1377 = vector.extract_strided_slice %reshape3A {offsets = [196, 0, 0], sizes = [1, 8, 1024], strides = [1, 1, 1]} : vector<250x8x1024xf32> to vector<1x8x1024xf32>
    %squeeze3A_1378 = vector.shape_cast %slice3A_1377 : vector<1x8x1024xf32> to vector<8x1024xf32>
    %lt3A_1379 = arith.cmpf olt, %squeeze3A_1378, %min3A_1373 : vector<8x1024xf32>
    %min3A_1380 = arith.minimumf %min3A_1373, %squeeze3A_1378 : vector<8x1024xf32>
    %jit3A_1381 = arith.constant 196 : i32
    %broadcast_in_dim3A_1382 = vector.broadcast %jit3A_1381 : i32 to vector<8x1024xi32>
    %select_n3A_1383 = arith.select %lt3A_1379, %broadcast_in_dim3A_1382, %select_n3A_1376 : vector<8x1024xi1>, vector<8x1024xi32>
    %slice3A_1384 = vector.extract_strided_slice %reshape3A {offsets = [197, 0, 0], sizes = [1, 8, 1024], strides = [1, 1, 1]} : vector<250x8x1024xf32> to vector<1x8x1024xf32>
    %squeeze3A_1385 = vector.shape_cast %slice3A_1384 : vector<1x8x1024xf32> to vector<8x1024xf32>
    %lt3A_1386 = arith.cmpf olt, %squeeze3A_1385, %min3A_1380 : vector<8x1024xf32>
    %min3A_1387 = arith.minimumf %min3A_1380, %squeeze3A_1385 : vector<8x1024xf32>
    %jit3A_1388 = arith.constant 197 : i32
    %broadcast_in_dim3A_1389 = vector.broadcast %jit3A_1388 : i32 to vector<8x1024xi32>
    %select_n3A_1390 = arith.select %lt3A_1386, %broadcast_in_dim3A_1389, %select_n3A_1383 : vector<8x1024xi1>, vector<8x1024xi32>
    %slice3A_1391 = vector.extract_strided_slice %reshape3A {offsets = [198, 0, 0], sizes = [1, 8, 1024], strides = [1, 1, 1]} : vector<250x8x1024xf32> to vector<1x8x1024xf32>
    %squeeze3A_1392 = vector.shape_cast %slice3A_1391 : vector<1x8x1024xf32> to vector<8x1024xf32>
    %lt3A_1393 = arith.cmpf olt, %squeeze3A_1392, %min3A_1387 : vector<8x1024xf32>
    %min3A_1394 = arith.minimumf %min3A_1387, %squeeze3A_1392 : vector<8x1024xf32>
    %jit3A_1395 = arith.constant 198 : i32
    %broadcast_in_dim3A_1396 = vector.broadcast %jit3A_1395 : i32 to vector<8x1024xi32>
    %select_n3A_1397 = arith.select %lt3A_1393, %broadcast_in_dim3A_1396, %select_n3A_1390 : vector<8x1024xi1>, vector<8x1024xi32>
    %slice3A_1398 = vector.extract_strided_slice %reshape3A {offsets = [199, 0, 0], sizes = [1, 8, 1024], strides = [1, 1, 1]} : vector<250x8x1024xf32> to vector<1x8x1024xf32>
    %squeeze3A_1399 = vector.shape_cast %slice3A_1398 : vector<1x8x1024xf32> to vector<8x1024xf32>
    %lt3A_1400 = arith.cmpf olt, %squeeze3A_1399, %min3A_1394 : vector<8x1024xf32>
    %min3A_1401 = arith.minimumf %min3A_1394, %squeeze3A_1399 : vector<8x1024xf32>
    %jit3A_1402 = arith.constant 199 : i32
    %broadcast_in_dim3A_1403 = vector.broadcast %jit3A_1402 : i32 to vector<8x1024xi32>
    %select_n3A_1404 = arith.select %lt3A_1400, %broadcast_in_dim3A_1403, %select_n3A_1397 : vector<8x1024xi1>, vector<8x1024xi32>
    %slice3A_1405 = vector.extract_strided_slice %reshape3A {offsets = [200, 0, 0], sizes = [1, 8, 1024], strides = [1, 1, 1]} : vector<250x8x1024xf32> to vector<1x8x1024xf32>
    %squeeze3A_1406 = vector.shape_cast %slice3A_1405 : vector<1x8x1024xf32> to vector<8x1024xf32>
    %lt3A_1407 = arith.cmpf olt, %squeeze3A_1406, %min3A_1401 : vector<8x1024xf32>
    %min3A_1408 = arith.minimumf %min3A_1401, %squeeze3A_1406 : vector<8x1024xf32>
    %jit3A_1409 = arith.constant 200 : i32
    %broadcast_in_dim3A_1410 = vector.broadcast %jit3A_1409 : i32 to vector<8x1024xi32>
    %select_n3A_1411 = arith.select %lt3A_1407, %broadcast_in_dim3A_1410, %select_n3A_1404 : vector<8x1024xi1>, vector<8x1024xi32>
    %slice3A_1412 = vector.extract_strided_slice %reshape3A {offsets = [201, 0, 0], sizes = [1, 8, 1024], strides = [1, 1, 1]} : vector<250x8x1024xf32> to vector<1x8x1024xf32>
    %squeeze3A_1413 = vector.shape_cast %slice3A_1412 : vector<1x8x1024xf32> to vector<8x1024xf32>
    %lt3A_1414 = arith.cmpf olt, %squeeze3A_1413, %min3A_1408 : vector<8x1024xf32>
    %min3A_1415 = arith.minimumf %min3A_1408, %squeeze3A_1413 : vector<8x1024xf32>
    %jit3A_1416 = arith.constant 201 : i32
    %broadcast_in_dim3A_1417 = vector.broadcast %jit3A_1416 : i32 to vector<8x1024xi32>
    %select_n3A_1418 = arith.select %lt3A_1414, %broadcast_in_dim3A_1417, %select_n3A_1411 : vector<8x1024xi1>, vector<8x1024xi32>
    %slice3A_1419 = vector.extract_strided_slice %reshape3A {offsets = [202, 0, 0], sizes = [1, 8, 1024], strides = [1, 1, 1]} : vector<250x8x1024xf32> to vector<1x8x1024xf32>
    %squeeze3A_1420 = vector.shape_cast %slice3A_1419 : vector<1x8x1024xf32> to vector<8x1024xf32>
    %lt3A_1421 = arith.cmpf olt, %squeeze3A_1420, %min3A_1415 : vector<8x1024xf32>
    %min3A_1422 = arith.minimumf %min3A_1415, %squeeze3A_1420 : vector<8x1024xf32>
    %jit3A_1423 = arith.constant 202 : i32
    %broadcast_in_dim3A_1424 = vector.broadcast %jit3A_1423 : i32 to vector<8x1024xi32>
    %select_n3A_1425 = arith.select %lt3A_1421, %broadcast_in_dim3A_1424, %select_n3A_1418 : vector<8x1024xi1>, vector<8x1024xi32>
    %slice3A_1426 = vector.extract_strided_slice %reshape3A {offsets = [203, 0, 0], sizes = [1, 8, 1024], strides = [1, 1, 1]} : vector<250x8x1024xf32> to vector<1x8x1024xf32>
    %squeeze3A_1427 = vector.shape_cast %slice3A_1426 : vector<1x8x1024xf32> to vector<8x1024xf32>
    %lt3A_1428 = arith.cmpf olt, %squeeze3A_1427, %min3A_1422 : vector<8x1024xf32>
    %min3A_1429 = arith.minimumf %min3A_1422, %squeeze3A_1427 : vector<8x1024xf32>
    %jit3A_1430 = arith.constant 203 : i32
    %broadcast_in_dim3A_1431 = vector.broadcast %jit3A_1430 : i32 to vector<8x1024xi32>
    %select_n3A_1432 = arith.select %lt3A_1428, %broadcast_in_dim3A_1431, %select_n3A_1425 : vector<8x1024xi1>, vector<8x1024xi32>
    %slice3A_1433 = vector.extract_strided_slice %reshape3A {offsets = [204, 0, 0], sizes = [1, 8, 1024], strides = [1, 1, 1]} : vector<250x8x1024xf32> to vector<1x8x1024xf32>
    %squeeze3A_1434 = vector.shape_cast %slice3A_1433 : vector<1x8x1024xf32> to vector<8x1024xf32>
    %lt3A_1435 = arith.cmpf olt, %squeeze3A_1434, %min3A_1429 : vector<8x1024xf32>
    %min3A_1436 = arith.minimumf %min3A_1429, %squeeze3A_1434 : vector<8x1024xf32>
    %jit3A_1437 = arith.constant 204 : i32
    %broadcast_in_dim3A_1438 = vector.broadcast %jit3A_1437 : i32 to vector<8x1024xi32>
    %select_n3A_1439 = arith.select %lt3A_1435, %broadcast_in_dim3A_1438, %select_n3A_1432 : vector<8x1024xi1>, vector<8x1024xi32>
    %slice3A_1440 = vector.extract_strided_slice %reshape3A {offsets = [205, 0, 0], sizes = [1, 8, 1024], strides = [1, 1, 1]} : vector<250x8x1024xf32> to vector<1x8x1024xf32>
    %squeeze3A_1441 = vector.shape_cast %slice3A_1440 : vector<1x8x1024xf32> to vector<8x1024xf32>
    %lt3A_1442 = arith.cmpf olt, %squeeze3A_1441, %min3A_1436 : vector<8x1024xf32>
    %min3A_1443 = arith.minimumf %min3A_1436, %squeeze3A_1441 : vector<8x1024xf32>
    %jit3A_1444 = arith.constant 205 : i32
    %broadcast_in_dim3A_1445 = vector.broadcast %jit3A_1444 : i32 to vector<8x1024xi32>
    %select_n3A_1446 = arith.select %lt3A_1442, %broadcast_in_dim3A_1445, %select_n3A_1439 : vector<8x1024xi1>, vector<8x1024xi32>
    %slice3A_1447 = vector.extract_strided_slice %reshape3A {offsets = [206, 0, 0], sizes = [1, 8, 1024], strides = [1, 1, 1]} : vector<250x8x1024xf32> to vector<1x8x1024xf32>
    %squeeze3A_1448 = vector.shape_cast %slice3A_1447 : vector<1x8x1024xf32> to vector<8x1024xf32>
    %lt3A_1449 = arith.cmpf olt, %squeeze3A_1448, %min3A_1443 : vector<8x1024xf32>
    %min3A_1450 = arith.minimumf %min3A_1443, %squeeze3A_1448 : vector<8x1024xf32>
    %jit3A_1451 = arith.constant 206 : i32
    %broadcast_in_dim3A_1452 = vector.broadcast %jit3A_1451 : i32 to vector<8x1024xi32>
    %select_n3A_1453 = arith.select %lt3A_1449, %broadcast_in_dim3A_1452, %select_n3A_1446 : vector<8x1024xi1>, vector<8x1024xi32>
    %slice3A_1454 = vector.extract_strided_slice %reshape3A {offsets = [207, 0, 0], sizes = [1, 8, 1024], strides = [1, 1, 1]} : vector<250x8x1024xf32> to vector<1x8x1024xf32>
    %squeeze3A_1455 = vector.shape_cast %slice3A_1454 : vector<1x8x1024xf32> to vector<8x1024xf32>
    %lt3A_1456 = arith.cmpf olt, %squeeze3A_1455, %min3A_1450 : vector<8x1024xf32>
    %min3A_1457 = arith.minimumf %min3A_1450, %squeeze3A_1455 : vector<8x1024xf32>
    %jit3A_1458 = arith.constant 207 : i32
    %broadcast_in_dim3A_1459 = vector.broadcast %jit3A_1458 : i32 to vector<8x1024xi32>
    %select_n3A_1460 = arith.select %lt3A_1456, %broadcast_in_dim3A_1459, %select_n3A_1453 : vector<8x1024xi1>, vector<8x1024xi32>
    %slice3A_1461 = vector.extract_strided_slice %reshape3A {offsets = [208, 0, 0], sizes = [1, 8, 1024], strides = [1, 1, 1]} : vector<250x8x1024xf32> to vector<1x8x1024xf32>
    %squeeze3A_1462 = vector.shape_cast %slice3A_1461 : vector<1x8x1024xf32> to vector<8x1024xf32>
    %lt3A_1463 = arith.cmpf olt, %squeeze3A_1462, %min3A_1457 : vector<8x1024xf32>
    %min3A_1464 = arith.minimumf %min3A_1457, %squeeze3A_1462 : vector<8x1024xf32>
    %jit3A_1465 = arith.constant 208 : i32
    %broadcast_in_dim3A_1466 = vector.broadcast %jit3A_1465 : i32 to vector<8x1024xi32>
    %select_n3A_1467 = arith.select %lt3A_1463, %broadcast_in_dim3A_1466, %select_n3A_1460 : vector<8x1024xi1>, vector<8x1024xi32>
    %slice3A_1468 = vector.extract_strided_slice %reshape3A {offsets = [209, 0, 0], sizes = [1, 8, 1024], strides = [1, 1, 1]} : vector<250x8x1024xf32> to vector<1x8x1024xf32>
    %squeeze3A_1469 = vector.shape_cast %slice3A_1468 : vector<1x8x1024xf32> to vector<8x1024xf32>
    %lt3A_1470 = arith.cmpf olt, %squeeze3A_1469, %min3A_1464 : vector<8x1024xf32>
    %min3A_1471 = arith.minimumf %min3A_1464, %squeeze3A_1469 : vector<8x1024xf32>
    %jit3A_1472 = arith.constant 209 : i32
    %broadcast_in_dim3A_1473 = vector.broadcast %jit3A_1472 : i32 to vector<8x1024xi32>
    %select_n3A_1474 = arith.select %lt3A_1470, %broadcast_in_dim3A_1473, %select_n3A_1467 : vector<8x1024xi1>, vector<8x1024xi32>
    %slice3A_1475 = vector.extract_strided_slice %reshape3A {offsets = [210, 0, 0], sizes = [1, 8, 1024], strides = [1, 1, 1]} : vector<250x8x1024xf32> to vector<1x8x1024xf32>
    %squeeze3A_1476 = vector.shape_cast %slice3A_1475 : vector<1x8x1024xf32> to vector<8x1024xf32>
    %lt3A_1477 = arith.cmpf olt, %squeeze3A_1476, %min3A_1471 : vector<8x1024xf32>
    %min3A_1478 = arith.minimumf %min3A_1471, %squeeze3A_1476 : vector<8x1024xf32>
    %jit3A_1479 = arith.constant 210 : i32
    %broadcast_in_dim3A_1480 = vector.broadcast %jit3A_1479 : i32 to vector<8x1024xi32>
    %select_n3A_1481 = arith.select %lt3A_1477, %broadcast_in_dim3A_1480, %select_n3A_1474 : vector<8x1024xi1>, vector<8x1024xi32>
    %slice3A_1482 = vector.extract_strided_slice %reshape3A {offsets = [211, 0, 0], sizes = [1, 8, 1024], strides = [1, 1, 1]} : vector<250x8x1024xf32> to vector<1x8x1024xf32>
    %squeeze3A_1483 = vector.shape_cast %slice3A_1482 : vector<1x8x1024xf32> to vector<8x1024xf32>
    %lt3A_1484 = arith.cmpf olt, %squeeze3A_1483, %min3A_1478 : vector<8x1024xf32>
    %min3A_1485 = arith.minimumf %min3A_1478, %squeeze3A_1483 : vector<8x1024xf32>
    %jit3A_1486 = arith.constant 211 : i32
    %broadcast_in_dim3A_1487 = vector.broadcast %jit3A_1486 : i32 to vector<8x1024xi32>
    %select_n3A_1488 = arith.select %lt3A_1484, %broadcast_in_dim3A_1487, %select_n3A_1481 : vector<8x1024xi1>, vector<8x1024xi32>
    %slice3A_1489 = vector.extract_strided_slice %reshape3A {offsets = [212, 0, 0], sizes = [1, 8, 1024], strides = [1, 1, 1]} : vector<250x8x1024xf32> to vector<1x8x1024xf32>
    %squeeze3A_1490 = vector.shape_cast %slice3A_1489 : vector<1x8x1024xf32> to vector<8x1024xf32>
    %lt3A_1491 = arith.cmpf olt, %squeeze3A_1490, %min3A_1485 : vector<8x1024xf32>
    %min3A_1492 = arith.minimumf %min3A_1485, %squeeze3A_1490 : vector<8x1024xf32>
    %jit3A_1493 = arith.constant 212 : i32
    %broadcast_in_dim3A_1494 = vector.broadcast %jit3A_1493 : i32 to vector<8x1024xi32>
    %select_n3A_1495 = arith.select %lt3A_1491, %broadcast_in_dim3A_1494, %select_n3A_1488 : vector<8x1024xi1>, vector<8x1024xi32>
    %slice3A_1496 = vector.extract_strided_slice %reshape3A {offsets = [213, 0, 0], sizes = [1, 8, 1024], strides = [1, 1, 1]} : vector<250x8x1024xf32> to vector<1x8x1024xf32>
    %squeeze3A_1497 = vector.shape_cast %slice3A_1496 : vector<1x8x1024xf32> to vector<8x1024xf32>
    %lt3A_1498 = arith.cmpf olt, %squeeze3A_1497, %min3A_1492 : vector<8x1024xf32>
    %min3A_1499 = arith.minimumf %min3A_1492, %squeeze3A_1497 : vector<8x1024xf32>
    %jit3A_1500 = arith.constant 213 : i32
    %broadcast_in_dim3A_1501 = vector.broadcast %jit3A_1500 : i32 to vector<8x1024xi32>
    %select_n3A_1502 = arith.select %lt3A_1498, %broadcast_in_dim3A_1501, %select_n3A_1495 : vector<8x1024xi1>, vector<8x1024xi32>
    %slice3A_1503 = vector.extract_strided_slice %reshape3A {offsets = [214, 0, 0], sizes = [1, 8, 1024], strides = [1, 1, 1]} : vector<250x8x1024xf32> to vector<1x8x1024xf32>
    %squeeze3A_1504 = vector.shape_cast %slice3A_1503 : vector<1x8x1024xf32> to vector<8x1024xf32>
    %lt3A_1505 = arith.cmpf olt, %squeeze3A_1504, %min3A_1499 : vector<8x1024xf32>
    %min3A_1506 = arith.minimumf %min3A_1499, %squeeze3A_1504 : vector<8x1024xf32>
    %jit3A_1507 = arith.constant 214 : i32
    %broadcast_in_dim3A_1508 = vector.broadcast %jit3A_1507 : i32 to vector<8x1024xi32>
    %select_n3A_1509 = arith.select %lt3A_1505, %broadcast_in_dim3A_1508, %select_n3A_1502 : vector<8x1024xi1>, vector<8x1024xi32>
    %slice3A_1510 = vector.extract_strided_slice %reshape3A {offsets = [215, 0, 0], sizes = [1, 8, 1024], strides = [1, 1, 1]} : vector<250x8x1024xf32> to vector<1x8x1024xf32>
    %squeeze3A_1511 = vector.shape_cast %slice3A_1510 : vector<1x8x1024xf32> to vector<8x1024xf32>
    %lt3A_1512 = arith.cmpf olt, %squeeze3A_1511, %min3A_1506 : vector<8x1024xf32>
    %min3A_1513 = arith.minimumf %min3A_1506, %squeeze3A_1511 : vector<8x1024xf32>
    %jit3A_1514 = arith.constant 215 : i32
    %broadcast_in_dim3A_1515 = vector.broadcast %jit3A_1514 : i32 to vector<8x1024xi32>
    %select_n3A_1516 = arith.select %lt3A_1512, %broadcast_in_dim3A_1515, %select_n3A_1509 : vector<8x1024xi1>, vector<8x1024xi32>
    %slice3A_1517 = vector.extract_strided_slice %reshape3A {offsets = [216, 0, 0], sizes = [1, 8, 1024], strides = [1, 1, 1]} : vector<250x8x1024xf32> to vector<1x8x1024xf32>
    %squeeze3A_1518 = vector.shape_cast %slice3A_1517 : vector<1x8x1024xf32> to vector<8x1024xf32>
    %lt3A_1519 = arith.cmpf olt, %squeeze3A_1518, %min3A_1513 : vector<8x1024xf32>
    %min3A_1520 = arith.minimumf %min3A_1513, %squeeze3A_1518 : vector<8x1024xf32>
    %jit3A_1521 = arith.constant 216 : i32
    %broadcast_in_dim3A_1522 = vector.broadcast %jit3A_1521 : i32 to vector<8x1024xi32>
    %select_n3A_1523 = arith.select %lt3A_1519, %broadcast_in_dim3A_1522, %select_n3A_1516 : vector<8x1024xi1>, vector<8x1024xi32>
    %slice3A_1524 = vector.extract_strided_slice %reshape3A {offsets = [217, 0, 0], sizes = [1, 8, 1024], strides = [1, 1, 1]} : vector<250x8x1024xf32> to vector<1x8x1024xf32>
    %squeeze3A_1525 = vector.shape_cast %slice3A_1524 : vector<1x8x1024xf32> to vector<8x1024xf32>
    %lt3A_1526 = arith.cmpf olt, %squeeze3A_1525, %min3A_1520 : vector<8x1024xf32>
    %min3A_1527 = arith.minimumf %min3A_1520, %squeeze3A_1525 : vector<8x1024xf32>
    %jit3A_1528 = arith.constant 217 : i32
    %broadcast_in_dim3A_1529 = vector.broadcast %jit3A_1528 : i32 to vector<8x1024xi32>
    %select_n3A_1530 = arith.select %lt3A_1526, %broadcast_in_dim3A_1529, %select_n3A_1523 : vector<8x1024xi1>, vector<8x1024xi32>
    %slice3A_1531 = vector.extract_strided_slice %reshape3A {offsets = [218, 0, 0], sizes = [1, 8, 1024], strides = [1, 1, 1]} : vector<250x8x1024xf32> to vector<1x8x1024xf32>
    %squeeze3A_1532 = vector.shape_cast %slice3A_1531 : vector<1x8x1024xf32> to vector<8x1024xf32>
    %lt3A_1533 = arith.cmpf olt, %squeeze3A_1532, %min3A_1527 : vector<8x1024xf32>
    %min3A_1534 = arith.minimumf %min3A_1527, %squeeze3A_1532 : vector<8x1024xf32>
    %jit3A_1535 = arith.constant 218 : i32
    %broadcast_in_dim3A_1536 = vector.broadcast %jit3A_1535 : i32 to vector<8x1024xi32>
    %select_n3A_1537 = arith.select %lt3A_1533, %broadcast_in_dim3A_1536, %select_n3A_1530 : vector<8x1024xi1>, vector<8x1024xi32>
    %slice3A_1538 = vector.extract_strided_slice %reshape3A {offsets = [219, 0, 0], sizes = [1, 8, 1024], strides = [1, 1, 1]} : vector<250x8x1024xf32> to vector<1x8x1024xf32>
    %squeeze3A_1539 = vector.shape_cast %slice3A_1538 : vector<1x8x1024xf32> to vector<8x1024xf32>
    %lt3A_1540 = arith.cmpf olt, %squeeze3A_1539, %min3A_1534 : vector<8x1024xf32>
    %min3A_1541 = arith.minimumf %min3A_1534, %squeeze3A_1539 : vector<8x1024xf32>
    %jit3A_1542 = arith.constant 219 : i32
    %broadcast_in_dim3A_1543 = vector.broadcast %jit3A_1542 : i32 to vector<8x1024xi32>
    %select_n3A_1544 = arith.select %lt3A_1540, %broadcast_in_dim3A_1543, %select_n3A_1537 : vector<8x1024xi1>, vector<8x1024xi32>
    %slice3A_1545 = vector.extract_strided_slice %reshape3A {offsets = [220, 0, 0], sizes = [1, 8, 1024], strides = [1, 1, 1]} : vector<250x8x1024xf32> to vector<1x8x1024xf32>
    %squeeze3A_1546 = vector.shape_cast %slice3A_1545 : vector<1x8x1024xf32> to vector<8x1024xf32>
    %lt3A_1547 = arith.cmpf olt, %squeeze3A_1546, %min3A_1541 : vector<8x1024xf32>
    %min3A_1548 = arith.minimumf %min3A_1541, %squeeze3A_1546 : vector<8x1024xf32>
    %jit3A_1549 = arith.constant 220 : i32
    %broadcast_in_dim3A_1550 = vector.broadcast %jit3A_1549 : i32 to vector<8x1024xi32>
    %select_n3A_1551 = arith.select %lt3A_1547, %broadcast_in_dim3A_1550, %select_n3A_1544 : vector<8x1024xi1>, vector<8x1024xi32>
    %slice3A_1552 = vector.extract_strided_slice %reshape3A {offsets = [221, 0, 0], sizes = [1, 8, 1024], strides = [1, 1, 1]} : vector<250x8x1024xf32> to vector<1x8x1024xf32>
    %squeeze3A_1553 = vector.shape_cast %slice3A_1552 : vector<1x8x1024xf32> to vector<8x1024xf32>
    %lt3A_1554 = arith.cmpf olt, %squeeze3A_1553, %min3A_1548 : vector<8x1024xf32>
    %min3A_1555 = arith.minimumf %min3A_1548, %squeeze3A_1553 : vector<8x1024xf32>
    %jit3A_1556 = arith.constant 221 : i32
    %broadcast_in_dim3A_1557 = vector.broadcast %jit3A_1556 : i32 to vector<8x1024xi32>
    %select_n3A_1558 = arith.select %lt3A_1554, %broadcast_in_dim3A_1557, %select_n3A_1551 : vector<8x1024xi1>, vector<8x1024xi32>
    %slice3A_1559 = vector.extract_strided_slice %reshape3A {offsets = [222, 0, 0], sizes = [1, 8, 1024], strides = [1, 1, 1]} : vector<250x8x1024xf32> to vector<1x8x1024xf32>
    %squeeze3A_1560 = vector.shape_cast %slice3A_1559 : vector<1x8x1024xf32> to vector<8x1024xf32>
    %lt3A_1561 = arith.cmpf olt, %squeeze3A_1560, %min3A_1555 : vector<8x1024xf32>
    %min3A_1562 = arith.minimumf %min3A_1555, %squeeze3A_1560 : vector<8x1024xf32>
    %jit3A_1563 = arith.constant 222 : i32
    %broadcast_in_dim3A_1564 = vector.broadcast %jit3A_1563 : i32 to vector<8x1024xi32>
    %select_n3A_1565 = arith.select %lt3A_1561, %broadcast_in_dim3A_1564, %select_n3A_1558 : vector<8x1024xi1>, vector<8x1024xi32>
    %slice3A_1566 = vector.extract_strided_slice %reshape3A {offsets = [223, 0, 0], sizes = [1, 8, 1024], strides = [1, 1, 1]} : vector<250x8x1024xf32> to vector<1x8x1024xf32>
    %squeeze3A_1567 = vector.shape_cast %slice3A_1566 : vector<1x8x1024xf32> to vector<8x1024xf32>
    %lt3A_1568 = arith.cmpf olt, %squeeze3A_1567, %min3A_1562 : vector<8x1024xf32>
    %min3A_1569 = arith.minimumf %min3A_1562, %squeeze3A_1567 : vector<8x1024xf32>
    %jit3A_1570 = arith.constant 223 : i32
    %broadcast_in_dim3A_1571 = vector.broadcast %jit3A_1570 : i32 to vector<8x1024xi32>
    %select_n3A_1572 = arith.select %lt3A_1568, %broadcast_in_dim3A_1571, %select_n3A_1565 : vector<8x1024xi1>, vector<8x1024xi32>
    %slice3A_1573 = vector.extract_strided_slice %reshape3A {offsets = [224, 0, 0], sizes = [1, 8, 1024], strides = [1, 1, 1]} : vector<250x8x1024xf32> to vector<1x8x1024xf32>
    %squeeze3A_1574 = vector.shape_cast %slice3A_1573 : vector<1x8x1024xf32> to vector<8x1024xf32>
    %lt3A_1575 = arith.cmpf olt, %squeeze3A_1574, %min3A_1569 : vector<8x1024xf32>
    %min3A_1576 = arith.minimumf %min3A_1569, %squeeze3A_1574 : vector<8x1024xf32>
    %jit3A_1577 = arith.constant 224 : i32
    %broadcast_in_dim3A_1578 = vector.broadcast %jit3A_1577 : i32 to vector<8x1024xi32>
    %select_n3A_1579 = arith.select %lt3A_1575, %broadcast_in_dim3A_1578, %select_n3A_1572 : vector<8x1024xi1>, vector<8x1024xi32>
    %slice3A_1580 = vector.extract_strided_slice %reshape3A {offsets = [225, 0, 0], sizes = [1, 8, 1024], strides = [1, 1, 1]} : vector<250x8x1024xf32> to vector<1x8x1024xf32>
    %squeeze3A_1581 = vector.shape_cast %slice3A_1580 : vector<1x8x1024xf32> to vector<8x1024xf32>
    %lt3A_1582 = arith.cmpf olt, %squeeze3A_1581, %min3A_1576 : vector<8x1024xf32>
    %min3A_1583 = arith.minimumf %min3A_1576, %squeeze3A_1581 : vector<8x1024xf32>
    %jit3A_1584 = arith.constant 225 : i32
    %broadcast_in_dim3A_1585 = vector.broadcast %jit3A_1584 : i32 to vector<8x1024xi32>
    %select_n3A_1586 = arith.select %lt3A_1582, %broadcast_in_dim3A_1585, %select_n3A_1579 : vector<8x1024xi1>, vector<8x1024xi32>
    %slice3A_1587 = vector.extract_strided_slice %reshape3A {offsets = [226, 0, 0], sizes = [1, 8, 1024], strides = [1, 1, 1]} : vector<250x8x1024xf32> to vector<1x8x1024xf32>
    %squeeze3A_1588 = vector.shape_cast %slice3A_1587 : vector<1x8x1024xf32> to vector<8x1024xf32>
    %lt3A_1589 = arith.cmpf olt, %squeeze3A_1588, %min3A_1583 : vector<8x1024xf32>
    %min3A_1590 = arith.minimumf %min3A_1583, %squeeze3A_1588 : vector<8x1024xf32>
    %jit3A_1591 = arith.constant 226 : i32
    %broadcast_in_dim3A_1592 = vector.broadcast %jit3A_1591 : i32 to vector<8x1024xi32>
    %select_n3A_1593 = arith.select %lt3A_1589, %broadcast_in_dim3A_1592, %select_n3A_1586 : vector<8x1024xi1>, vector<8x1024xi32>
    %slice3A_1594 = vector.extract_strided_slice %reshape3A {offsets = [227, 0, 0], sizes = [1, 8, 1024], strides = [1, 1, 1]} : vector<250x8x1024xf32> to vector<1x8x1024xf32>
    %squeeze3A_1595 = vector.shape_cast %slice3A_1594 : vector<1x8x1024xf32> to vector<8x1024xf32>
    %lt3A_1596 = arith.cmpf olt, %squeeze3A_1595, %min3A_1590 : vector<8x1024xf32>
    %min3A_1597 = arith.minimumf %min3A_1590, %squeeze3A_1595 : vector<8x1024xf32>
    %jit3A_1598 = arith.constant 227 : i32
    %broadcast_in_dim3A_1599 = vector.broadcast %jit3A_1598 : i32 to vector<8x1024xi32>
    %select_n3A_1600 = arith.select %lt3A_1596, %broadcast_in_dim3A_1599, %select_n3A_1593 : vector<8x1024xi1>, vector<8x1024xi32>
    %slice3A_1601 = vector.extract_strided_slice %reshape3A {offsets = [228, 0, 0], sizes = [1, 8, 1024], strides = [1, 1, 1]} : vector<250x8x1024xf32> to vector<1x8x1024xf32>
    %squeeze3A_1602 = vector.shape_cast %slice3A_1601 : vector<1x8x1024xf32> to vector<8x1024xf32>
    %lt3A_1603 = arith.cmpf olt, %squeeze3A_1602, %min3A_1597 : vector<8x1024xf32>
    %min3A_1604 = arith.minimumf %min3A_1597, %squeeze3A_1602 : vector<8x1024xf32>
    %jit3A_1605 = arith.constant 228 : i32
    %broadcast_in_dim3A_1606 = vector.broadcast %jit3A_1605 : i32 to vector<8x1024xi32>
    %select_n3A_1607 = arith.select %lt3A_1603, %broadcast_in_dim3A_1606, %select_n3A_1600 : vector<8x1024xi1>, vector<8x1024xi32>
    %slice3A_1608 = vector.extract_strided_slice %reshape3A {offsets = [229, 0, 0], sizes = [1, 8, 1024], strides = [1, 1, 1]} : vector<250x8x1024xf32> to vector<1x8x1024xf32>
    %squeeze3A_1609 = vector.shape_cast %slice3A_1608 : vector<1x8x1024xf32> to vector<8x1024xf32>
    %lt3A_1610 = arith.cmpf olt, %squeeze3A_1609, %min3A_1604 : vector<8x1024xf32>
    %min3A_1611 = arith.minimumf %min3A_1604, %squeeze3A_1609 : vector<8x1024xf32>
    %jit3A_1612 = arith.constant 229 : i32
    %broadcast_in_dim3A_1613 = vector.broadcast %jit3A_1612 : i32 to vector<8x1024xi32>
    %select_n3A_1614 = arith.select %lt3A_1610, %broadcast_in_dim3A_1613, %select_n3A_1607 : vector<8x1024xi1>, vector<8x1024xi32>
    %slice3A_1615 = vector.extract_strided_slice %reshape3A {offsets = [230, 0, 0], sizes = [1, 8, 1024], strides = [1, 1, 1]} : vector<250x8x1024xf32> to vector<1x8x1024xf32>
    %squeeze3A_1616 = vector.shape_cast %slice3A_1615 : vector<1x8x1024xf32> to vector<8x1024xf32>
    %lt3A_1617 = arith.cmpf olt, %squeeze3A_1616, %min3A_1611 : vector<8x1024xf32>
    %min3A_1618 = arith.minimumf %min3A_1611, %squeeze3A_1616 : vector<8x1024xf32>
    %jit3A_1619 = arith.constant 230 : i32
    %broadcast_in_dim3A_1620 = vector.broadcast %jit3A_1619 : i32 to vector<8x1024xi32>
    %select_n3A_1621 = arith.select %lt3A_1617, %broadcast_in_dim3A_1620, %select_n3A_1614 : vector<8x1024xi1>, vector<8x1024xi32>
    %slice3A_1622 = vector.extract_strided_slice %reshape3A {offsets = [231, 0, 0], sizes = [1, 8, 1024], strides = [1, 1, 1]} : vector<250x8x1024xf32> to vector<1x8x1024xf32>
    %squeeze3A_1623 = vector.shape_cast %slice3A_1622 : vector<1x8x1024xf32> to vector<8x1024xf32>
    %lt3A_1624 = arith.cmpf olt, %squeeze3A_1623, %min3A_1618 : vector<8x1024xf32>
    %min3A_1625 = arith.minimumf %min3A_1618, %squeeze3A_1623 : vector<8x1024xf32>
    %jit3A_1626 = arith.constant 231 : i32
    %broadcast_in_dim3A_1627 = vector.broadcast %jit3A_1626 : i32 to vector<8x1024xi32>
    %select_n3A_1628 = arith.select %lt3A_1624, %broadcast_in_dim3A_1627, %select_n3A_1621 : vector<8x1024xi1>, vector<8x1024xi32>
    %slice3A_1629 = vector.extract_strided_slice %reshape3A {offsets = [232, 0, 0], sizes = [1, 8, 1024], strides = [1, 1, 1]} : vector<250x8x1024xf32> to vector<1x8x1024xf32>
    %squeeze3A_1630 = vector.shape_cast %slice3A_1629 : vector<1x8x1024xf32> to vector<8x1024xf32>
    %lt3A_1631 = arith.cmpf olt, %squeeze3A_1630, %min3A_1625 : vector<8x1024xf32>
    %min3A_1632 = arith.minimumf %min3A_1625, %squeeze3A_1630 : vector<8x1024xf32>
    %jit3A_1633 = arith.constant 232 : i32
    %broadcast_in_dim3A_1634 = vector.broadcast %jit3A_1633 : i32 to vector<8x1024xi32>
    %select_n3A_1635 = arith.select %lt3A_1631, %broadcast_in_dim3A_1634, %select_n3A_1628 : vector<8x1024xi1>, vector<8x1024xi32>
    %slice3A_1636 = vector.extract_strided_slice %reshape3A {offsets = [233, 0, 0], sizes = [1, 8, 1024], strides = [1, 1, 1]} : vector<250x8x1024xf32> to vector<1x8x1024xf32>
    %squeeze3A_1637 = vector.shape_cast %slice3A_1636 : vector<1x8x1024xf32> to vector<8x1024xf32>
    %lt3A_1638 = arith.cmpf olt, %squeeze3A_1637, %min3A_1632 : vector<8x1024xf32>
    %min3A_1639 = arith.minimumf %min3A_1632, %squeeze3A_1637 : vector<8x1024xf32>
    %jit3A_1640 = arith.constant 233 : i32
    %broadcast_in_dim3A_1641 = vector.broadcast %jit3A_1640 : i32 to vector<8x1024xi32>
    %select_n3A_1642 = arith.select %lt3A_1638, %broadcast_in_dim3A_1641, %select_n3A_1635 : vector<8x1024xi1>, vector<8x1024xi32>
    %slice3A_1643 = vector.extract_strided_slice %reshape3A {offsets = [234, 0, 0], sizes = [1, 8, 1024], strides = [1, 1, 1]} : vector<250x8x1024xf32> to vector<1x8x1024xf32>
    %squeeze3A_1644 = vector.shape_cast %slice3A_1643 : vector<1x8x1024xf32> to vector<8x1024xf32>
    %lt3A_1645 = arith.cmpf olt, %squeeze3A_1644, %min3A_1639 : vector<8x1024xf32>
    %min3A_1646 = arith.minimumf %min3A_1639, %squeeze3A_1644 : vector<8x1024xf32>
    %jit3A_1647 = arith.constant 234 : i32
    %broadcast_in_dim3A_1648 = vector.broadcast %jit3A_1647 : i32 to vector<8x1024xi32>
    %select_n3A_1649 = arith.select %lt3A_1645, %broadcast_in_dim3A_1648, %select_n3A_1642 : vector<8x1024xi1>, vector<8x1024xi32>
    %slice3A_1650 = vector.extract_strided_slice %reshape3A {offsets = [235, 0, 0], sizes = [1, 8, 1024], strides = [1, 1, 1]} : vector<250x8x1024xf32> to vector<1x8x1024xf32>
    %squeeze3A_1651 = vector.shape_cast %slice3A_1650 : vector<1x8x1024xf32> to vector<8x1024xf32>
    %lt3A_1652 = arith.cmpf olt, %squeeze3A_1651, %min3A_1646 : vector<8x1024xf32>
    %min3A_1653 = arith.minimumf %min3A_1646, %squeeze3A_1651 : vector<8x1024xf32>
    %jit3A_1654 = arith.constant 235 : i32
    %broadcast_in_dim3A_1655 = vector.broadcast %jit3A_1654 : i32 to vector<8x1024xi32>
    %select_n3A_1656 = arith.select %lt3A_1652, %broadcast_in_dim3A_1655, %select_n3A_1649 : vector<8x1024xi1>, vector<8x1024xi32>
    %slice3A_1657 = vector.extract_strided_slice %reshape3A {offsets = [236, 0, 0], sizes = [1, 8, 1024], strides = [1, 1, 1]} : vector<250x8x1024xf32> to vector<1x8x1024xf32>
    %squeeze3A_1658 = vector.shape_cast %slice3A_1657 : vector<1x8x1024xf32> to vector<8x1024xf32>
    %lt3A_1659 = arith.cmpf olt, %squeeze3A_1658, %min3A_1653 : vector<8x1024xf32>
    %min3A_1660 = arith.minimumf %min3A_1653, %squeeze3A_1658 : vector<8x1024xf32>
    %jit3A_1661 = arith.constant 236 : i32
    %broadcast_in_dim3A_1662 = vector.broadcast %jit3A_1661 : i32 to vector<8x1024xi32>
    %select_n3A_1663 = arith.select %lt3A_1659, %broadcast_in_dim3A_1662, %select_n3A_1656 : vector<8x1024xi1>, vector<8x1024xi32>
    %slice3A_1664 = vector.extract_strided_slice %reshape3A {offsets = [237, 0, 0], sizes = [1, 8, 1024], strides = [1, 1, 1]} : vector<250x8x1024xf32> to vector<1x8x1024xf32>
    %squeeze3A_1665 = vector.shape_cast %slice3A_1664 : vector<1x8x1024xf32> to vector<8x1024xf32>
    %lt3A_1666 = arith.cmpf olt, %squeeze3A_1665, %min3A_1660 : vector<8x1024xf32>
    %min3A_1667 = arith.minimumf %min3A_1660, %squeeze3A_1665 : vector<8x1024xf32>
    %jit3A_1668 = arith.constant 237 : i32
    %broadcast_in_dim3A_1669 = vector.broadcast %jit3A_1668 : i32 to vector<8x1024xi32>
    %select_n3A_1670 = arith.select %lt3A_1666, %broadcast_in_dim3A_1669, %select_n3A_1663 : vector<8x1024xi1>, vector<8x1024xi32>
    %slice3A_1671 = vector.extract_strided_slice %reshape3A {offsets = [238, 0, 0], sizes = [1, 8, 1024], strides = [1, 1, 1]} : vector<250x8x1024xf32> to vector<1x8x1024xf32>
    %squeeze3A_1672 = vector.shape_cast %slice3A_1671 : vector<1x8x1024xf32> to vector<8x1024xf32>
    %lt3A_1673 = arith.cmpf olt, %squeeze3A_1672, %min3A_1667 : vector<8x1024xf32>
    %min3A_1674 = arith.minimumf %min3A_1667, %squeeze3A_1672 : vector<8x1024xf32>
    %jit3A_1675 = arith.constant 238 : i32
    %broadcast_in_dim3A_1676 = vector.broadcast %jit3A_1675 : i32 to vector<8x1024xi32>
    %select_n3A_1677 = arith.select %lt3A_1673, %broadcast_in_dim3A_1676, %select_n3A_1670 : vector<8x1024xi1>, vector<8x1024xi32>
    %slice3A_1678 = vector.extract_strided_slice %reshape3A {offsets = [239, 0, 0], sizes = [1, 8, 1024], strides = [1, 1, 1]} : vector<250x8x1024xf32> to vector<1x8x1024xf32>
    %squeeze3A_1679 = vector.shape_cast %slice3A_1678 : vector<1x8x1024xf32> to vector<8x1024xf32>
    %lt3A_1680 = arith.cmpf olt, %squeeze3A_1679, %min3A_1674 : vector<8x1024xf32>
    %min3A_1681 = arith.minimumf %min3A_1674, %squeeze3A_1679 : vector<8x1024xf32>
    %jit3A_1682 = arith.constant 239 : i32
    %broadcast_in_dim3A_1683 = vector.broadcast %jit3A_1682 : i32 to vector<8x1024xi32>
    %select_n3A_1684 = arith.select %lt3A_1680, %broadcast_in_dim3A_1683, %select_n3A_1677 : vector<8x1024xi1>, vector<8x1024xi32>
    %slice3A_1685 = vector.extract_strided_slice %reshape3A {offsets = [240, 0, 0], sizes = [1, 8, 1024], strides = [1, 1, 1]} : vector<250x8x1024xf32> to vector<1x8x1024xf32>
    %squeeze3A_1686 = vector.shape_cast %slice3A_1685 : vector<1x8x1024xf32> to vector<8x1024xf32>
    %lt3A_1687 = arith.cmpf olt, %squeeze3A_1686, %min3A_1681 : vector<8x1024xf32>
    %min3A_1688 = arith.minimumf %min3A_1681, %squeeze3A_1686 : vector<8x1024xf32>
    %jit3A_1689 = arith.constant 240 : i32
    %broadcast_in_dim3A_1690 = vector.broadcast %jit3A_1689 : i32 to vector<8x1024xi32>
    %select_n3A_1691 = arith.select %lt3A_1687, %broadcast_in_dim3A_1690, %select_n3A_1684 : vector<8x1024xi1>, vector<8x1024xi32>
    %slice3A_1692 = vector.extract_strided_slice %reshape3A {offsets = [241, 0, 0], sizes = [1, 8, 1024], strides = [1, 1, 1]} : vector<250x8x1024xf32> to vector<1x8x1024xf32>
    %squeeze3A_1693 = vector.shape_cast %slice3A_1692 : vector<1x8x1024xf32> to vector<8x1024xf32>
    %lt3A_1694 = arith.cmpf olt, %squeeze3A_1693, %min3A_1688 : vector<8x1024xf32>
    %min3A_1695 = arith.minimumf %min3A_1688, %squeeze3A_1693 : vector<8x1024xf32>
    %jit3A_1696 = arith.constant 241 : i32
    %broadcast_in_dim3A_1697 = vector.broadcast %jit3A_1696 : i32 to vector<8x1024xi32>
    %select_n3A_1698 = arith.select %lt3A_1694, %broadcast_in_dim3A_1697, %select_n3A_1691 : vector<8x1024xi1>, vector<8x1024xi32>
    %slice3A_1699 = vector.extract_strided_slice %reshape3A {offsets = [242, 0, 0], sizes = [1, 8, 1024], strides = [1, 1, 1]} : vector<250x8x1024xf32> to vector<1x8x1024xf32>
    %squeeze3A_1700 = vector.shape_cast %slice3A_1699 : vector<1x8x1024xf32> to vector<8x1024xf32>
    %lt3A_1701 = arith.cmpf olt, %squeeze3A_1700, %min3A_1695 : vector<8x1024xf32>
    %min3A_1702 = arith.minimumf %min3A_1695, %squeeze3A_1700 : vector<8x1024xf32>
    %jit3A_1703 = arith.constant 242 : i32
    %broadcast_in_dim3A_1704 = vector.broadcast %jit3A_1703 : i32 to vector<8x1024xi32>
    %select_n3A_1705 = arith.select %lt3A_1701, %broadcast_in_dim3A_1704, %select_n3A_1698 : vector<8x1024xi1>, vector<8x1024xi32>
    %slice3A_1706 = vector.extract_strided_slice %reshape3A {offsets = [243, 0, 0], sizes = [1, 8, 1024], strides = [1, 1, 1]} : vector<250x8x1024xf32> to vector<1x8x1024xf32>
    %squeeze3A_1707 = vector.shape_cast %slice3A_1706 : vector<1x8x1024xf32> to vector<8x1024xf32>
    %lt3A_1708 = arith.cmpf olt, %squeeze3A_1707, %min3A_1702 : vector<8x1024xf32>
    %min3A_1709 = arith.minimumf %min3A_1702, %squeeze3A_1707 : vector<8x1024xf32>
    %jit3A_1710 = arith.constant 243 : i32
    %broadcast_in_dim3A_1711 = vector.broadcast %jit3A_1710 : i32 to vector<8x1024xi32>
    %select_n3A_1712 = arith.select %lt3A_1708, %broadcast_in_dim3A_1711, %select_n3A_1705 : vector<8x1024xi1>, vector<8x1024xi32>
    %slice3A_1713 = vector.extract_strided_slice %reshape3A {offsets = [244, 0, 0], sizes = [1, 8, 1024], strides = [1, 1, 1]} : vector<250x8x1024xf32> to vector<1x8x1024xf32>
    %squeeze3A_1714 = vector.shape_cast %slice3A_1713 : vector<1x8x1024xf32> to vector<8x1024xf32>
    %lt3A_1715 = arith.cmpf olt, %squeeze3A_1714, %min3A_1709 : vector<8x1024xf32>
    %min3A_1716 = arith.minimumf %min3A_1709, %squeeze3A_1714 : vector<8x1024xf32>
    %jit3A_1717 = arith.constant 244 : i32
    %broadcast_in_dim3A_1718 = vector.broadcast %jit3A_1717 : i32 to vector<8x1024xi32>
    %select_n3A_1719 = arith.select %lt3A_1715, %broadcast_in_dim3A_1718, %select_n3A_1712 : vector<8x1024xi1>, vector<8x1024xi32>
    %slice3A_1720 = vector.extract_strided_slice %reshape3A {offsets = [245, 0, 0], sizes = [1, 8, 1024], strides = [1, 1, 1]} : vector<250x8x1024xf32> to vector<1x8x1024xf32>
    %squeeze3A_1721 = vector.shape_cast %slice3A_1720 : vector<1x8x1024xf32> to vector<8x1024xf32>
    %lt3A_1722 = arith.cmpf olt, %squeeze3A_1721, %min3A_1716 : vector<8x1024xf32>
    %min3A_1723 = arith.minimumf %min3A_1716, %squeeze3A_1721 : vector<8x1024xf32>
    %jit3A_1724 = arith.constant 245 : i32
    %broadcast_in_dim3A_1725 = vector.broadcast %jit3A_1724 : i32 to vector<8x1024xi32>
    %select_n3A_1726 = arith.select %lt3A_1722, %broadcast_in_dim3A_1725, %select_n3A_1719 : vector<8x1024xi1>, vector<8x1024xi32>
    %slice3A_1727 = vector.extract_strided_slice %reshape3A {offsets = [246, 0, 0], sizes = [1, 8, 1024], strides = [1, 1, 1]} : vector<250x8x1024xf32> to vector<1x8x1024xf32>
    %squeeze3A_1728 = vector.shape_cast %slice3A_1727 : vector<1x8x1024xf32> to vector<8x1024xf32>
    %lt3A_1729 = arith.cmpf olt, %squeeze3A_1728, %min3A_1723 : vector<8x1024xf32>
    %min3A_1730 = arith.minimumf %min3A_1723, %squeeze3A_1728 : vector<8x1024xf32>
    %jit3A_1731 = arith.constant 246 : i32
    %broadcast_in_dim3A_1732 = vector.broadcast %jit3A_1731 : i32 to vector<8x1024xi32>
    %select_n3A_1733 = arith.select %lt3A_1729, %broadcast_in_dim3A_1732, %select_n3A_1726 : vector<8x1024xi1>, vector<8x1024xi32>
    %slice3A_1734 = vector.extract_strided_slice %reshape3A {offsets = [247, 0, 0], sizes = [1, 8, 1024], strides = [1, 1, 1]} : vector<250x8x1024xf32> to vector<1x8x1024xf32>
    %squeeze3A_1735 = vector.shape_cast %slice3A_1734 : vector<1x8x1024xf32> to vector<8x1024xf32>
    %lt3A_1736 = arith.cmpf olt, %squeeze3A_1735, %min3A_1730 : vector<8x1024xf32>
    %min3A_1737 = arith.minimumf %min3A_1730, %squeeze3A_1735 : vector<8x1024xf32>
    %jit3A_1738 = arith.constant 247 : i32
    %broadcast_in_dim3A_1739 = vector.broadcast %jit3A_1738 : i32 to vector<8x1024xi32>
    %select_n3A_1740 = arith.select %lt3A_1736, %broadcast_in_dim3A_1739, %select_n3A_1733 : vector<8x1024xi1>, vector<8x1024xi32>
    %slice3A_1741 = vector.extract_strided_slice %reshape3A {offsets = [248, 0, 0], sizes = [1, 8, 1024], strides = [1, 1, 1]} : vector<250x8x1024xf32> to vector<1x8x1024xf32>
    %squeeze3A_1742 = vector.shape_cast %slice3A_1741 : vector<1x8x1024xf32> to vector<8x1024xf32>
    %lt3A_1743 = arith.cmpf olt, %squeeze3A_1742, %min3A_1737 : vector<8x1024xf32>
    %min3A_1744 = arith.minimumf %min3A_1737, %squeeze3A_1742 : vector<8x1024xf32>
    %jit3A_1745 = arith.constant 248 : i32
    %broadcast_in_dim3A_1746 = vector.broadcast %jit3A_1745 : i32 to vector<8x1024xi32>
    %select_n3A_1747 = arith.select %lt3A_1743, %broadcast_in_dim3A_1746, %select_n3A_1740 : vector<8x1024xi1>, vector<8x1024xi32>
    %slice3A_1748 = vector.extract_strided_slice %reshape3A {offsets = [249, 0, 0], sizes = [1, 8, 1024], strides = [1, 1, 1]} : vector<250x8x1024xf32> to vector<1x8x1024xf32>
    %squeeze3A_1749 = vector.shape_cast %slice3A_1748 : vector<1x8x1024xf32> to vector<8x1024xf32>
    %lt3A_1750 = arith.cmpf olt, %squeeze3A_1749, %min3A_1744 : vector<8x1024xf32>
    %min3A_1751 = arith.minimumf %min3A_1744, %squeeze3A_1749 : vector<8x1024xf32>
    %jit3A_1752 = arith.constant 249 : i32
    %broadcast_in_dim3A_1753 = vector.broadcast %jit3A_1752 : i32 to vector<8x1024xi32>
    %select_n3A_1754 = arith.select %lt3A_1750, %broadcast_in_dim3A_1753, %select_n3A_1747 : vector<8x1024xi1>, vector<8x1024xi32>
    %iota3A = tpu.iota {dimensions = array<i32: 0>} : vector<8x1024xi32>
    %mul3A_1755 = arith.constant 8 : i32
    %mul3A_1756 = vector.broadcast %mul3A_1755 : i32 to vector<8x1024xi32>
    %mul3A_1757 = arith.muli %select_n3A_1754, %mul3A_1756 : vector<8x1024xi32>
    %add3A = arith.addi %mul3A_1757, %iota3A : vector<8x1024xi32>
    %mul3A_1758 = arith.constant 2000 : i32
    %mul3A_1759 = arith.muli %arg0, %mul3A_1758 : i32
    %add3A_1760 = vector.broadcast %mul3A_1759 : i32 to vector<8x1024xi32>
    %add3A_1761 = arith.addi %add3A, %add3A_1760 : vector<8x1024xi32>
    %eq3A = arith.constant 0 : i32
    %eq3A_1762 = arith.cmpi eq, %arg0, %eq3A : i32
    %convert_element_type3A = arith.extui %eq3A_1762 : i1 to i32
    %cond3A = arith.constant 0 : i32
    %cond3A_1763 = arith.cmpi ne, %convert_element_type3A, %cond3A : i32
    scf.if %cond3A_1763 {
      %swap3A_1781 = arith.constant 0 : index
      %swap3A_1782 = arith.constant 0 : index
      %swap3A_1783 = vector.load %arg7[%swap3A_1781, %swap3A_1782] : memref<8x1024xf32, #tpu.memory_space<vmem>>, vector<8x1024xf32>
      tpu.vector_store %arg7[%swap3A_1781, %swap3A_1782], %min3A_1751 {strides = array<i32>} : memref<8x1024xf32, #tpu.memory_space<vmem>>, vector<8x1024xf32>,
      %swap3A_1784 = arith.constant 0 : index
      %swap3A_1785 = arith.constant 0 : index
      %swap3A_1786 = vector.load %arg8[%swap3A_1784, %swap3A_1785] : memref<8x1024xi32, #tpu.memory_space<vmem>>, vector<8x1024xi32>
      tpu.vector_store %arg8[%swap3A_1784, %swap3A_1785], %add3A_1761 {strides = array<i32>} : memref<8x1024xi32, #tpu.memory_space<vmem>>, vector<8x1024xi32>,
    } else {
    }
    %gt3A = arith.constant 0 : i32
    %gt3A_1764 = arith.cmpi sgt, %arg0, %gt3A : i32
    %convert_element_type3A_1765 = arith.extui %gt3A_1764 : i1 to i32
    %cond3A_1766 = arith.constant 0 : i32
    %cond3A_1767 = arith.cmpi ne, %convert_element_type3A_1765, %cond3A_1766 : i32
    scf.if %cond3A_1767 {
      %get3A_1781 = arith.constant 0 : index
      %get3A_1782 = arith.constant 0 : index
      %get3A_1783 = vector.load %arg7[%get3A_1781, %get3A_1782] : memref<8x1024xf32, #tpu.memory_space<vmem>>, vector<8x1024xf32>
      %lt3A_1784 = arith.cmpf olt, %min3A_1751, %get3A_1783 : vector<8x1024xf32>
      %select_n3A_1785 = arith.select %lt3A_1784, %min3A_1751, %get3A_1783 : vector<8x1024xi1>, vector<8x1024xf32>
      %swap3A_1786 = arith.constant 0 : index
      %swap3A_1787 = arith.constant 0 : index
      %swap3A_1788 = vector.load %arg7[%swap3A_1786, %swap3A_1787] : memref<8x1024xf32, #tpu.memory_space<vmem>>, vector<8x1024xf32>
      tpu.vector_store %arg7[%swap3A_1786, %swap3A_1787], %select_n3A_1785 {strides = array<i32>} : memref<8x1024xf32, #tpu.memory_space<vmem>>, vector<8x1024xf32>,
      %get3A_1789 = arith.constant 0 : index
      %get3A_1790 = arith.constant 0 : index
      %get3A_1791 = vector.load %arg8[%get3A_1789, %get3A_1790] : memref<8x1024xi32, #tpu.memory_space<vmem>>, vector<8x1024xi32>
      %select_n3A_1792 = arith.select %lt3A_1784, %add3A_1761, %get3A_1791 : vector<8x1024xi1>, vector<8x1024xi32>
      %swap3A_1793 = arith.constant 0 : index
      %swap3A_1794 = arith.constant 0 : index
      %swap3A_1795 = vector.load %arg8[%swap3A_1793, %swap3A_1794] : memref<8x1024xi32, #tpu.memory_space<vmem>>, vector<8x1024xi32>
      tpu.vector_store %arg8[%swap3A_1793, %swap3A_1794], %select_n3A_1792 {strides = array<i32>} : memref<8x1024xi32, #tpu.memory_space<vmem>>, vector<8x1024xi32>,
    } else {
    }
    %swap3A = arith.constant 0 : index
    %swap3A_1768 = arith.constant 0 : index
    %swap3A_1769 = vector.load %arg5[%swap3A, %swap3A_1768] : memref<2000x128xf32, #tpu.memory_space<vmem>>, vector<2000x128xf32>
    tpu.vector_store %arg5[%swap3A, %swap3A_1768], %get3A_4 {strides = array<i32>} : memref<2000x128xf32, #tpu.memory_space<vmem>>, vector<2000x128xf32>,
    %get3A_1770 = arith.constant 0 : index
    %get3A_1771 = arith.constant 0 : index
    %get3A_1772 = vector.load %arg3[%get3A_1770, %get3A_1771] : memref<2000x128xf32, #tpu.memory_space<vmem>>, vector<2000x128xf32>
    %swap3A_1773 = arith.constant 0 : index
    %swap3A_1774 = arith.constant 0 : index
    %swap3A_1775 = vector.load %arg6[%swap3A_1773, %swap3A_1774] : memref<2000x128xf32, #tpu.memory_space<vmem>>, vector<2000x128xf32>
    tpu.vector_store %arg6[%swap3A_1773, %swap3A_1774], %get3A_1772 {strides = array<i32>} : memref<2000x128xf32, #tpu.memory_space<vmem>>, vector<2000x128xf32>,
    %eq3A_1776 = arith.constant 49 : i32
    %eq3A_1777 = arith.cmpi eq, %arg0, %eq3A_1776 : i32
    %convert_element_type3A_1778 = arith.extui %eq3A_1777 : i1 to i32
    %cond3A_1779 = arith.constant 0 : i32
    %cond3A_1780 = arith.cmpi ne, %convert_element_type3A_1778, %cond3A_1779 : i32
    scf.if %cond3A_1780 {
      %get3A_1781 = arith.constant 0 : index
      %get3A_1782 = arith.constant 0 : index
      %get3A_1783 = vector.load %arg7[%get3A_1781, %get3A_1782] : memref<8x1024xf32, #tpu.memory_space<vmem>>, vector<8x1024xf32>
      %get3A_1784 = arith.constant 0 : index
      %get3A_1785 = arith.constant 0 : index
      %get3A_1786 = vector.load %arg8[%get3A_1784, %get3A_1785] : memref<8x1024xi32, #tpu.memory_space<vmem>>, vector<8x1024xi32>
      %reduce_min3A = arith.constant dense<0x7F800000> : vector<1024xf32>
      %reduce_min3A_1787 = vector.multi_reduction <minimumf>, %get3A_1783, %reduce_min3A [0] : vector<8x1024xf32> to vector<1024xf32>
      %broadcast_in_dim3A_1788 = vector.shape_cast %reduce_min3A_1787 : vector<1024xf32> to vector<1x1024xf32>
      %eq3A_1789 = vector.broadcast %broadcast_in_dim3A_1788 : vector<1x1024xf32> to vector<8x1024xf32>
      %eq3A_1790 = arith.cmpf oeq, %get3A_1783, %eq3A_1789 : vector<8x1024xf32>
      %jit3A_1791 = arith.constant 2147483647 : i32
      %broadcast_in_dim3A_1792 = vector.broadcast %jit3A_1791 : i32 to vector<8x1024xi32>
      %select_n3A_1793 = arith.select %eq3A_1790, %get3A_1786, %broadcast_in_dim3A_1792 : vector<8x1024xi1>, vector<8x1024xi32>
      %reduce_min3A_1794 = arith.constant dense<2147483647> : vector<1024xi32>
      %reduce_min3A_1795 = vector.multi_reduction <minsi>, %select_n3A_1793, %reduce_min3A_1794 [0] : vector<8x1024xi32> to vector<1024xi32>
      %swap3A_1796 = arith.constant 0 : index
      %swap3A_1797 = vector.load %arg4[%swap3A_1796] : memref<1024xi32, #tpu.memory_space<vmem>>, vector<1024xi32>
      tpu.vector_store %arg4[%swap3A_1796], %reduce_min3A_1795 {strides = array<i32>} : memref<1024xi32, #tpu.memory_space<vmem>>, vector<1024xi32>,
    } else {
    }
    return
  }
  func.func @transform_0(%arg0: i32) -> (i32, i32) {
    %c0_i32 = arith.constant 0 : i32
    %c0_i32_0 = arith.constant 0 : i32
    %c0_i32_1 = arith.constant 0 : i32
    return %c0_i32, %c0_i32_0 : i32, i32
  }
  func.func @transform_1(%arg0: i32) -> (i32, i32) {
    %c0_i32 = arith.constant 0 : i32
    %c0_i32_0 = arith.constant 0 : i32
    return %arg0, %c0_i32 : i32, i32
  }
  func.func @transform_2(%arg0: i32) -> (i32, i32) {
    %c0_i32 = arith.constant 0 : i32
    %c0_i32_0 = arith.constant 0 : i32
    return %arg0, %c0_i32 : i32, i32
  }
  func.func @transform_3(%arg0: i32) -> i32 {
    %c0_i32 = arith.constant 0 : i32
    %c0_i32_0 = arith.constant 0 : i32
    return %c0_i32 : i32
  }
  func.func @transform_4(%arg0: i32) -> (i32, i32) {
    %c0_i32 = arith.constant 0 : i32
    %c0_i32_0 = arith.constant 0 : i32
    return %arg0, %c0_i32 : i32, i32
  }
  func.func @transform_5(%arg0: i32) -> (i32, i32) {
    %c0_i32 = arith.constant 0 : i32
    %c0_i32_0 = arith.constant 0 : i32
    return %arg0, %c0_i32 : i32, i32
  }
}

</mosaic_0001>

<sc_bundles>
// kernel: kernel.5.cloned.1.call-start
scs
__scs_entry_jumppad:
0x0: {  	(pc) =	sbr.rel $0x88, $3  }
0x1: {  	(tag) =	ssettag $0x0;
	lr =	simm.s32 $0x1  }
0x2: {  	[smem:$0x3F94] =	sst lr;
	_ =	strace $0xD0000000  }
0x3: {  	_ = 	snop  }
0x4: {  	_ = 	snop  }
0x5: {  	_ = 	snop  }
0x6: {  	_ = 	snop  }
0x7: {  	_ = 	snop  }
__scs_overlays_trampoline_lowered:
0x8: {  	[smem:$0x3FA3] =	sst s0  }
0x9: {  	[smem:$0x3FA4] =	sst s1  }
0xa: {  	[smem:$0x3FA5] =	sst s2  }
0xb: {  	[smem:$0x3FA6] =	sst s3  }
0xc: {  	[smem:$0x3FA7] =	sst s4  }
0xd: {  	[smem:$0x3FA8] =	sst s5  }
0xe: {  	[smem:$0x3FA9] =	sst s6  }
0xf: {  	[smem:$0x3FAA] =	sst s7  }
0x10: {  	[smem:$0x3FAB] =	sst s8  }
0x11: {  	[smem:$0x3FAC] =	sst s9;
	s0 =	simm.s32 @!p0 $0x0  }
0x12: {  	s1 =	sld [smem:$0x3F92];
	s0 =	simm.s32 @p0 $0x1  }
0x13: {  	[smem:$0x3FAD] =	sst s0;
	s0 =	simm.s32 @!p1 $0x0  }
0x14: {  	s2 =	sld [smem:$0x3F91];
	s0 =	simm.s32 @p1 $0x1  }
0x15: {  	[smem:$0x3FAE] =	sst s0;
	s0 =	simm.s32 @!p2 $0x0  }
0x16: {  	s3 =	sld [smem:$0x3FDB];
	s0 =	simm.s32 @p2 $0x1  }
0x17: {  	s4 =	simm.s32 $0x1BF5;
	[smem:$0x3FB0] =	sst s0  }
0x18: {  	s0 =	sld [smem:$0x3F93];
	_ =	swait.ge [sflag:s4], $0x0  }
0x19: {  	s7 =	sld [smem:$0x3F94]  }
0x1a: {  	s8 =	sadd.s32 $0xFFFFE003, lr  }
0x1b: {  	s9 =	sadd.s32 $0xFFFFFEF7, lr;
	s5 =	simm.s32 $0xFFFFFFFF;
	p2 =	slt.u32 s8, $0xFFFFF086  }
0x1c: {  	p1 =	slt.u32 s9, $0xF7A;
	s5 =	simm.s32 @!p2 $0x0  }
0x1d: {  	s5 =	simm.s32 @p1 $0x1;
	p0 =	seq.s32 s7, s2  }
0x1e: {  	s7 =	smul.u32 @!p0 $0xF7A, s2;
	p2 =	seq.s32 @!p0 s5, $0x0  }
0x1f: {  	s9 =	smul.u32 $0xF7A, s1;
	s8 =	simm.s32 @!p0 $0x1BF5;
	p2 =	por !p2, p0  }
0x20: {  	[sflag:s8] =	ssyncset.s32 @!p0 $0xFFFFF086;
	s6 =	sadd.s32 @!p0 s3, s7;
	s7 =	simm.s32 @!p0 $0x108  }
0x21: {  	s3 =	sadd.s32 s3, s9;
	s6 =	sadd.s32 @!p0 $0x88, s6;
	s7 =	simm.s32 @p2 $0x1082  }
0x22: {  	[simem:s7], [sflag:s8] =	dma.local @!p0 [hbm:s6], $0xF7A  }
0x23: {  	s9 =	sor.u32 $0xD0000000, s2;
	s6 =	simm.s32 $0x108;
	_ =	swait.ge @!p0 [sflag:s8], $0x0  }
0x24: {  	s3 =	sadd.s32 $0x88, s3;
	s6 =	simm.s32 @!p1 $0x1082;
	[sflag:s4] =	ssyncset.s32 $0xFFFFF086  }
0x25: {  	[simem:s6], [sflag:s4] =	dma.local [hbm:s3], $0xF7A  }
0x26: {  	[smem:$0x3F94] =	sst s1;
	(tag) =	ssettag s2;
	_ =	strace s9  }
0x27: {  	s1 =	sld [smem:$0x3FA4]  }
0x28: {  	s2 =	sld [smem:$0x3FA5]  }
0x29: {  	s4 =	sld [smem:$0x3FA7]  }
0x2a: {  	p0 =	seq.s32 s5, $0x0;
	s5 =	sld [smem:$0x3FA8]  }
0x2b: {  	s6 =	sld [smem:$0x3FA9]  }
0x2c: {  	s7 =	sld [smem:$0x3FAA]  }
0x2d: {  	s3 =	simm.s32 $0x108;
	s8 =	sld [smem:$0x3FAB]  }
0x2e: {  	s3 =	simm.s32 @!p0 $0x1082;
	s9 =	sld [smem:$0x3FAC]  }
0x2f: {  	lr =	sadd.s32 s0, s3;
	s0 =	sld [smem:$0x3FA3]  }
0x30: {  	s3 =	sld [smem:$0x3FA6]  }
0x31: {  	[smem:$0x3FAF] =	sst s10  }
0x32: {  	s10 =	sld [smem:$0x3FAD];
	_ =	sdelay $0x3  }
0x33: {  	p0 =	seq.s32 s10, $0x1;
	s10 =	sld [smem:$0x3FAF];
	_ =	sdelay $0x3  }
0x34: {  	[smem:$0x3FAF] =	sst s10  }
0x35: {  	s10 =	sld [smem:$0x3FAE];
	_ =	sdelay $0x3  }
0x36: {  	p1 =	seq.s32 s10, $0x1;
	s10 =	sld [smem:$0x3FAF];
	_ =	sdelay $0x3  }
0x37: {  	[smem:$0x3FAF] =	sst s10  }
0x38: {  	s10 =	sld [smem:$0x3FB0]  }
0x39: {  	_ = 	snop;
	(pc) =	sbr.ind lr, $3  }
0x3a: {  	_ = 	snop  }
0x3b: {  	_ = 	snop  }
0x3c: {  	p2 =	seq.s32 s10, $0x1;
	s10 =	sld [smem:$0x3FAF]  }
0x3d: {  	_ =	shalt  }
0x3e: {  	_ =	shalt  }
0x3f: {  	_ =	shalt  }
0x40: {  	_ =	shalt  }
0x41: {  	_ =	shalt  }
0x42: {  	_ =	shalt  }
0x43: {  	_ =	shalt  }
0x44: {  	_ =	shalt  }
0x45: {  	_ =	shalt  }
0x46: {  	_ =	shalt  }
0x47: {  	_ =	shalt  }
0x48: {  	_ =	shalt  }
0x49: {  	_ =	shalt  }
0x4a: {  	_ =	shalt  }
0x4b: {  	_ =	shalt  }
0x4c: {  	_ =	shalt  }
0x4d: {  	_ =	shalt  }
0x4e: {  	_ =	shalt  }
0x4f: {  	_ =	shalt  }
0x50: {  	_ =	shalt  }
0x51: {  	_ =	shalt  }
0x52: {  	_ =	shalt  }
0x53: {  	_ =	shalt  }
0x54: {  	_ =	shalt  }
0x55: {  	_ =	shalt  }
0x56: {  	_ =	shalt  }
0x57: {  	_ =	shalt  }
0x58: {  	_ =	shalt  }
0x59: {  	_ =	shalt  }
0x5a: {  	_ =	shalt  }
0x5b: {  	_ =	shalt  }
0x5c: {  	_ =	shalt  }
0x5d: {  	_ =	shalt  }
0x5e: {  	_ =	shalt  }
0x5f: {  	_ =	shalt  }
0x60: {  	_ =	shalt  }
0x61: {  	_ =	shalt  }
0x62: {  	_ =	shalt  }
0x63: {  	_ =	shalt  }
0x64: {  	_ =	shalt  }
0x65: {  	_ =	shalt  }
0x66: {  	_ =	shalt  }
0x67: {  	_ =	shalt  }
0x68: {  	_ =	shalt  }
0x69: {  	_ =	shalt  }
0x6a: {  	_ =	shalt  }
0x6b: {  	_ =	shalt  }
0x6c: {  	_ =	shalt  }
0x6d: {  	_ =	shalt  }
0x6e: {  	_ =	shalt  }
0x6f: {  	_ =	shalt  }
0x70: {  	_ =	shalt  }
0x71: {  	_ =	shalt  }
0x72: {  	_ =	shalt  }
0x73: {  	_ =	shalt  }
0x74: {  	_ =	shalt  }
0x75: {  	_ =	shalt  }
0x76: {  	_ =	shalt  }
0x77: {  	_ =	shalt  }
0x78: {  	_ =	shalt  }
0x79: {  	_ =	shalt  }
0x7a: {  	_ =	shalt  }
0x7b: {  	_ =	shalt  }
0x7c: {  	_ =	shalt  }
0x7d: {  	_ =	shalt  }
0x7e: {  	_ =	shalt  }
0x7f: {  	_ =	shalt  }
0x80: {  	_ =	shalt  }
0x81: {  	_ =	shalt  }
0x82: {  	_ =	shalt  }
0x83: {  	_ =	shalt  }
0x84: {  	_ =	shalt  }
0x85: {  	_ =	shalt  }
0x86: {  	_ =	shalt  }
0x87: {  	_ =	shalt  }
.Lfunc_end0:
.L_simem_size_0:
called_computation_lowered:
.L_overlay_start_0:
0x88: {  	s2 =	sld [smem:$0x3FD9]  }
0x89: {  	s3 =	sld [smem:$0x3FFE];
	_ =	sdelay $0x1  }
0x8a: {  	s1 =	srdreg.scid  }
0x8b: {  	s0 =	sand.u32 $0x1, s1  }
0x8c: {  	s14 =	sshll.u32 s0, $0xA;
	s2 =	sadd.s32 s3, s2  }
0x8d: {  	s2 =	sadd.s32 s2, s14  }
0x8e: {  	[smem:$0x3FBB] =	sst s2  }
0x8f: {  	_ = 	snop  }
0x90: {  	s2 =	sld [smem:$0x3FD0];
	_ =	sdelay $0x2  }
0x91: {  	s5 =	simm.s32 $0xA  }
0x92: {  	s6 =	simm.s32 $0x10;
	s15 =	sld [smem:$0x3FBD];
	s4 =	sadd.s32 $0x1, s2  }
0x93: {  	[smem:s6], [sflag:s5] =	dma.local [hbm:s4], $0x1  }
0x94: {  	_ =	swait.eq [sflag:s5], $0x1  }
0x95: {  	[sflag:s5] =	ssyncset.done $0x0  }
0x96: {  	[sflag:s5] =	ssyncadd.s32 $0xFFFFFFFF  }
0x97: {  	s16 =	sld [smem:$0x11]  }
0x98: {  	[smem:s6], [sflag:s5] =	dma.local [hbm:s2], $0x1  }
0x99: {  	_ =	swait.eq [sflag:s5], $0x1  }
0x9a: {  	[sflag:s5] =	ssyncset.done $0x0  }
0x9b: {  	[sflag:s5] =	ssyncadd.s32 $0xFFFFFFFF  }
0x9c: {  	s17 =	sld [smem:$0x12];
	(tm) =	ssettm $0x1  }
0x9d: {  	s18 =	sld [smem:$0x3FFB];
	_ =	sdelay $0x3  }
0x9e: {  	_ =	strace s18  }
0x9f: {  	s5 =	sld [smem:$0x3FFC];
	_ =	sdelay $0x3  }
0xa0: {  	_ =	strace s5  }
0xa1: {  	s5 =	sld [smem:$0x3FFD];
	_ =	sdelay $0x3  }
0xa2: {  	_ =	strace s5  }
0xa3: {  	_ =	strace $0x8FFFFFFF  }
0xa4: {  	s19 =	sld [smem:$0x3FDB];
	_ =	sdelay $0x1  }
0xa5: {  	s20 =	simm.s32 $_scs_section_size  }
0xa6: {  	s7 =	simm.s32 $_size__tile_overlayer_lowered;
	s8 =	simm.s32 $_tile_overlayer_lowered  }
0xa7: {  	s23 =	simm.s32 $0x1BFF;
	s22 =	sshll.u32 s8, $0x1;
	s5 =	sadd.s32 s20, s19  }
0xa8: {  	s9 =	simm.s32 $0x0;
	s21 =	sshll.u32 s7, $0x1;
	s7 =	sadd.s32 s22, s5  }
0xa9: {  	[timem:s9], [sflag:s23] =	dma.local [hbm:s7], s21  }
0xaa: {  	_ =	swait.ge [sflag:s23], s21  }
0xab: {  	s6 =	ssub.s32 $0x0, s21;
	[sflag:s23] =	ssyncset.done $0x0  }
0xac: {  	[sflag:s23] =	ssyncadd.s32 s6;
	_ =	sdelay $0x1  }
0xad: {  	s24 =	simm.s32 $0x1B8B  }
0xae: {  	_ =	swait.ge [sflag:s24], $0x1  }
0xaf: {  	[sflag:s24] =	ssyncset.done $0x0  }
0xb0: {  	s25 =	simm.s32 $0x1B8E;
	[sflag:s24] =	ssyncadd.s32 $0xFFFFFFFF  }
0xb1: {  	s26 =	simm.s32 $execute0_lowered;
	[smem:$0x3FD2] =	sst s25  }
0xb2: {  	s6 =	sshll.u32 s26, $0x1;
	_ =	strace $0x80000046;
	[dreg:$0x1] =	wrdreg $0xFFFFFFFF  }
0xb3: {  	s28 =	simm.s32 $_size_execute0_lowered;
	s5 =	sadd.s32 s5, s6;
	[dreg:$0x0] =	wrdreg $0x0  }
0xb4: {  	s6 =	sshll.u32 s28, $0x1;
	[dreg:$0x2] =	wrdreg s5  }
0xb5: {  	[dreg:$0x3] =	wrdreg s6  }
0xb6: {  	[dreg:$0x4] =	wrdreg $0xC0  }
0xb7: {  	_ =	task [dreg:s9], $0x5FFFF  }
0xb8: {  	[dreg:$0x1] =	wrdreg $0xFFFFFFFF  }
0xb9: {  	[dreg:$0x0] =	wrdreg $0x60  }
0xba: {  	[dreg:$0x2] =	wrdreg s15  }
0xbb: {  	[dreg:$0x3] =	wrdreg s17  }
0xbc: {  	[dreg:$0x4] =	wrdreg s16  }
0xbd: {  	[dreg:$0x5] =	wrdreg $0x9  }
0xbe: {  	_ =	task.clear_ibuf [dreg:s9], $0x6FFFF;
	_ =	strace $0x90000046  }
0xbf: {  	s29 =	simm.s32 $0x9;
	_ =	strace $0x80000048  }
0xc0: {  	_ =	swait.ge [sflag:s29], $0x1  }
0xc1: {  	[sflag:s29] =	ssyncadd.s32 $0xFFFFFFFF  }
0xc2: {  	_ =	strace $0x90000048  }
0xc3: {  	_ =	sfence  }
0xc4: {  	s30 =	sld [smem:$0x0];
	_ =	sdelay $0x2  }
0xc5: {  	s31 =	sshll.u32 s1, $0xD;
	s1 =	sshrl.u32 s1, $0x2  }
0xc6: {  	s3 =	sand.u32 $0x4000, s31;
	s1 =	sadd.s32 s1, s30  }
0xc7: {  	s0 =	sor.u32 s3, s0;
	s1 =	sshll.u32 s1, $0x11  }
0xc8: {  	s0 =	sor.u32 s1, s0  }
0xc9: {  	s0 =	sadd.s32 $0x8F2B, s0  }
0xca: {  	[sflag:s0] =	ssyncadd.remote.s32 $0x1  }
0xcb: {  	_ =	sfence.sel $0xFFFF  }
0xcc: {  	[dreg:$0x0] =	wrdreg $0xFFFFFFFF;
	(pc) =	sbr.abs _section_cstart, $3  }
0xcd: {  	[dreg:$0x1] =	wrdreg $0xFFFFFFFF  }
0xce: {  	_ =	task.clear_ibuf [dreg:s9], $0x2FFFF;
	_ =	strace $0x9FFFFFFF  }
0xcf: {  	(tm) =	ssettm $0x7FFFFFFF  }
tec
execute0_lowered:
.L_overlay_start_1:
0x0: {  	(tag) =	ssettag $0x1  }
0x1: {  	s1 =	rddreg [dreg:$0x0]  }
0x2: {  	s2 =	srdreg.scid;
	s4 =	rddreg [dreg:$0x1]  }
0x3: {  	s0 =	stileid.u32;
	s9 =	rddreg [dreg:$0x2];
	s6 =	sand.u32 $0x1, s2  }
0x4: {  	s3 =	simm.s32 $0x0;
	s5 =	sshll.u32 s0, $0x6;
	s7 =	sshll.u32 s6, $0x5  }
0x5: {  	[smem:$0x7FF] =	sst s3;
	s10 =	sor.u32 s7, s5  }
0x6: {  	s2 =	rddreg [dreg:$0x3];
	_ =	strace $0x80000047;
	s5 =	sshrl.u32 s10, $0x3  }
0x7: {  	s11 =	ssub.s32 $0x2, s6;
	s5 =	sadd.s32 s4, s5;
	s4 =	simm.s32 $0x2  }
0x8: {  	[tilespmem:s3], [sflag:$0x2] =	stream.linear.gather [hbm4b:s5+s3], $0x20, $0x38;
	[tilespmem:$0x1080] =	vst v63  }
0x9: {  	s8 =	simm.s32 $0x1;
	s12 =	sshrl.u32 s11, $0x1;
	_ =	swait.ge [sflag:s4], $0x20  }
0xa: {  	s6 =	simm.s32 $0x20;
	s11 =	ssub.s32 s11, s12;
	[sflag:s4] =	ssyncset.done $0x0  }
0xb: {  	s7 =	simm.s32 $0x80;
	s31 =	smax.u32 s11, $0x1;
	[sflag:s4] =	ssyncadd.s32 $0xFFFFFFE0  }
0xc: {  	[tilespmem:s7], [sflag:$0x1] =	stream.indirect.gather [hbm4b:s1+s6], $0x80, s3, s6, $0xb8;
	[tilespmem:$0x1080] =	vst v63  }
0xd: {  	p0 =	sne.s32 s31, $0x1;
	_ =	swait.ge [sflag:s8], $0x1000  }
.Ltmp0:
0xe: {  	s10 =	sshll.u32 s10, $0x4;
	[sflag:s8] =	ssyncset.done $0x0;
	(pc) =	sbr.rel @!p0 .LBB2_2-.Ltmp0, $4  }
0xf: {  	s9 =	sadd.s32 s9, s10;
	[sflag:s8] =	ssyncadd.s32 $0xFFFFF000  }
0x10: {  	[hbm4b:s9+s3] =	stream.linear.scatter [tilespmem:s7], [sflag:$0x2], $0x1000, $0x38;
	[tilespmem:$0x1080] =	vst v63  }
0x11: {  	_ =	swait.ge [sflag:s4], $0x1000  }
0x12: {  	s10 =	sadd.s32 $0xFFFFFFFF, s31;
	[sflag:s4] =	ssyncset.done $0x0  }
.LBB2_1:
0x13: {  	p0 =	sne.s32 s10, $0x1;
	s10 =	sadd.s32 $0xFFFFFFFF, s10;
	[sflag:s4] =	ssyncadd.s32 $0xFFFFF000  }
0x14: {  	[tilespmem:s3], [sflag:$0x2] =	stream.linear.gather [hbm4b:s5+s3], $0x20, $0x38;
	[tilespmem:$0x1080] =	vst v63  }
0x15: {  	_ =	swait.ge [sflag:s4], $0x20  }
0x16: {  	[sflag:s4] =	ssyncset.done $0x0  }
0x17: {  	[sflag:s4] =	ssyncadd.s32 $0xFFFFFFE0  }
0x18: {  	[tilespmem:s7], [sflag:$0x1] =	stream.indirect.gather [hbm4b:s1+s6], $0x80, s3, s6, $0xb8;
	[tilespmem:$0x1080] =	vst v63  }
0x19: {  	_ =	swait.ge [sflag:s8], $0x1000  }
.Ltmp1:
0x1a: {  	[sflag:s8] =	ssyncset.done $0x0;
	(pc) =	sbr.rel @p0 .LBB2_1-.Ltmp1, $4  }
0x1b: {  	[sflag:s8] =	ssyncadd.s32 $0xFFFFF000  }
0x1c: {  	[hbm4b:s9+s3] =	stream.linear.scatter [tilespmem:s7], [sflag:$0x2], $0x1000, $0x38;
	[tilespmem:$0x1080] =	vst v63  }
0x1d: {  	_ =	swait.ge [sflag:s4], $0x1000  }
0x1e: {  	[sflag:s4] =	ssyncset.done $0x0  }
.LBB2_2:
0x1f: {  	[sflag:s4] =	ssyncadd.s32 $0xFFFFF000  }
0x20: {  	_ =	sfence.sel $0x180000  }
0x21: {  	[bflag:$0x0] =	sbarrier.arrive $0xFFFF  }
0x22: {  	p0 =	sne.s32 s0, $0x0;
	_ =	strace $0x90000047  }
0x23: {  	s0 =	sadd.s32 @!p0 $0x100000, s2;
	[bflag:$0x2] =	sbarrier.arrive $0xFFFF  }
0x24: {  	[sflag:s0] =	ssyncadd.tile.s32 @!p0 $0x1;
	_ =	shalt  }
.Lfunc_end2:
_tile_overlayer_lowered:
.L_overlay_start_2:
0x25: {  	(tag) =	ssettag $0x2  }
0x26: {  	s0 =	rddreg [dreg:$0x0];
	s2 =	stileid.u32  }
0x27: {  	s1 =	rddreg [dreg:$0x1];
	p0 =	sne.s32 s2, $0x0  }
0x28: {  	s3 =	rddreg [dreg:$0x2];
	[bflag:$0x3] =	sbarrier.arrive $0xFFFF;
	s2 =	simm.s32 @!p0 $0x1C02  }
0x29: {  	[timem:s3], [sflag:s2] =	dma.local @!p0 [hbm:s0], s1  }
0x2a: {  	s0 =	simm.s32 @!p0 $0x2  }
0x2b: {  	_ =	swait.ge @!p0 [sflag:s0], s1  }
0x2c: {  	s1 =	ssub.s32 @!p0 $0x0, s1;
	[sflag:s0] =	ssyncset.done @!p0 $0x0  }
0x2d: {  	[sflag:s0] =	ssyncadd.s32 @!p0 s1  }
0x2e: {  	[bflag:$0x3] =	sbarrier.arrive $0xFFFF  }
0x2f: {  	_ =	shalt  }

</sc_bundles>
